<compile_context>
chip_gen: v7x
topology: tpu7x:2x2x1
jax: 0.10.2.dev20260603
libtpu: 0.0.44.dev20260713+nightly
codegen_flags: <defaults>
</compile_context>

<pallas_src>
import functools

import jax
import jax.numpy as jnp
from jax import lax
from jax.experimental import pallas as pl
from jax.experimental.pallas import tpu as pltpu
from jax.experimental.pallas import tpu_sc as plsc

NC = 2
NS = 16
NW = NC * NS

RBLK = 16


def _make_gather(n_rows: int, n_cols: int, dim: int):
  assert n_rows % (NW * RBLK) == 0
  rows_per_w = n_rows // NW
  n_blk = rows_per_w // RBLK
  assert n_blk % 2 == 0 and n_blk >= 4

  mesh = plsc.VectorSubcoreMesh(core_axis_name="c", subcore_axis_name="s")

  @functools.partial(
      pl.kernel,
      mesh=mesh,
      compiler_params=pltpu.CompilerParams(use_tc_tiling_on_sc=False),
      out_type=jax.ShapeDtypeStruct((n_rows, n_cols, dim), jnp.float32),
      scratch_types=[
          pltpu.VMEM((rows_per_w, n_cols), jnp.int32),
          pltpu.VMEM((2, RBLK, n_cols, dim), jnp.float32),
          pltpu.SemaphoreType.DMA,
          pltpu.SemaphoreType.DMA,
          pltpu.SemaphoreType.DMA,
          pltpu.SemaphoreType.DMA,
      ],
  )
  def gather_kernel(idx_hbm, table_hbm, out_hbm, idx_v, rows_v,
                    gsem0, gsem1, osem0, osem1):
    wid = lax.axis_index("s") * NC + lax.axis_index("c")
    row0 = wid * rows_per_w
    gsem = (gsem0, gsem1)
    osem = (osem0, osem1)

    pltpu.sync_copy(idx_hbm.at[pl.ds(row0, rows_per_w), :], idx_v)

    def fire_gather(j, b):
      for r in range(RBLK):
        pltpu.async_copy(
            table_hbm.at[idx_v.at[j * RBLK + r]],
            rows_v.at[b].at[r], gsem[b])

    def drain_gather(b):
      pltpu.make_async_copy(
          out_hbm.at[pl.ds(row0, RBLK), :, :], rows_v.at[b], gsem[b]).wait()

    def fire_writeback(j, b):
      pltpu.async_copy(
          rows_v.at[b], out_hbm.at[pl.ds(row0 + j * RBLK, RBLK), :, :],
          osem[b])

    def drain_writeback(b):
      pltpu.make_async_copy(
          rows_v.at[b], out_hbm.at[pl.ds(row0, RBLK), :, :], osem[b]).wait()

    fire_gather(0, 0)
    fire_gather(1, 1)
    drain_gather(0)
    fire_writeback(0, 0)

    @pl.loop(2, n_blk, step=2)
    def _steady(i):
      for b in range(2):
        j = i + b
        drain_writeback(b)
        fire_gather(j, b)
        drain_gather(1 - b)
        fire_writeback(j - 1, 1 - b)

    drain_gather(1)
    fire_writeback(n_blk - 1, 1)
    drain_writeback(0)
    drain_writeback(1)

  return gather_kernel


def kernel(indices, items_emb):
  n_rows, n_cols = indices.shape
  m, dim = items_emb.shape
  return _make_gather(n_rows, n_cols, dim)(
      indices.astype(jnp.int32), items_emb)

# --- scband reference (transcript-rebuilt; emitter-appended) ---
"""Pipeline reference for scband-fed-rec-server-33122787787669 (READ-ONLY COPY).

The authoritative reference and input builder live on the scoring server;
editing this copy changes nothing except your own understanding.
"""

import jax, jax.numpy as jnp
import numpy as np

M_ITEM = 1000000
DIM = 32

def setup_inputs(seed: int = 0) -> dict:
    key = jax.random.key(seed)
    k_idx, k_tab = jax.random.split(key)
    indices = jax.random.randint(k_idx, (16384, 50), 0, M_ITEM, dtype=jnp.int64 if jax.config.jax_enable_x64 else jnp.int32)
    items_emb = 0.01 * jax.random.normal(k_tab, (M_ITEM, DIM), dtype=jnp.float32)
    return {"indices": indices, "items_emb": items_emb}

def reference(indices, items_emb):
    # FedRecServer item embedding lookup: items_emb(indices)
    return jnp.take(items_emb, indices, axis=0)

if __name__ == "__main__":
    import jax
    _d = setup_inputs()
    print(jax.jit(kernel)(*tuple(_d.values())))

</pallas_src>

<mosaic_0001>
#map = affine_map<(d0, d1) -> (0, 0)>
#map1 = affine_map<(d0, d1) -> (0, 0, 0)>
module attributes {stable_mosaic.version = 14 : i64} {
  func.func @gather_kernel(%arg0: i32, %arg1: i32, %arg2: memref<16384x50xi32, #tpu.memory_space<hbm>>, %arg3: memref<1000000x32xf32, #tpu.memory_space<hbm>>, %arg4: memref<16384x50x32xf32, #tpu.memory_space<hbm>>, %arg5: memref<512x50xi32, #tpu.memory_space<vmem>>, %arg6: memref<2x16x50x32xf32, #tpu.memory_space<vmem>>, %arg7: memref<!tpu.dma_semaphore, #tpu.memory_space<semaphore_mem>>, %arg8: memref<!tpu.dma_semaphore, #tpu.memory_space<semaphore_mem>>, %arg9: memref<!tpu.dma_semaphore, #tpu.memory_space<semaphore_mem>>, %arg10: memref<!tpu.dma_semaphore, #tpu.memory_space<semaphore_mem>>) attributes {dimension_semantics = [#tpu.dimension_semantics<core_parallel>, #tpu.dimension_semantics<subcore_parallel>], iteration_bounds = array<i64: 2, 16>, scalar_prefetch = 0 : i64, scratch_operands = 6 : i64, tpu.core_type = #tpu.core_type<sc_vector_subcore>, window_params = [{transform_indices = #map}, {transform_indices = #map}, {transform_indices = #map1}]} {
    %mul3A = arith.constant 2 : i32
    %mul3A_0 = arith.muli %arg1, %mul3A : i32
    %add3A = arith.addi %mul3A_0, %arg0 : i32
    %mul3A_1 = arith.constant 512 : i32
    %mul3A_2 = arith.muli %add3A, %mul3A_1 : i32
    "tpu.region"() ({
      %run_scoped3A = tpu.sem_alloc : memref<!tpu.dma_semaphore, #tpu.memory_space<semaphore_mem>>
      %dma_start3A_687 = arith.constant 0 : i32
      %dma_start3A_688 = tpu.memref_slice %arg2[%mul3A_2, %dma_start3A_687] : memref<16384x50xi32, #tpu.memory_space<hbm>> -> memref<512x50xi32, #tpu.memory_space<hbm>>
      %dma_start3A_689 = arith.constant 0 : i32
      %dma_start3A_690 = tpu.memref_slice %arg2[%mul3A_2, %dma_start3A_689] : memref<16384x50xi32, #tpu.memory_space<hbm>> -> memref<512x50xi32, #tpu.memory_space<hbm>>
      tpu.enqueue_dma source(%dma_start3A_690 : memref<512x50xi32, #tpu.memory_space<hbm>>) target(%arg5 : memref<512x50xi32, #tpu.memory_space<vmem>>) target_semaphore(%run_scoped3A : memref<!tpu.dma_semaphore, #tpu.memory_space<semaphore_mem>>)
      %dma_wait3A_691 = arith.constant 0 : i32
      %dma_wait3A_692 = tpu.memref_slice %arg2[%mul3A_2, %dma_wait3A_691] : memref<16384x50xi32, #tpu.memory_space<hbm>> -> memref<512x50xi32, #tpu.memory_space<hbm>>
      %dma_wait3A_693 = arith.constant 0 : i32
      %dma_wait3A_694 = tpu.memref_slice %arg2[%mul3A_2, %dma_wait3A_693] : memref<16384x50xi32, #tpu.memory_space<hbm>> -> memref<512x50xi32, #tpu.memory_space<hbm>>
      tpu.wait_dma2 semaphore(%run_scoped3A : memref<!tpu.dma_semaphore, #tpu.memory_space<semaphore_mem>>) src(%dma_wait3A_694 : memref<512x50xi32, #tpu.memory_space<hbm>>) dst(%arg5 : memref<512x50xi32, #tpu.memory_space<vmem>>)
      tpu.yield
    }) : () -> ()
    %dma_start3A = arith.constant 0 : i32
    %dma_start3A_3 = arith.constant 0 : i32
    %dma_start3A_4 = arith.constant 0 : i32
    %dma_start3A_5 = arith.constant 0 : i32
    %dma_start3A_6 = arith.constant 0 : i32
    %dma_start3A_7 = arith.constant 0 : i32
    %dma_start3A_8 = tpu.memref_slice %arg6[%dma_start3A_3, %dma_start3A_5, %dma_start3A_6, %dma_start3A_7] : memref<2x16x50x32xf32, #tpu.memory_space<vmem>> -> memref<1x16x50x32xf32, #tpu.memory_space<vmem>>
    %dma_start3A_9 = tpu.memref_squeeze %dma_start3A_8 : memref<1x16x50x32xf32, #tpu.memory_space<vmem>> -> memref<16x50x32xf32, #tpu.memory_space<vmem>>
    %dma_start3A_10 = arith.constant 0 : i32
    %dma_start3A_11 = arith.constant 0 : i32
    %dma_start3A_12 = tpu.memref_slice %dma_start3A_9[%dma_start3A_4, %dma_start3A_10, %dma_start3A_11] : memref<16x50x32xf32, #tpu.memory_space<vmem>> -> memref<1x50x32xf32, #tpu.memory_space<vmem>>
    %dma_start3A_13 = tpu.memref_squeeze %dma_start3A_12 : memref<1x50x32xf32, #tpu.memory_space<vmem>> -> memref<50x32xf32, #tpu.memory_space<vmem>>
    %dma_start3A_14 = arith.constant 0 : i32
    %dma_start3A_15 = tpu.memref_slice %arg5[%dma_start3A, %dma_start3A_14] : memref<512x50xi32, #tpu.memory_space<vmem>> -> memref<1x50xi32, #tpu.memory_space<vmem>>
    %dma_start3A_16 = tpu.memref_squeeze %dma_start3A_15 : memref<1x50xi32, #tpu.memory_space<vmem>> -> memref<50xi32, #tpu.memory_space<vmem>>
    %dma_start3A_17 = arith.constant 0 : i32
    %dma_start3A_18 = arith.constant 0 : i32
    %dma_start3A_19 = tpu.memref_slice %arg3[%dma_start3A_17, %dma_start3A_18] : memref<1000000x32xf32, #tpu.memory_space<hbm>> -> memref<1000000x32xf32, #tpu.memory_space<hbm>>
    tpu.enqueue_indirect_dma source(%dma_start3A_19 : memref<1000000x32xf32, #tpu.memory_space<hbm>>) target(%dma_start3A_13 : memref<50x32xf32, #tpu.memory_space<vmem>>) offsets(%dma_start3A_16 : memref<50xi32, #tpu.memory_space<vmem>>) semaphore(%arg7 : memref<!tpu.dma_semaphore, #tpu.memory_space<semaphore_mem>>)
    %dma_start3A_20 = arith.constant 1 : i32
    %dma_start3A_21 = arith.constant 0 : i32
    %dma_start3A_22 = arith.constant 1 : i32
    %dma_start3A_23 = arith.constant 0 : i32
    %dma_start3A_24 = arith.constant 0 : i32
    %dma_start3A_25 = arith.constant 0 : i32
    %dma_start3A_26 = tpu.memref_slice %arg6[%dma_start3A_21, %dma_start3A_23, %dma_start3A_24, %dma_start3A_25] : memref<2x16x50x32xf32, #tpu.memory_space<vmem>> -> memref<1x16x50x32xf32, #tpu.memory_space<vmem>>
    %dma_start3A_27 = tpu.memref_squeeze %dma_start3A_26 : memref<1x16x50x32xf32, #tpu.memory_space<vmem>> -> memref<16x50x32xf32, #tpu.memory_space<vmem>>
    %dma_start3A_28 = arith.constant 0 : i32
    %dma_start3A_29 = arith.constant 0 : i32
    %dma_start3A_30 = tpu.memref_slice %dma_start3A_27[%dma_start3A_22, %dma_start3A_28, %dma_start3A_29] : memref<16x50x32xf32, #tpu.memory_space<vmem>> -> memref<1x50x32xf32, #tpu.memory_space<vmem>>
    %dma_start3A_31 = tpu.memref_squeeze %dma_start3A_30 : memref<1x50x32xf32, #tpu.memory_space<vmem>> -> memref<50x32xf32, #tpu.memory_space<vmem>>
    %dma_start3A_32 = arith.constant 0 : i32
    %dma_start3A_33 = tpu.memref_slice %arg5[%dma_start3A_20, %dma_start3A_32] : memref<512x50xi32, #tpu.memory_space<vmem>> -> memref<1x50xi32, #tpu.memory_space<vmem>>
    %dma_start3A_34 = tpu.memref_squeeze %dma_start3A_33 : memref<1x50xi32, #tpu.memory_space<vmem>> -> memref<50xi32, #tpu.memory_space<vmem>>
    %dma_start3A_35 = arith.constant 0 : i32
    %dma_start3A_36 = arith.constant 0 : i32
    %dma_start3A_37 = tpu.memref_slice %arg3[%dma_start3A_35, %dma_start3A_36] : memref<1000000x32xf32, #tpu.memory_space<hbm>> -> memref<1000000x32xf32, #tpu.memory_space<hbm>>
    tpu.enqueue_indirect_dma source(%dma_start3A_37 : memref<1000000x32xf32, #tpu.memory_space<hbm>>) target(%dma_start3A_31 : memref<50x32xf32, #tpu.memory_space<vmem>>) offsets(%dma_start3A_34 : memref<50xi32, #tpu.memory_space<vmem>>) semaphore(%arg7 : memref<!tpu.dma_semaphore, #tpu.memory_space<semaphore_mem>>)
    %dma_start3A_38 = arith.constant 2 : i32
    %dma_start3A_39 = arith.constant 0 : i32
    %dma_start3A_40 = arith.constant 2 : i32
    %dma_start3A_41 = arith.constant 0 : i32
    %dma_start3A_42 = arith.constant 0 : i32
    %dma_start3A_43 = arith.constant 0 : i32
    %dma_start3A_44 = tpu.memref_slice %arg6[%dma_start3A_39, %dma_start3A_41, %dma_start3A_42, %dma_start3A_43] : memref<2x16x50x32xf32, #tpu.memory_space<vmem>> -> memref<1x16x50x32xf32, #tpu.memory_space<vmem>>
    %dma_start3A_45 = tpu.memref_squeeze %dma_start3A_44 : memref<1x16x50x32xf32, #tpu.memory_space<vmem>> -> memref<16x50x32xf32, #tpu.memory_space<vmem>>
    %dma_start3A_46 = arith.constant 0 : i32
    %dma_start3A_47 = arith.constant 0 : i32
    %dma_start3A_48 = tpu.memref_slice %dma_start3A_45[%dma_start3A_40, %dma_start3A_46, %dma_start3A_47] : memref<16x50x32xf32, #tpu.memory_space<vmem>> -> memref<1x50x32xf32, #tpu.memory_space<vmem>>
    %dma_start3A_49 = tpu.memref_squeeze %dma_start3A_48 : memref<1x50x32xf32, #tpu.memory_space<vmem>> -> memref<50x32xf32, #tpu.memory_space<vmem>>
    %dma_start3A_50 = arith.constant 0 : i32
    %dma_start3A_51 = tpu.memref_slice %arg5[%dma_start3A_38, %dma_start3A_50] : memref<512x50xi32, #tpu.memory_space<vmem>> -> memref<1x50xi32, #tpu.memory_space<vmem>>
    %dma_start3A_52 = tpu.memref_squeeze %dma_start3A_51 : memref<1x50xi32, #tpu.memory_space<vmem>> -> memref<50xi32, #tpu.memory_space<vmem>>
    %dma_start3A_53 = arith.constant 0 : i32
    %dma_start3A_54 = arith.constant 0 : i32
    %dma_start3A_55 = tpu.memref_slice %arg3[%dma_start3A_53, %dma_start3A_54] : memref<1000000x32xf32, #tpu.memory_space<hbm>> -> memref<1000000x32xf32, #tpu.memory_space<hbm>>
    tpu.enqueue_indirect_dma source(%dma_start3A_55 : memref<1000000x32xf32, #tpu.memory_space<hbm>>) target(%dma_start3A_49 : memref<50x32xf32, #tpu.memory_space<vmem>>) offsets(%dma_start3A_52 : memref<50xi32, #tpu.memory_space<vmem>>) semaphore(%arg7 : memref<!tpu.dma_semaphore, #tpu.memory_space<semaphore_mem>>)
    %dma_start3A_56 = arith.constant 3 : i32
    %dma_start3A_57 = arith.constant 0 : i32
    %dma_start3A_58 = arith.constant 3 : i32
    %dma_start3A_59 = arith.constant 0 : i32
    %dma_start3A_60 = arith.constant 0 : i32
    %dma_start3A_61 = arith.constant 0 : i32
    %dma_start3A_62 = tpu.memref_slice %arg6[%dma_start3A_57, %dma_start3A_59, %dma_start3A_60, %dma_start3A_61] : memref<2x16x50x32xf32, #tpu.memory_space<vmem>> -> memref<1x16x50x32xf32, #tpu.memory_space<vmem>>
    %dma_start3A_63 = tpu.memref_squeeze %dma_start3A_62 : memref<1x16x50x32xf32, #tpu.memory_space<vmem>> -> memref<16x50x32xf32, #tpu.memory_space<vmem>>
    %dma_start3A_64 = arith.constant 0 : i32
    %dma_start3A_65 = arith.constant 0 : i32
    %dma_start3A_66 = tpu.memref_slice %dma_start3A_63[%dma_start3A_58, %dma_start3A_64, %dma_start3A_65] : memref<16x50x32xf32, #tpu.memory_space<vmem>> -> memref<1x50x32xf32, #tpu.memory_space<vmem>>
    %dma_start3A_67 = tpu.memref_squeeze %dma_start3A_66 : memref<1x50x32xf32, #tpu.memory_space<vmem>> -> memref<50x32xf32, #tpu.memory_space<vmem>>
    %dma_start3A_68 = arith.constant 0 : i32
    %dma_start3A_69 = tpu.memref_slice %arg5[%dma_start3A_56, %dma_start3A_68] : memref<512x50xi32, #tpu.memory_space<vmem>> -> memref<1x50xi32, #tpu.memory_space<vmem>>
    %dma_start3A_70 = tpu.memref_squeeze %dma_start3A_69 : memref<1x50xi32, #tpu.memory_space<vmem>> -> memref<50xi32, #tpu.memory_space<vmem>>
    %dma_start3A_71 = arith.constant 0 : i32
    %dma_start3A_72 = arith.constant 0 : i32
    %dma_start3A_73 = tpu.memref_slice %arg3[%dma_start3A_71, %dma_start3A_72] : memref<1000000x32xf32, #tpu.memory_space<hbm>> -> memref<1000000x32xf32, #tpu.memory_space<hbm>>
    tpu.enqueue_indirect_dma source(%dma_start3A_73 : memref<1000000x32xf32, #tpu.memory_space<hbm>>) target(%dma_start3A_67 : memref<50x32xf32, #tpu.memory_space<vmem>>) offsets(%dma_start3A_70 : memref<50xi32, #tpu.memory_space<vmem>>) semaphore(%arg7 : memref<!tpu.dma_semaphore, #tpu.memory_space<semaphore_mem>>)
    %dma_start3A_74 = arith.constant 4 : i32
    %dma_start3A_75 = arith.constant 0 : i32
    %dma_start3A_76 = arith.constant 4 : i32
    %dma_start3A_77 = arith.constant 0 : i32
    %dma_start3A_78 = arith.constant 0 : i32
    %dma_start3A_79 = arith.constant 0 : i32
    %dma_start3A_80 = tpu.memref_slice %arg6[%dma_start3A_75, %dma_start3A_77, %dma_start3A_78, %dma_start3A_79] : memref<2x16x50x32xf32, #tpu.memory_space<vmem>> -> memref<1x16x50x32xf32, #tpu.memory_space<vmem>>
    %dma_start3A_81 = tpu.memref_squeeze %dma_start3A_80 : memref<1x16x50x32xf32, #tpu.memory_space<vmem>> -> memref<16x50x32xf32, #tpu.memory_space<vmem>>
    %dma_start3A_82 = arith.constant 0 : i32
    %dma_start3A_83 = arith.constant 0 : i32
    %dma_start3A_84 = tpu.memref_slice %dma_start3A_81[%dma_start3A_76, %dma_start3A_82, %dma_start3A_83] : memref<16x50x32xf32, #tpu.memory_space<vmem>> -> memref<1x50x32xf32, #tpu.memory_space<vmem>>
    %dma_start3A_85 = tpu.memref_squeeze %dma_start3A_84 : memref<1x50x32xf32, #tpu.memory_space<vmem>> -> memref<50x32xf32, #tpu.memory_space<vmem>>
    %dma_start3A_86 = arith.constant 0 : i32
    %dma_start3A_87 = tpu.memref_slice %arg5[%dma_start3A_74, %dma_start3A_86] : memref<512x50xi32, #tpu.memory_space<vmem>> -> memref<1x50xi32, #tpu.memory_space<vmem>>
    %dma_start3A_88 = tpu.memref_squeeze %dma_start3A_87 : memref<1x50xi32, #tpu.memory_space<vmem>> -> memref<50xi32, #tpu.memory_space<vmem>>
    %dma_start3A_89 = arith.constant 0 : i32
    %dma_start3A_90 = arith.constant 0 : i32
    %dma_start3A_91 = tpu.memref_slice %arg3[%dma_start3A_89, %dma_start3A_90] : memref<1000000x32xf32, #tpu.memory_space<hbm>> -> memref<1000000x32xf32, #tpu.memory_space<hbm>>
    tpu.enqueue_indirect_dma source(%dma_start3A_91 : memref<1000000x32xf32, #tpu.memory_space<hbm>>) target(%dma_start3A_85 : memref<50x32xf32, #tpu.memory_space<vmem>>) offsets(%dma_start3A_88 : memref<50xi32, #tpu.memory_space<vmem>>) semaphore(%arg7 : memref<!tpu.dma_semaphore, #tpu.memory_space<semaphore_mem>>)
    %dma_start3A_92 = arith.constant 5 : i32
    %dma_start3A_93 = arith.constant 0 : i32
    %dma_start3A_94 = arith.constant 5 : i32
    %dma_start3A_95 = arith.constant 0 : i32
    %dma_start3A_96 = arith.constant 0 : i32
    %dma_start3A_97 = arith.constant 0 : i32
    %dma_start3A_98 = tpu.memref_slice %arg6[%dma_start3A_93, %dma_start3A_95, %dma_start3A_96, %dma_start3A_97] : memref<2x16x50x32xf32, #tpu.memory_space<vmem>> -> memref<1x16x50x32xf32, #tpu.memory_space<vmem>>
    %dma_start3A_99 = tpu.memref_squeeze %dma_start3A_98 : memref<1x16x50x32xf32, #tpu.memory_space<vmem>> -> memref<16x50x32xf32, #tpu.memory_space<vmem>>
    %dma_start3A_100 = arith.constant 0 : i32
    %dma_start3A_101 = arith.constant 0 : i32
    %dma_start3A_102 = tpu.memref_slice %dma_start3A_99[%dma_start3A_94, %dma_start3A_100, %dma_start3A_101] : memref<16x50x32xf32, #tpu.memory_space<vmem>> -> memref<1x50x32xf32, #tpu.memory_space<vmem>>
    %dma_start3A_103 = tpu.memref_squeeze %dma_start3A_102 : memref<1x50x32xf32, #tpu.memory_space<vmem>> -> memref<50x32xf32, #tpu.memory_space<vmem>>
    %dma_start3A_104 = arith.constant 0 : i32
    %dma_start3A_105 = tpu.memref_slice %arg5[%dma_start3A_92, %dma_start3A_104] : memref<512x50xi32, #tpu.memory_space<vmem>> -> memref<1x50xi32, #tpu.memory_space<vmem>>
    %dma_start3A_106 = tpu.memref_squeeze %dma_start3A_105 : memref<1x50xi32, #tpu.memory_space<vmem>> -> memref<50xi32, #tpu.memory_space<vmem>>
    %dma_start3A_107 = arith.constant 0 : i32
    %dma_start3A_108 = arith.constant 0 : i32
    %dma_start3A_109 = tpu.memref_slice %arg3[%dma_start3A_107, %dma_start3A_108] : memref<1000000x32xf32, #tpu.memory_space<hbm>> -> memref<1000000x32xf32, #tpu.memory_space<hbm>>
    tpu.enqueue_indirect_dma source(%dma_start3A_109 : memref<1000000x32xf32, #tpu.memory_space<hbm>>) target(%dma_start3A_103 : memref<50x32xf32, #tpu.memory_space<vmem>>) offsets(%dma_start3A_106 : memref<50xi32, #tpu.memory_space<vmem>>) semaphore(%arg7 : memref<!tpu.dma_semaphore, #tpu.memory_space<semaphore_mem>>)
    %dma_start3A_110 = arith.constant 6 : i32
    %dma_start3A_111 = arith.constant 0 : i32
    %dma_start3A_112 = arith.constant 6 : i32
    %dma_start3A_113 = arith.constant 0 : i32
    %dma_start3A_114 = arith.constant 0 : i32
    %dma_start3A_115 = arith.constant 0 : i32
    %dma_start3A_116 = tpu.memref_slice %arg6[%dma_start3A_111, %dma_start3A_113, %dma_start3A_114, %dma_start3A_115] : memref<2x16x50x32xf32, #tpu.memory_space<vmem>> -> memref<1x16x50x32xf32, #tpu.memory_space<vmem>>
    %dma_start3A_117 = tpu.memref_squeeze %dma_start3A_116 : memref<1x16x50x32xf32, #tpu.memory_space<vmem>> -> memref<16x50x32xf32, #tpu.memory_space<vmem>>
    %dma_start3A_118 = arith.constant 0 : i32
    %dma_start3A_119 = arith.constant 0 : i32
    %dma_start3A_120 = tpu.memref_slice %dma_start3A_117[%dma_start3A_112, %dma_start3A_118, %dma_start3A_119] : memref<16x50x32xf32, #tpu.memory_space<vmem>> -> memref<1x50x32xf32, #tpu.memory_space<vmem>>
    %dma_start3A_121 = tpu.memref_squeeze %dma_start3A_120 : memref<1x50x32xf32, #tpu.memory_space<vmem>> -> memref<50x32xf32, #tpu.memory_space<vmem>>
    %dma_start3A_122 = arith.constant 0 : i32
    %dma_start3A_123 = tpu.memref_slice %arg5[%dma_start3A_110, %dma_start3A_122] : memref<512x50xi32, #tpu.memory_space<vmem>> -> memref<1x50xi32, #tpu.memory_space<vmem>>
    %dma_start3A_124 = tpu.memref_squeeze %dma_start3A_123 : memref<1x50xi32, #tpu.memory_space<vmem>> -> memref<50xi32, #tpu.memory_space<vmem>>
    %dma_start3A_125 = arith.constant 0 : i32
    %dma_start3A_126 = arith.constant 0 : i32
    %dma_start3A_127 = tpu.memref_slice %arg3[%dma_start3A_125, %dma_start3A_126] : memref<1000000x32xf32, #tpu.memory_space<hbm>> -> memref<1000000x32xf32, #tpu.memory_space<hbm>>
    tpu.enqueue_indirect_dma source(%dma_start3A_127 : memref<1000000x32xf32, #tpu.memory_space<hbm>>) target(%dma_start3A_121 : memref<50x32xf32, #tpu.memory_space<vmem>>) offsets(%dma_start3A_124 : memref<50xi32, #tpu.memory_space<vmem>>) semaphore(%arg7 : memref<!tpu.dma_semaphore, #tpu.memory_space<semaphore_mem>>)
    %dma_start3A_128 = arith.constant 7 : i32
    %dma_start3A_129 = arith.constant 0 : i32
    %dma_start3A_130 = arith.constant 7 : i32
    %dma_start3A_131 = arith.constant 0 : i32
    %dma_start3A_132 = arith.constant 0 : i32
    %dma_start3A_133 = arith.constant 0 : i32
    %dma_start3A_134 = tpu.memref_slice %arg6[%dma_start3A_129, %dma_start3A_131, %dma_start3A_132, %dma_start3A_133] : memref<2x16x50x32xf32, #tpu.memory_space<vmem>> -> memref<1x16x50x32xf32, #tpu.memory_space<vmem>>
    %dma_start3A_135 = tpu.memref_squeeze %dma_start3A_134 : memref<1x16x50x32xf32, #tpu.memory_space<vmem>> -> memref<16x50x32xf32, #tpu.memory_space<vmem>>
    %dma_start3A_136 = arith.constant 0 : i32
    %dma_start3A_137 = arith.constant 0 : i32
    %dma_start3A_138 = tpu.memref_slice %dma_start3A_135[%dma_start3A_130, %dma_start3A_136, %dma_start3A_137] : memref<16x50x32xf32, #tpu.memory_space<vmem>> -> memref<1x50x32xf32, #tpu.memory_space<vmem>>
    %dma_start3A_139 = tpu.memref_squeeze %dma_start3A_138 : memref<1x50x32xf32, #tpu.memory_space<vmem>> -> memref<50x32xf32, #tpu.memory_space<vmem>>
    %dma_start3A_140 = arith.constant 0 : i32
    %dma_start3A_141 = tpu.memref_slice %arg5[%dma_start3A_128, %dma_start3A_140] : memref<512x50xi32, #tpu.memory_space<vmem>> -> memref<1x50xi32, #tpu.memory_space<vmem>>
    %dma_start3A_142 = tpu.memref_squeeze %dma_start3A_141 : memref<1x50xi32, #tpu.memory_space<vmem>> -> memref<50xi32, #tpu.memory_space<vmem>>
    %dma_start3A_143 = arith.constant 0 : i32
    %dma_start3A_144 = arith.constant 0 : i32
    %dma_start3A_145 = tpu.memref_slice %arg3[%dma_start3A_143, %dma_start3A_144] : memref<1000000x32xf32, #tpu.memory_space<hbm>> -> memref<1000000x32xf32, #tpu.memory_space<hbm>>
    tpu.enqueue_indirect_dma source(%dma_start3A_145 : memref<1000000x32xf32, #tpu.memory_space<hbm>>) target(%dma_start3A_139 : memref<50x32xf32, #tpu.memory_space<vmem>>) offsets(%dma_start3A_142 : memref<50xi32, #tpu.memory_space<vmem>>) semaphore(%arg7 : memref<!tpu.dma_semaphore, #tpu.memory_space<semaphore_mem>>)
    %dma_start3A_146 = arith.constant 8 : i32
    %dma_start3A_147 = arith.constant 0 : i32
    %dma_start3A_148 = arith.constant 8 : i32
    %dma_start3A_149 = arith.constant 0 : i32
    %dma_start3A_150 = arith.constant 0 : i32
    %dma_start3A_151 = arith.constant 0 : i32
    %dma_start3A_152 = tpu.memref_slice %arg6[%dma_start3A_147, %dma_start3A_149, %dma_start3A_150, %dma_start3A_151] : memref<2x16x50x32xf32, #tpu.memory_space<vmem>> -> memref<1x16x50x32xf32, #tpu.memory_space<vmem>>
    %dma_start3A_153 = tpu.memref_squeeze %dma_start3A_152 : memref<1x16x50x32xf32, #tpu.memory_space<vmem>> -> memref<16x50x32xf32, #tpu.memory_space<vmem>>
    %dma_start3A_154 = arith.constant 0 : i32
    %dma_start3A_155 = arith.constant 0 : i32
    %dma_start3A_156 = tpu.memref_slice %dma_start3A_153[%dma_start3A_148, %dma_start3A_154, %dma_start3A_155] : memref<16x50x32xf32, #tpu.memory_space<vmem>> -> memref<1x50x32xf32, #tpu.memory_space<vmem>>
    %dma_start3A_157 = tpu.memref_squeeze %dma_start3A_156 : memref<1x50x32xf32, #tpu.memory_space<vmem>> -> memref<50x32xf32, #tpu.memory_space<vmem>>
    %dma_start3A_158 = arith.constant 0 : i32
    %dma_start3A_159 = tpu.memref_slice %arg5[%dma_start3A_146, %dma_start3A_158] : memref<512x50xi32, #tpu.memory_space<vmem>> -> memref<1x50xi32, #tpu.memory_space<vmem>>
    %dma_start3A_160 = tpu.memref_squeeze %dma_start3A_159 : memref<1x50xi32, #tpu.memory_space<vmem>> -> memref<50xi32, #tpu.memory_space<vmem>>
    %dma_start3A_161 = arith.constant 0 : i32
    %dma_start3A_162 = arith.constant 0 : i32
    %dma_start3A_163 = tpu.memref_slice %arg3[%dma_start3A_161, %dma_start3A_162] : memref<1000000x32xf32, #tpu.memory_space<hbm>> -> memref<1000000x32xf32, #tpu.memory_space<hbm>>
    tpu.enqueue_indirect_dma source(%dma_start3A_163 : memref<1000000x32xf32, #tpu.memory_space<hbm>>) target(%dma_start3A_157 : memref<50x32xf32, #tpu.memory_space<vmem>>) offsets(%dma_start3A_160 : memref<50xi32, #tpu.memory_space<vmem>>) semaphore(%arg7 : memref<!tpu.dma_semaphore, #tpu.memory_space<semaphore_mem>>)
    %dma_start3A_164 = arith.constant 9 : i32
    %dma_start3A_165 = arith.constant 0 : i32
    %dma_start3A_166 = arith.constant 9 : i32
    %dma_start3A_167 = arith.constant 0 : i32
    %dma_start3A_168 = arith.constant 0 : i32
    %dma_start3A_169 = arith.constant 0 : i32
    %dma_start3A_170 = tpu.memref_slice %arg6[%dma_start3A_165, %dma_start3A_167, %dma_start3A_168, %dma_start3A_169] : memref<2x16x50x32xf32, #tpu.memory_space<vmem>> -> memref<1x16x50x32xf32, #tpu.memory_space<vmem>>
    %dma_start3A_171 = tpu.memref_squeeze %dma_start3A_170 : memref<1x16x50x32xf32, #tpu.memory_space<vmem>> -> memref<16x50x32xf32, #tpu.memory_space<vmem>>
    %dma_start3A_172 = arith.constant 0 : i32
    %dma_start3A_173 = arith.constant 0 : i32
    %dma_start3A_174 = tpu.memref_slice %dma_start3A_171[%dma_start3A_166, %dma_start3A_172, %dma_start3A_173] : memref<16x50x32xf32, #tpu.memory_space<vmem>> -> memref<1x50x32xf32, #tpu.memory_space<vmem>>
    %dma_start3A_175 = tpu.memref_squeeze %dma_start3A_174 : memref<1x50x32xf32, #tpu.memory_space<vmem>> -> memref<50x32xf32, #tpu.memory_space<vmem>>
    %dma_start3A_176 = arith.constant 0 : i32
    %dma_start3A_177 = tpu.memref_slice %arg5[%dma_start3A_164, %dma_start3A_176] : memref<512x50xi32, #tpu.memory_space<vmem>> -> memref<1x50xi32, #tpu.memory_space<vmem>>
    %dma_start3A_178 = tpu.memref_squeeze %dma_start3A_177 : memref<1x50xi32, #tpu.memory_space<vmem>> -> memref<50xi32, #tpu.memory_space<vmem>>
    %dma_start3A_179 = arith.constant 0 : i32
    %dma_start3A_180 = arith.constant 0 : i32
    %dma_start3A_181 = tpu.memref_slice %arg3[%dma_start3A_179, %dma_start3A_180] : memref<1000000x32xf32, #tpu.memory_space<hbm>> -> memref<1000000x32xf32, #tpu.memory_space<hbm>>
    tpu.enqueue_indirect_dma source(%dma_start3A_181 : memref<1000000x32xf32, #tpu.memory_space<hbm>>) target(%dma_start3A_175 : memref<50x32xf32, #tpu.memory_space<vmem>>) offsets(%dma_start3A_178 : memref<50xi32, #tpu.memory_space<vmem>>) semaphore(%arg7 : memref<!tpu.dma_semaphore, #tpu.memory_space<semaphore_mem>>)
    %dma_start3A_182 = arith.constant 10 : i32
    %dma_start3A_183 = arith.constant 0 : i32
    %dma_start3A_184 = arith.constant 10 : i32
    %dma_start3A_185 = arith.constant 0 : i32
    %dma_start3A_186 = arith.constant 0 : i32
    %dma_start3A_187 = arith.constant 0 : i32
    %dma_start3A_188 = tpu.memref_slice %arg6[%dma_start3A_183, %dma_start3A_185, %dma_start3A_186, %dma_start3A_187] : memref<2x16x50x32xf32, #tpu.memory_space<vmem>> -> memref<1x16x50x32xf32, #tpu.memory_space<vmem>>
    %dma_start3A_189 = tpu.memref_squeeze %dma_start3A_188 : memref<1x16x50x32xf32, #tpu.memory_space<vmem>> -> memref<16x50x32xf32, #tpu.memory_space<vmem>>
    %dma_start3A_190 = arith.constant 0 : i32
    %dma_start3A_191 = arith.constant 0 : i32
    %dma_start3A_192 = tpu.memref_slice %dma_start3A_189[%dma_start3A_184, %dma_start3A_190, %dma_start3A_191] : memref<16x50x32xf32, #tpu.memory_space<vmem>> -> memref<1x50x32xf32, #tpu.memory_space<vmem>>
    %dma_start3A_193 = tpu.memref_squeeze %dma_start3A_192 : memref<1x50x32xf32, #tpu.memory_space<vmem>> -> memref<50x32xf32, #tpu.memory_space<vmem>>
    %dma_start3A_194 = arith.constant 0 : i32
    %dma_start3A_195 = tpu.memref_slice %arg5[%dma_start3A_182, %dma_start3A_194] : memref<512x50xi32, #tpu.memory_space<vmem>> -> memref<1x50xi32, #tpu.memory_space<vmem>>
    %dma_start3A_196 = tpu.memref_squeeze %dma_start3A_195 : memref<1x50xi32, #tpu.memory_space<vmem>> -> memref<50xi32, #tpu.memory_space<vmem>>
    %dma_start3A_197 = arith.constant 0 : i32
    %dma_start3A_198 = arith.constant 0 : i32
    %dma_start3A_199 = tpu.memref_slice %arg3[%dma_start3A_197, %dma_start3A_198] : memref<1000000x32xf32, #tpu.memory_space<hbm>> -> memref<1000000x32xf32, #tpu.memory_space<hbm>>
    tpu.enqueue_indirect_dma source(%dma_start3A_199 : memref<1000000x32xf32, #tpu.memory_space<hbm>>) target(%dma_start3A_193 : memref<50x32xf32, #tpu.memory_space<vmem>>) offsets(%dma_start3A_196 : memref<50xi32, #tpu.memory_space<vmem>>) semaphore(%arg7 : memref<!tpu.dma_semaphore, #tpu.memory_space<semaphore_mem>>)
    %dma_start3A_200 = arith.constant 11 : i32
    %dma_start3A_201 = arith.constant 0 : i32
    %dma_start3A_202 = arith.constant 11 : i32
    %dma_start3A_203 = arith.constant 0 : i32
    %dma_start3A_204 = arith.constant 0 : i32
    %dma_start3A_205 = arith.constant 0 : i32
    %dma_start3A_206 = tpu.memref_slice %arg6[%dma_start3A_201, %dma_start3A_203, %dma_start3A_204, %dma_start3A_205] : memref<2x16x50x32xf32, #tpu.memory_space<vmem>> -> memref<1x16x50x32xf32, #tpu.memory_space<vmem>>
    %dma_start3A_207 = tpu.memref_squeeze %dma_start3A_206 : memref<1x16x50x32xf32, #tpu.memory_space<vmem>> -> memref<16x50x32xf32, #tpu.memory_space<vmem>>
    %dma_start3A_208 = arith.constant 0 : i32
    %dma_start3A_209 = arith.constant 0 : i32
    %dma_start3A_210 = tpu.memref_slice %dma_start3A_207[%dma_start3A_202, %dma_start3A_208, %dma_start3A_209] : memref<16x50x32xf32, #tpu.memory_space<vmem>> -> memref<1x50x32xf32, #tpu.memory_space<vmem>>
    %dma_start3A_211 = tpu.memref_squeeze %dma_start3A_210 : memref<1x50x32xf32, #tpu.memory_space<vmem>> -> memref<50x32xf32, #tpu.memory_space<vmem>>
    %dma_start3A_212 = arith.constant 0 : i32
    %dma_start3A_213 = tpu.memref_slice %arg5[%dma_start3A_200, %dma_start3A_212] : memref<512x50xi32, #tpu.memory_space<vmem>> -> memref<1x50xi32, #tpu.memory_space<vmem>>
    %dma_start3A_214 = tpu.memref_squeeze %dma_start3A_213 : memref<1x50xi32, #tpu.memory_space<vmem>> -> memref<50xi32, #tpu.memory_space<vmem>>
    %dma_start3A_215 = arith.constant 0 : i32
    %dma_start3A_216 = arith.constant 0 : i32
    %dma_start3A_217 = tpu.memref_slice %arg3[%dma_start3A_215, %dma_start3A_216] : memref<1000000x32xf32, #tpu.memory_space<hbm>> -> memref<1000000x32xf32, #tpu.memory_space<hbm>>
    tpu.enqueue_indirect_dma source(%dma_start3A_217 : memref<1000000x32xf32, #tpu.memory_space<hbm>>) target(%dma_start3A_211 : memref<50x32xf32, #tpu.memory_space<vmem>>) offsets(%dma_start3A_214 : memref<50xi32, #tpu.memory_space<vmem>>) semaphore(%arg7 : memref<!tpu.dma_semaphore, #tpu.memory_space<semaphore_mem>>)
    %dma_start3A_218 = arith.constant 12 : i32
    %dma_start3A_219 = arith.constant 0 : i32
    %dma_start3A_220 = arith.constant 12 : i32
    %dma_start3A_221 = arith.constant 0 : i32
    %dma_start3A_222 = arith.constant 0 : i32
    %dma_start3A_223 = arith.constant 0 : i32
    %dma_start3A_224 = tpu.memref_slice %arg6[%dma_start3A_219, %dma_start3A_221, %dma_start3A_222, %dma_start3A_223] : memref<2x16x50x32xf32, #tpu.memory_space<vmem>> -> memref<1x16x50x32xf32, #tpu.memory_space<vmem>>
    %dma_start3A_225 = tpu.memref_squeeze %dma_start3A_224 : memref<1x16x50x32xf32, #tpu.memory_space<vmem>> -> memref<16x50x32xf32, #tpu.memory_space<vmem>>
    %dma_start3A_226 = arith.constant 0 : i32
    %dma_start3A_227 = arith.constant 0 : i32
    %dma_start3A_228 = tpu.memref_slice %dma_start3A_225[%dma_start3A_220, %dma_start3A_226, %dma_start3A_227] : memref<16x50x32xf32, #tpu.memory_space<vmem>> -> memref<1x50x32xf32, #tpu.memory_space<vmem>>
    %dma_start3A_229 = tpu.memref_squeeze %dma_start3A_228 : memref<1x50x32xf32, #tpu.memory_space<vmem>> -> memref<50x32xf32, #tpu.memory_space<vmem>>
    %dma_start3A_230 = arith.constant 0 : i32
    %dma_start3A_231 = tpu.memref_slice %arg5[%dma_start3A_218, %dma_start3A_230] : memref<512x50xi32, #tpu.memory_space<vmem>> -> memref<1x50xi32, #tpu.memory_space<vmem>>
    %dma_start3A_232 = tpu.memref_squeeze %dma_start3A_231 : memref<1x50xi32, #tpu.memory_space<vmem>> -> memref<50xi32, #tpu.memory_space<vmem>>
    %dma_start3A_233 = arith.constant 0 : i32
    %dma_start3A_234 = arith.constant 0 : i32
    %dma_start3A_235 = tpu.memref_slice %arg3[%dma_start3A_233, %dma_start3A_234] : memref<1000000x32xf32, #tpu.memory_space<hbm>> -> memref<1000000x32xf32, #tpu.memory_space<hbm>>
    tpu.enqueue_indirect_dma source(%dma_start3A_235 : memref<1000000x32xf32, #tpu.memory_space<hbm>>) target(%dma_start3A_229 : memref<50x32xf32, #tpu.memory_space<vmem>>) offsets(%dma_start3A_232 : memref<50xi32, #tpu.memory_space<vmem>>) semaphore(%arg7 : memref<!tpu.dma_semaphore, #tpu.memory_space<semaphore_mem>>)
    %dma_start3A_236 = arith.constant 13 : i32
    %dma_start3A_237 = arith.constant 0 : i32
    %dma_start3A_238 = arith.constant 13 : i32
    %dma_start3A_239 = arith.constant 0 : i32
    %dma_start3A_240 = arith.constant 0 : i32
    %dma_start3A_241 = arith.constant 0 : i32
    %dma_start3A_242 = tpu.memref_slice %arg6[%dma_start3A_237, %dma_start3A_239, %dma_start3A_240, %dma_start3A_241] : memref<2x16x50x32xf32, #tpu.memory_space<vmem>> -> memref<1x16x50x32xf32, #tpu.memory_space<vmem>>
    %dma_start3A_243 = tpu.memref_squeeze %dma_start3A_242 : memref<1x16x50x32xf32, #tpu.memory_space<vmem>> -> memref<16x50x32xf32, #tpu.memory_space<vmem>>
    %dma_start3A_244 = arith.constant 0 : i32
    %dma_start3A_245 = arith.constant 0 : i32
    %dma_start3A_246 = tpu.memref_slice %dma_start3A_243[%dma_start3A_238, %dma_start3A_244, %dma_start3A_245] : memref<16x50x32xf32, #tpu.memory_space<vmem>> -> memref<1x50x32xf32, #tpu.memory_space<vmem>>
    %dma_start3A_247 = tpu.memref_squeeze %dma_start3A_246 : memref<1x50x32xf32, #tpu.memory_space<vmem>> -> memref<50x32xf32, #tpu.memory_space<vmem>>
    %dma_start3A_248 = arith.constant 0 : i32
    %dma_start3A_249 = tpu.memref_slice %arg5[%dma_start3A_236, %dma_start3A_248] : memref<512x50xi32, #tpu.memory_space<vmem>> -> memref<1x50xi32, #tpu.memory_space<vmem>>
    %dma_start3A_250 = tpu.memref_squeeze %dma_start3A_249 : memref<1x50xi32, #tpu.memory_space<vmem>> -> memref<50xi32, #tpu.memory_space<vmem>>
    %dma_start3A_251 = arith.constant 0 : i32
    %dma_start3A_252 = arith.constant 0 : i32
    %dma_start3A_253 = tpu.memref_slice %arg3[%dma_start3A_251, %dma_start3A_252] : memref<1000000x32xf32, #tpu.memory_space<hbm>> -> memref<1000000x32xf32, #tpu.memory_space<hbm>>
    tpu.enqueue_indirect_dma source(%dma_start3A_253 : memref<1000000x32xf32, #tpu.memory_space<hbm>>) target(%dma_start3A_247 : memref<50x32xf32, #tpu.memory_space<vmem>>) offsets(%dma_start3A_250 : memref<50xi32, #tpu.memory_space<vmem>>) semaphore(%arg7 : memref<!tpu.dma_semaphore, #tpu.memory_space<semaphore_mem>>)
    %dma_start3A_254 = arith.constant 14 : i32
    %dma_start3A_255 = arith.constant 0 : i32
    %dma_start3A_256 = arith.constant 14 : i32
    %dma_start3A_257 = arith.constant 0 : i32
    %dma_start3A_258 = arith.constant 0 : i32
    %dma_start3A_259 = arith.constant 0 : i32
    %dma_start3A_260 = tpu.memref_slice %arg6[%dma_start3A_255, %dma_start3A_257, %dma_start3A_258, %dma_start3A_259] : memref<2x16x50x32xf32, #tpu.memory_space<vmem>> -> memref<1x16x50x32xf32, #tpu.memory_space<vmem>>
    %dma_start3A_261 = tpu.memref_squeeze %dma_start3A_260 : memref<1x16x50x32xf32, #tpu.memory_space<vmem>> -> memref<16x50x32xf32, #tpu.memory_space<vmem>>
    %dma_start3A_262 = arith.constant 0 : i32
    %dma_start3A_263 = arith.constant 0 : i32
    %dma_start3A_264 = tpu.memref_slice %dma_start3A_261[%dma_start3A_256, %dma_start3A_262, %dma_start3A_263] : memref<16x50x32xf32, #tpu.memory_space<vmem>> -> memref<1x50x32xf32, #tpu.memory_space<vmem>>
    %dma_start3A_265 = tpu.memref_squeeze %dma_start3A_264 : memref<1x50x32xf32, #tpu.memory_space<vmem>> -> memref<50x32xf32, #tpu.memory_space<vmem>>
    %dma_start3A_266 = arith.constant 0 : i32
    %dma_start3A_267 = tpu.memref_slice %arg5[%dma_start3A_254, %dma_start3A_266] : memref<512x50xi32, #tpu.memory_space<vmem>> -> memref<1x50xi32, #tpu.memory_space<vmem>>
    %dma_start3A_268 = tpu.memref_squeeze %dma_start3A_267 : memref<1x50xi32, #tpu.memory_space<vmem>> -> memref<50xi32, #tpu.memory_space<vmem>>
    %dma_start3A_269 = arith.constant 0 : i32
    %dma_start3A_270 = arith.constant 0 : i32
    %dma_start3A_271 = tpu.memref_slice %arg3[%dma_start3A_269, %dma_start3A_270] : memref<1000000x32xf32, #tpu.memory_space<hbm>> -> memref<1000000x32xf32, #tpu.memory_space<hbm>>
    tpu.enqueue_indirect_dma source(%dma_start3A_271 : memref<1000000x32xf32, #tpu.memory_space<hbm>>) target(%dma_start3A_265 : memref<50x32xf32, #tpu.memory_space<vmem>>) offsets(%dma_start3A_268 : memref<50xi32, #tpu.memory_space<vmem>>) semaphore(%arg7 : memref<!tpu.dma_semaphore, #tpu.memory_space<semaphore_mem>>)
    %dma_start3A_272 = arith.constant 15 : i32
    %dma_start3A_273 = arith.constant 0 : i32
    %dma_start3A_274 = arith.constant 15 : i32
    %dma_start3A_275 = arith.constant 0 : i32
    %dma_start3A_276 = arith.constant 0 : i32
    %dma_start3A_277 = arith.constant 0 : i32
    %dma_start3A_278 = tpu.memref_slice %arg6[%dma_start3A_273, %dma_start3A_275, %dma_start3A_276, %dma_start3A_277] : memref<2x16x50x32xf32, #tpu.memory_space<vmem>> -> memref<1x16x50x32xf32, #tpu.memory_space<vmem>>
    %dma_start3A_279 = tpu.memref_squeeze %dma_start3A_278 : memref<1x16x50x32xf32, #tpu.memory_space<vmem>> -> memref<16x50x32xf32, #tpu.memory_space<vmem>>
    %dma_start3A_280 = arith.constant 0 : i32
    %dma_start3A_281 = arith.constant 0 : i32
    %dma_start3A_282 = tpu.memref_slice %dma_start3A_279[%dma_start3A_274, %dma_start3A_280, %dma_start3A_281] : memref<16x50x32xf32, #tpu.memory_space<vmem>> -> memref<1x50x32xf32, #tpu.memory_space<vmem>>
    %dma_start3A_283 = tpu.memref_squeeze %dma_start3A_282 : memref<1x50x32xf32, #tpu.memory_space<vmem>> -> memref<50x32xf32, #tpu.memory_space<vmem>>
    %dma_start3A_284 = arith.constant 0 : i32
    %dma_start3A_285 = tpu.memref_slice %arg5[%dma_start3A_272, %dma_start3A_284] : memref<512x50xi32, #tpu.memory_space<vmem>> -> memref<1x50xi32, #tpu.memory_space<vmem>>
    %dma_start3A_286 = tpu.memref_squeeze %dma_start3A_285 : memref<1x50xi32, #tpu.memory_space<vmem>> -> memref<50xi32, #tpu.memory_space<vmem>>
    %dma_start3A_287 = arith.constant 0 : i32
    %dma_start3A_288 = arith.constant 0 : i32
    %dma_start3A_289 = tpu.memref_slice %arg3[%dma_start3A_287, %dma_start3A_288] : memref<1000000x32xf32, #tpu.memory_space<hbm>> -> memref<1000000x32xf32, #tpu.memory_space<hbm>>
    tpu.enqueue_indirect_dma source(%dma_start3A_289 : memref<1000000x32xf32, #tpu.memory_space<hbm>>) target(%dma_start3A_283 : memref<50x32xf32, #tpu.memory_space<vmem>>) offsets(%dma_start3A_286 : memref<50xi32, #tpu.memory_space<vmem>>) semaphore(%arg7 : memref<!tpu.dma_semaphore, #tpu.memory_space<semaphore_mem>>)
    %dma_start3A_290 = arith.constant 16 : i32
    %dma_start3A_291 = arith.constant 1 : i32
    %dma_start3A_292 = arith.constant 0 : i32
    %dma_start3A_293 = arith.constant 0 : i32
    %dma_start3A_294 = arith.constant 0 : i32
    %dma_start3A_295 = arith.constant 0 : i32
    %dma_start3A_296 = tpu.memref_slice %arg6[%dma_start3A_291, %dma_start3A_293, %dma_start3A_294, %dma_start3A_295] : memref<2x16x50x32xf32, #tpu.memory_space<vmem>> -> memref<1x16x50x32xf32, #tpu.memory_space<vmem>>
    %dma_start3A_297 = tpu.memref_squeeze %dma_start3A_296 : memref<1x16x50x32xf32, #tpu.memory_space<vmem>> -> memref<16x50x32xf32, #tpu.memory_space<vmem>>
    %dma_start3A_298 = arith.constant 0 : i32
    %dma_start3A_299 = arith.constant 0 : i32
    %dma_start3A_300 = tpu.memref_slice %dma_start3A_297[%dma_start3A_292, %dma_start3A_298, %dma_start3A_299] : memref<16x50x32xf32, #tpu.memory_space<vmem>> -> memref<1x50x32xf32, #tpu.memory_space<vmem>>
    %dma_start3A_301 = tpu.memref_squeeze %dma_start3A_300 : memref<1x50x32xf32, #tpu.memory_space<vmem>> -> memref<50x32xf32, #tpu.memory_space<vmem>>
    %dma_start3A_302 = arith.constant 0 : i32
    %dma_start3A_303 = tpu.memref_slice %arg5[%dma_start3A_290, %dma_start3A_302] : memref<512x50xi32, #tpu.memory_space<vmem>> -> memref<1x50xi32, #tpu.memory_space<vmem>>
    %dma_start3A_304 = tpu.memref_squeeze %dma_start3A_303 : memref<1x50xi32, #tpu.memory_space<vmem>> -> memref<50xi32, #tpu.memory_space<vmem>>
    %dma_start3A_305 = arith.constant 0 : i32
    %dma_start3A_306 = arith.constant 0 : i32
    %dma_start3A_307 = tpu.memref_slice %arg3[%dma_start3A_305, %dma_start3A_306] : memref<1000000x32xf32, #tpu.memory_space<hbm>> -> memref<1000000x32xf32, #tpu.memory_space<hbm>>
    tpu.enqueue_indirect_dma source(%dma_start3A_307 : memref<1000000x32xf32, #tpu.memory_space<hbm>>) target(%dma_start3A_301 : memref<50x32xf32, #tpu.memory_space<vmem>>) offsets(%dma_start3A_304 : memref<50xi32, #tpu.memory_space<vmem>>) semaphore(%arg8 : memref<!tpu.dma_semaphore, #tpu.memory_space<semaphore_mem>>)
    %dma_start3A_308 = arith.constant 17 : i32
    %dma_start3A_309 = arith.constant 1 : i32
    %dma_start3A_310 = arith.constant 1 : i32
    %dma_start3A_311 = arith.constant 0 : i32
    %dma_start3A_312 = arith.constant 0 : i32
    %dma_start3A_313 = arith.constant 0 : i32
    %dma_start3A_314 = tpu.memref_slice %arg6[%dma_start3A_309, %dma_start3A_311, %dma_start3A_312, %dma_start3A_313] : memref<2x16x50x32xf32, #tpu.memory_space<vmem>> -> memref<1x16x50x32xf32, #tpu.memory_space<vmem>>
    %dma_start3A_315 = tpu.memref_squeeze %dma_start3A_314 : memref<1x16x50x32xf32, #tpu.memory_space<vmem>> -> memref<16x50x32xf32, #tpu.memory_space<vmem>>
    %dma_start3A_316 = arith.constant 0 : i32
    %dma_start3A_317 = arith.constant 0 : i32
    %dma_start3A_318 = tpu.memref_slice %dma_start3A_315[%dma_start3A_310, %dma_start3A_316, %dma_start3A_317] : memref<16x50x32xf32, #tpu.memory_space<vmem>> -> memref<1x50x32xf32, #tpu.memory_space<vmem>>
    %dma_start3A_319 = tpu.memref_squeeze %dma_start3A_318 : memref<1x50x32xf32, #tpu.memory_space<vmem>> -> memref<50x32xf32, #tpu.memory_space<vmem>>
    %dma_start3A_320 = arith.constant 0 : i32
    %dma_start3A_321 = tpu.memref_slice %arg5[%dma_start3A_308, %dma_start3A_320] : memref<512x50xi32, #tpu.memory_space<vmem>> -> memref<1x50xi32, #tpu.memory_space<vmem>>
    %dma_start3A_322 = tpu.memref_squeeze %dma_start3A_321 : memref<1x50xi32, #tpu.memory_space<vmem>> -> memref<50xi32, #tpu.memory_space<vmem>>
    %dma_start3A_323 = arith.constant 0 : i32
    %dma_start3A_324 = arith.constant 0 : i32
    %dma_start3A_325 = tpu.memref_slice %arg3[%dma_start3A_323, %dma_start3A_324] : memref<1000000x32xf32, #tpu.memory_space<hbm>> -> memref<1000000x32xf32, #tpu.memory_space<hbm>>
    tpu.enqueue_indirect_dma source(%dma_start3A_325 : memref<1000000x32xf32, #tpu.memory_space<hbm>>) target(%dma_start3A_319 : memref<50x32xf32, #tpu.memory_space<vmem>>) offsets(%dma_start3A_322 : memref<50xi32, #tpu.memory_space<vmem>>) semaphore(%arg8 : memref<!tpu.dma_semaphore, #tpu.memory_space<semaphore_mem>>)
    %dma_start3A_326 = arith.constant 18 : i32
    %dma_start3A_327 = arith.constant 1 : i32
    %dma_start3A_328 = arith.constant 2 : i32
    %dma_start3A_329 = arith.constant 0 : i32
    %dma_start3A_330 = arith.constant 0 : i32
    %dma_start3A_331 = arith.constant 0 : i32
    %dma_start3A_332 = tpu.memref_slice %arg6[%dma_start3A_327, %dma_start3A_329, %dma_start3A_330, %dma_start3A_331] : memref<2x16x50x32xf32, #tpu.memory_space<vmem>> -> memref<1x16x50x32xf32, #tpu.memory_space<vmem>>
    %dma_start3A_333 = tpu.memref_squeeze %dma_start3A_332 : memref<1x16x50x32xf32, #tpu.memory_space<vmem>> -> memref<16x50x32xf32, #tpu.memory_space<vmem>>
    %dma_start3A_334 = arith.constant 0 : i32
    %dma_start3A_335 = arith.constant 0 : i32
    %dma_start3A_336 = tpu.memref_slice %dma_start3A_333[%dma_start3A_328, %dma_start3A_334, %dma_start3A_335] : memref<16x50x32xf32, #tpu.memory_space<vmem>> -> memref<1x50x32xf32, #tpu.memory_space<vmem>>
    %dma_start3A_337 = tpu.memref_squeeze %dma_start3A_336 : memref<1x50x32xf32, #tpu.memory_space<vmem>> -> memref<50x32xf32, #tpu.memory_space<vmem>>
    %dma_start3A_338 = arith.constant 0 : i32
    %dma_start3A_339 = tpu.memref_slice %arg5[%dma_start3A_326, %dma_start3A_338] : memref<512x50xi32, #tpu.memory_space<vmem>> -> memref<1x50xi32, #tpu.memory_space<vmem>>
    %dma_start3A_340 = tpu.memref_squeeze %dma_start3A_339 : memref<1x50xi32, #tpu.memory_space<vmem>> -> memref<50xi32, #tpu.memory_space<vmem>>
    %dma_start3A_341 = arith.constant 0 : i32
    %dma_start3A_342 = arith.constant 0 : i32
    %dma_start3A_343 = tpu.memref_slice %arg3[%dma_start3A_341, %dma_start3A_342] : memref<1000000x32xf32, #tpu.memory_space<hbm>> -> memref<1000000x32xf32, #tpu.memory_space<hbm>>
    tpu.enqueue_indirect_dma source(%dma_start3A_343 : memref<1000000x32xf32, #tpu.memory_space<hbm>>) target(%dma_start3A_337 : memref<50x32xf32, #tpu.memory_space<vmem>>) offsets(%dma_start3A_340 : memref<50xi32, #tpu.memory_space<vmem>>) semaphore(%arg8 : memref<!tpu.dma_semaphore, #tpu.memory_space<semaphore_mem>>)
    %dma_start3A_344 = arith.constant 19 : i32
    %dma_start3A_345 = arith.constant 1 : i32
    %dma_start3A_346 = arith.constant 3 : i32
    %dma_start3A_347 = arith.constant 0 : i32
    %dma_start3A_348 = arith.constant 0 : i32
    %dma_start3A_349 = arith.constant 0 : i32
    %dma_start3A_350 = tpu.memref_slice %arg6[%dma_start3A_345, %dma_start3A_347, %dma_start3A_348, %dma_start3A_349] : memref<2x16x50x32xf32, #tpu.memory_space<vmem>> -> memref<1x16x50x32xf32, #tpu.memory_space<vmem>>
    %dma_start3A_351 = tpu.memref_squeeze %dma_start3A_350 : memref<1x16x50x32xf32, #tpu.memory_space<vmem>> -> memref<16x50x32xf32, #tpu.memory_space<vmem>>
    %dma_start3A_352 = arith.constant 0 : i32
    %dma_start3A_353 = arith.constant 0 : i32
    %dma_start3A_354 = tpu.memref_slice %dma_start3A_351[%dma_start3A_346, %dma_start3A_352, %dma_start3A_353] : memref<16x50x32xf32, #tpu.memory_space<vmem>> -> memref<1x50x32xf32, #tpu.memory_space<vmem>>
    %dma_start3A_355 = tpu.memref_squeeze %dma_start3A_354 : memref<1x50x32xf32, #tpu.memory_space<vmem>> -> memref<50x32xf32, #tpu.memory_space<vmem>>
    %dma_start3A_356 = arith.constant 0 : i32
    %dma_start3A_357 = tpu.memref_slice %arg5[%dma_start3A_344, %dma_start3A_356] : memref<512x50xi32, #tpu.memory_space<vmem>> -> memref<1x50xi32, #tpu.memory_space<vmem>>
    %dma_start3A_358 = tpu.memref_squeeze %dma_start3A_357 : memref<1x50xi32, #tpu.memory_space<vmem>> -> memref<50xi32, #tpu.memory_space<vmem>>
    %dma_start3A_359 = arith.constant 0 : i32
    %dma_start3A_360 = arith.constant 0 : i32
    %dma_start3A_361 = tpu.memref_slice %arg3[%dma_start3A_359, %dma_start3A_360] : memref<1000000x32xf32, #tpu.memory_space<hbm>> -> memref<1000000x32xf32, #tpu.memory_space<hbm>>
    tpu.enqueue_indirect_dma source(%dma_start3A_361 : memref<1000000x32xf32, #tpu.memory_space<hbm>>) target(%dma_start3A_355 : memref<50x32xf32, #tpu.memory_space<vmem>>) offsets(%dma_start3A_358 : memref<50xi32, #tpu.memory_space<vmem>>) semaphore(%arg8 : memref<!tpu.dma_semaphore, #tpu.memory_space<semaphore_mem>>)
    %dma_start3A_362 = arith.constant 20 : i32
    %dma_start3A_363 = arith.constant 1 : i32
    %dma_start3A_364 = arith.constant 4 : i32
    %dma_start3A_365 = arith.constant 0 : i32
    %dma_start3A_366 = arith.constant 0 : i32
    %dma_start3A_367 = arith.constant 0 : i32
    %dma_start3A_368 = tpu.memref_slice %arg6[%dma_start3A_363, %dma_start3A_365, %dma_start3A_366, %dma_start3A_367] : memref<2x16x50x32xf32, #tpu.memory_space<vmem>> -> memref<1x16x50x32xf32, #tpu.memory_space<vmem>>
    %dma_start3A_369 = tpu.memref_squeeze %dma_start3A_368 : memref<1x16x50x32xf32, #tpu.memory_space<vmem>> -> memref<16x50x32xf32, #tpu.memory_space<vmem>>
    %dma_start3A_370 = arith.constant 0 : i32
    %dma_start3A_371 = arith.constant 0 : i32
    %dma_start3A_372 = tpu.memref_slice %dma_start3A_369[%dma_start3A_364, %dma_start3A_370, %dma_start3A_371] : memref<16x50x32xf32, #tpu.memory_space<vmem>> -> memref<1x50x32xf32, #tpu.memory_space<vmem>>
    %dma_start3A_373 = tpu.memref_squeeze %dma_start3A_372 : memref<1x50x32xf32, #tpu.memory_space<vmem>> -> memref<50x32xf32, #tpu.memory_space<vmem>>
    %dma_start3A_374 = arith.constant 0 : i32
    %dma_start3A_375 = tpu.memref_slice %arg5[%dma_start3A_362, %dma_start3A_374] : memref<512x50xi32, #tpu.memory_space<vmem>> -> memref<1x50xi32, #tpu.memory_space<vmem>>
    %dma_start3A_376 = tpu.memref_squeeze %dma_start3A_375 : memref<1x50xi32, #tpu.memory_space<vmem>> -> memref<50xi32, #tpu.memory_space<vmem>>
    %dma_start3A_377 = arith.constant 0 : i32
    %dma_start3A_378 = arith.constant 0 : i32
    %dma_start3A_379 = tpu.memref_slice %arg3[%dma_start3A_377, %dma_start3A_378] : memref<1000000x32xf32, #tpu.memory_space<hbm>> -> memref<1000000x32xf32, #tpu.memory_space<hbm>>
    tpu.enqueue_indirect_dma source(%dma_start3A_379 : memref<1000000x32xf32, #tpu.memory_space<hbm>>) target(%dma_start3A_373 : memref<50x32xf32, #tpu.memory_space<vmem>>) offsets(%dma_start3A_376 : memref<50xi32, #tpu.memory_space<vmem>>) semaphore(%arg8 : memref<!tpu.dma_semaphore, #tpu.memory_space<semaphore_mem>>)
    %dma_start3A_380 = arith.constant 21 : i32
    %dma_start3A_381 = arith.constant 1 : i32
    %dma_start3A_382 = arith.constant 5 : i32
    %dma_start3A_383 = arith.constant 0 : i32
    %dma_start3A_384 = arith.constant 0 : i32
    %dma_start3A_385 = arith.constant 0 : i32
    %dma_start3A_386 = tpu.memref_slice %arg6[%dma_start3A_381, %dma_start3A_383, %dma_start3A_384, %dma_start3A_385] : memref<2x16x50x32xf32, #tpu.memory_space<vmem>> -> memref<1x16x50x32xf32, #tpu.memory_space<vmem>>
    %dma_start3A_387 = tpu.memref_squeeze %dma_start3A_386 : memref<1x16x50x32xf32, #tpu.memory_space<vmem>> -> memref<16x50x32xf32, #tpu.memory_space<vmem>>
    %dma_start3A_388 = arith.constant 0 : i32
    %dma_start3A_389 = arith.constant 0 : i32
    %dma_start3A_390 = tpu.memref_slice %dma_start3A_387[%dma_start3A_382, %dma_start3A_388, %dma_start3A_389] : memref<16x50x32xf32, #tpu.memory_space<vmem>> -> memref<1x50x32xf32, #tpu.memory_space<vmem>>
    %dma_start3A_391 = tpu.memref_squeeze %dma_start3A_390 : memref<1x50x32xf32, #tpu.memory_space<vmem>> -> memref<50x32xf32, #tpu.memory_space<vmem>>
    %dma_start3A_392 = arith.constant 0 : i32
    %dma_start3A_393 = tpu.memref_slice %arg5[%dma_start3A_380, %dma_start3A_392] : memref<512x50xi32, #tpu.memory_space<vmem>> -> memref<1x50xi32, #tpu.memory_space<vmem>>
    %dma_start3A_394 = tpu.memref_squeeze %dma_start3A_393 : memref<1x50xi32, #tpu.memory_space<vmem>> -> memref<50xi32, #tpu.memory_space<vmem>>
    %dma_start3A_395 = arith.constant 0 : i32
    %dma_start3A_396 = arith.constant 0 : i32
    %dma_start3A_397 = tpu.memref_slice %arg3[%dma_start3A_395, %dma_start3A_396] : memref<1000000x32xf32, #tpu.memory_space<hbm>> -> memref<1000000x32xf32, #tpu.memory_space<hbm>>
    tpu.enqueue_indirect_dma source(%dma_start3A_397 : memref<1000000x32xf32, #tpu.memory_space<hbm>>) target(%dma_start3A_391 : memref<50x32xf32, #tpu.memory_space<vmem>>) offsets(%dma_start3A_394 : memref<50xi32, #tpu.memory_space<vmem>>) semaphore(%arg8 : memref<!tpu.dma_semaphore, #tpu.memory_space<semaphore_mem>>)
    %dma_start3A_398 = arith.constant 22 : i32
    %dma_start3A_399 = arith.constant 1 : i32
    %dma_start3A_400 = arith.constant 6 : i32
    %dma_start3A_401 = arith.constant 0 : i32
    %dma_start3A_402 = arith.constant 0 : i32
    %dma_start3A_403 = arith.constant 0 : i32
    %dma_start3A_404 = tpu.memref_slice %arg6[%dma_start3A_399, %dma_start3A_401, %dma_start3A_402, %dma_start3A_403] : memref<2x16x50x32xf32, #tpu.memory_space<vmem>> -> memref<1x16x50x32xf32, #tpu.memory_space<vmem>>
    %dma_start3A_405 = tpu.memref_squeeze %dma_start3A_404 : memref<1x16x50x32xf32, #tpu.memory_space<vmem>> -> memref<16x50x32xf32, #tpu.memory_space<vmem>>
    %dma_start3A_406 = arith.constant 0 : i32
    %dma_start3A_407 = arith.constant 0 : i32
    %dma_start3A_408 = tpu.memref_slice %dma_start3A_405[%dma_start3A_400, %dma_start3A_406, %dma_start3A_407] : memref<16x50x32xf32, #tpu.memory_space<vmem>> -> memref<1x50x32xf32, #tpu.memory_space<vmem>>
    %dma_start3A_409 = tpu.memref_squeeze %dma_start3A_408 : memref<1x50x32xf32, #tpu.memory_space<vmem>> -> memref<50x32xf32, #tpu.memory_space<vmem>>
    %dma_start3A_410 = arith.constant 0 : i32
    %dma_start3A_411 = tpu.memref_slice %arg5[%dma_start3A_398, %dma_start3A_410] : memref<512x50xi32, #tpu.memory_space<vmem>> -> memref<1x50xi32, #tpu.memory_space<vmem>>
    %dma_start3A_412 = tpu.memref_squeeze %dma_start3A_411 : memref<1x50xi32, #tpu.memory_space<vmem>> -> memref<50xi32, #tpu.memory_space<vmem>>
    %dma_start3A_413 = arith.constant 0 : i32
    %dma_start3A_414 = arith.constant 0 : i32
    %dma_start3A_415 = tpu.memref_slice %arg3[%dma_start3A_413, %dma_start3A_414] : memref<1000000x32xf32, #tpu.memory_space<hbm>> -> memref<1000000x32xf32, #tpu.memory_space<hbm>>
    tpu.enqueue_indirect_dma source(%dma_start3A_415 : memref<1000000x32xf32, #tpu.memory_space<hbm>>) target(%dma_start3A_409 : memref<50x32xf32, #tpu.memory_space<vmem>>) offsets(%dma_start3A_412 : memref<50xi32, #tpu.memory_space<vmem>>) semaphore(%arg8 : memref<!tpu.dma_semaphore, #tpu.memory_space<semaphore_mem>>)
    %dma_start3A_416 = arith.constant 23 : i32
    %dma_start3A_417 = arith.constant 1 : i32
    %dma_start3A_418 = arith.constant 7 : i32
    %dma_start3A_419 = arith.constant 0 : i32
    %dma_start3A_420 = arith.constant 0 : i32
    %dma_start3A_421 = arith.constant 0 : i32
    %dma_start3A_422 = tpu.memref_slice %arg6[%dma_start3A_417, %dma_start3A_419, %dma_start3A_420, %dma_start3A_421] : memref<2x16x50x32xf32, #tpu.memory_space<vmem>> -> memref<1x16x50x32xf32, #tpu.memory_space<vmem>>
    %dma_start3A_423 = tpu.memref_squeeze %dma_start3A_422 : memref<1x16x50x32xf32, #tpu.memory_space<vmem>> -> memref<16x50x32xf32, #tpu.memory_space<vmem>>
    %dma_start3A_424 = arith.constant 0 : i32
    %dma_start3A_425 = arith.constant 0 : i32
    %dma_start3A_426 = tpu.memref_slice %dma_start3A_423[%dma_start3A_418, %dma_start3A_424, %dma_start3A_425] : memref<16x50x32xf32, #tpu.memory_space<vmem>> -> memref<1x50x32xf32, #tpu.memory_space<vmem>>
    %dma_start3A_427 = tpu.memref_squeeze %dma_start3A_426 : memref<1x50x32xf32, #tpu.memory_space<vmem>> -> memref<50x32xf32, #tpu.memory_space<vmem>>
    %dma_start3A_428 = arith.constant 0 : i32
    %dma_start3A_429 = tpu.memref_slice %arg5[%dma_start3A_416, %dma_start3A_428] : memref<512x50xi32, #tpu.memory_space<vmem>> -> memref<1x50xi32, #tpu.memory_space<vmem>>
    %dma_start3A_430 = tpu.memref_squeeze %dma_start3A_429 : memref<1x50xi32, #tpu.memory_space<vmem>> -> memref<50xi32, #tpu.memory_space<vmem>>
    %dma_start3A_431 = arith.constant 0 : i32
    %dma_start3A_432 = arith.constant 0 : i32
    %dma_start3A_433 = tpu.memref_slice %arg3[%dma_start3A_431, %dma_start3A_432] : memref<1000000x32xf32, #tpu.memory_space<hbm>> -> memref<1000000x32xf32, #tpu.memory_space<hbm>>
    tpu.enqueue_indirect_dma source(%dma_start3A_433 : memref<1000000x32xf32, #tpu.memory_space<hbm>>) target(%dma_start3A_427 : memref<50x32xf32, #tpu.memory_space<vmem>>) offsets(%dma_start3A_430 : memref<50xi32, #tpu.memory_space<vmem>>) semaphore(%arg8 : memref<!tpu.dma_semaphore, #tpu.memory_space<semaphore_mem>>)
    %dma_start3A_434 = arith.constant 24 : i32
    %dma_start3A_435 = arith.constant 1 : i32
    %dma_start3A_436 = arith.constant 8 : i32
    %dma_start3A_437 = arith.constant 0 : i32
    %dma_start3A_438 = arith.constant 0 : i32
    %dma_start3A_439 = arith.constant 0 : i32
    %dma_start3A_440 = tpu.memref_slice %arg6[%dma_start3A_435, %dma_start3A_437, %dma_start3A_438, %dma_start3A_439] : memref<2x16x50x32xf32, #tpu.memory_space<vmem>> -> memref<1x16x50x32xf32, #tpu.memory_space<vmem>>
    %dma_start3A_441 = tpu.memref_squeeze %dma_start3A_440 : memref<1x16x50x32xf32, #tpu.memory_space<vmem>> -> memref<16x50x32xf32, #tpu.memory_space<vmem>>
    %dma_start3A_442 = arith.constant 0 : i32
    %dma_start3A_443 = arith.constant 0 : i32
    %dma_start3A_444 = tpu.memref_slice %dma_start3A_441[%dma_start3A_436, %dma_start3A_442, %dma_start3A_443] : memref<16x50x32xf32, #tpu.memory_space<vmem>> -> memref<1x50x32xf32, #tpu.memory_space<vmem>>
    %dma_start3A_445 = tpu.memref_squeeze %dma_start3A_444 : memref<1x50x32xf32, #tpu.memory_space<vmem>> -> memref<50x32xf32, #tpu.memory_space<vmem>>
    %dma_start3A_446 = arith.constant 0 : i32
    %dma_start3A_447 = tpu.memref_slice %arg5[%dma_start3A_434, %dma_start3A_446] : memref<512x50xi32, #tpu.memory_space<vmem>> -> memref<1x50xi32, #tpu.memory_space<vmem>>
    %dma_start3A_448 = tpu.memref_squeeze %dma_start3A_447 : memref<1x50xi32, #tpu.memory_space<vmem>> -> memref<50xi32, #tpu.memory_space<vmem>>
    %dma_start3A_449 = arith.constant 0 : i32
    %dma_start3A_450 = arith.constant 0 : i32
    %dma_start3A_451 = tpu.memref_slice %arg3[%dma_start3A_449, %dma_start3A_450] : memref<1000000x32xf32, #tpu.memory_space<hbm>> -> memref<1000000x32xf32, #tpu.memory_space<hbm>>
    tpu.enqueue_indirect_dma source(%dma_start3A_451 : memref<1000000x32xf32, #tpu.memory_space<hbm>>) target(%dma_start3A_445 : memref<50x32xf32, #tpu.memory_space<vmem>>) offsets(%dma_start3A_448 : memref<50xi32, #tpu.memory_space<vmem>>) semaphore(%arg8 : memref<!tpu.dma_semaphore, #tpu.memory_space<semaphore_mem>>)
    %dma_start3A_452 = arith.constant 25 : i32
    %dma_start3A_453 = arith.constant 1 : i32
    %dma_start3A_454 = arith.constant 9 : i32
    %dma_start3A_455 = arith.constant 0 : i32
    %dma_start3A_456 = arith.constant 0 : i32
    %dma_start3A_457 = arith.constant 0 : i32
    %dma_start3A_458 = tpu.memref_slice %arg6[%dma_start3A_453, %dma_start3A_455, %dma_start3A_456, %dma_start3A_457] : memref<2x16x50x32xf32, #tpu.memory_space<vmem>> -> memref<1x16x50x32xf32, #tpu.memory_space<vmem>>
    %dma_start3A_459 = tpu.memref_squeeze %dma_start3A_458 : memref<1x16x50x32xf32, #tpu.memory_space<vmem>> -> memref<16x50x32xf32, #tpu.memory_space<vmem>>
    %dma_start3A_460 = arith.constant 0 : i32
    %dma_start3A_461 = arith.constant 0 : i32
    %dma_start3A_462 = tpu.memref_slice %dma_start3A_459[%dma_start3A_454, %dma_start3A_460, %dma_start3A_461] : memref<16x50x32xf32, #tpu.memory_space<vmem>> -> memref<1x50x32xf32, #tpu.memory_space<vmem>>
    %dma_start3A_463 = tpu.memref_squeeze %dma_start3A_462 : memref<1x50x32xf32, #tpu.memory_space<vmem>> -> memref<50x32xf32, #tpu.memory_space<vmem>>
    %dma_start3A_464 = arith.constant 0 : i32
    %dma_start3A_465 = tpu.memref_slice %arg5[%dma_start3A_452, %dma_start3A_464] : memref<512x50xi32, #tpu.memory_space<vmem>> -> memref<1x50xi32, #tpu.memory_space<vmem>>
    %dma_start3A_466 = tpu.memref_squeeze %dma_start3A_465 : memref<1x50xi32, #tpu.memory_space<vmem>> -> memref<50xi32, #tpu.memory_space<vmem>>
    %dma_start3A_467 = arith.constant 0 : i32
    %dma_start3A_468 = arith.constant 0 : i32
    %dma_start3A_469 = tpu.memref_slice %arg3[%dma_start3A_467, %dma_start3A_468] : memref<1000000x32xf32, #tpu.memory_space<hbm>> -> memref<1000000x32xf32, #tpu.memory_space<hbm>>
    tpu.enqueue_indirect_dma source(%dma_start3A_469 : memref<1000000x32xf32, #tpu.memory_space<hbm>>) target(%dma_start3A_463 : memref<50x32xf32, #tpu.memory_space<vmem>>) offsets(%dma_start3A_466 : memref<50xi32, #tpu.memory_space<vmem>>) semaphore(%arg8 : memref<!tpu.dma_semaphore, #tpu.memory_space<semaphore_mem>>)
    %dma_start3A_470 = arith.constant 26 : i32
    %dma_start3A_471 = arith.constant 1 : i32
    %dma_start3A_472 = arith.constant 10 : i32
    %dma_start3A_473 = arith.constant 0 : i32
    %dma_start3A_474 = arith.constant 0 : i32
    %dma_start3A_475 = arith.constant 0 : i32
    %dma_start3A_476 = tpu.memref_slice %arg6[%dma_start3A_471, %dma_start3A_473, %dma_start3A_474, %dma_start3A_475] : memref<2x16x50x32xf32, #tpu.memory_space<vmem>> -> memref<1x16x50x32xf32, #tpu.memory_space<vmem>>
    %dma_start3A_477 = tpu.memref_squeeze %dma_start3A_476 : memref<1x16x50x32xf32, #tpu.memory_space<vmem>> -> memref<16x50x32xf32, #tpu.memory_space<vmem>>
    %dma_start3A_478 = arith.constant 0 : i32
    %dma_start3A_479 = arith.constant 0 : i32
    %dma_start3A_480 = tpu.memref_slice %dma_start3A_477[%dma_start3A_472, %dma_start3A_478, %dma_start3A_479] : memref<16x50x32xf32, #tpu.memory_space<vmem>> -> memref<1x50x32xf32, #tpu.memory_space<vmem>>
    %dma_start3A_481 = tpu.memref_squeeze %dma_start3A_480 : memref<1x50x32xf32, #tpu.memory_space<vmem>> -> memref<50x32xf32, #tpu.memory_space<vmem>>
    %dma_start3A_482 = arith.constant 0 : i32
    %dma_start3A_483 = tpu.memref_slice %arg5[%dma_start3A_470, %dma_start3A_482] : memref<512x50xi32, #tpu.memory_space<vmem>> -> memref<1x50xi32, #tpu.memory_space<vmem>>
    %dma_start3A_484 = tpu.memref_squeeze %dma_start3A_483 : memref<1x50xi32, #tpu.memory_space<vmem>> -> memref<50xi32, #tpu.memory_space<vmem>>
    %dma_start3A_485 = arith.constant 0 : i32
    %dma_start3A_486 = arith.constant 0 : i32
    %dma_start3A_487 = tpu.memref_slice %arg3[%dma_start3A_485, %dma_start3A_486] : memref<1000000x32xf32, #tpu.memory_space<hbm>> -> memref<1000000x32xf32, #tpu.memory_space<hbm>>
    tpu.enqueue_indirect_dma source(%dma_start3A_487 : memref<1000000x32xf32, #tpu.memory_space<hbm>>) target(%dma_start3A_481 : memref<50x32xf32, #tpu.memory_space<vmem>>) offsets(%dma_start3A_484 : memref<50xi32, #tpu.memory_space<vmem>>) semaphore(%arg8 : memref<!tpu.dma_semaphore, #tpu.memory_space<semaphore_mem>>)
    %dma_start3A_488 = arith.constant 27 : i32
    %dma_start3A_489 = arith.constant 1 : i32
    %dma_start3A_490 = arith.constant 11 : i32
    %dma_start3A_491 = arith.constant 0 : i32
    %dma_start3A_492 = arith.constant 0 : i32
    %dma_start3A_493 = arith.constant 0 : i32
    %dma_start3A_494 = tpu.memref_slice %arg6[%dma_start3A_489, %dma_start3A_491, %dma_start3A_492, %dma_start3A_493] : memref<2x16x50x32xf32, #tpu.memory_space<vmem>> -> memref<1x16x50x32xf32, #tpu.memory_space<vmem>>
    %dma_start3A_495 = tpu.memref_squeeze %dma_start3A_494 : memref<1x16x50x32xf32, #tpu.memory_space<vmem>> -> memref<16x50x32xf32, #tpu.memory_space<vmem>>
    %dma_start3A_496 = arith.constant 0 : i32
    %dma_start3A_497 = arith.constant 0 : i32
    %dma_start3A_498 = tpu.memref_slice %dma_start3A_495[%dma_start3A_490, %dma_start3A_496, %dma_start3A_497] : memref<16x50x32xf32, #tpu.memory_space<vmem>> -> memref<1x50x32xf32, #tpu.memory_space<vmem>>
    %dma_start3A_499 = tpu.memref_squeeze %dma_start3A_498 : memref<1x50x32xf32, #tpu.memory_space<vmem>> -> memref<50x32xf32, #tpu.memory_space<vmem>>
    %dma_start3A_500 = arith.constant 0 : i32
    %dma_start3A_501 = tpu.memref_slice %arg5[%dma_start3A_488, %dma_start3A_500] : memref<512x50xi32, #tpu.memory_space<vmem>> -> memref<1x50xi32, #tpu.memory_space<vmem>>
    %dma_start3A_502 = tpu.memref_squeeze %dma_start3A_501 : memref<1x50xi32, #tpu.memory_space<vmem>> -> memref<50xi32, #tpu.memory_space<vmem>>
    %dma_start3A_503 = arith.constant 0 : i32
    %dma_start3A_504 = arith.constant 0 : i32
    %dma_start3A_505 = tpu.memref_slice %arg3[%dma_start3A_503, %dma_start3A_504] : memref<1000000x32xf32, #tpu.memory_space<hbm>> -> memref<1000000x32xf32, #tpu.memory_space<hbm>>
    tpu.enqueue_indirect_dma source(%dma_start3A_505 : memref<1000000x32xf32, #tpu.memory_space<hbm>>) target(%dma_start3A_499 : memref<50x32xf32, #tpu.memory_space<vmem>>) offsets(%dma_start3A_502 : memref<50xi32, #tpu.memory_space<vmem>>) semaphore(%arg8 : memref<!tpu.dma_semaphore, #tpu.memory_space<semaphore_mem>>)
    %dma_start3A_506 = arith.constant 28 : i32
    %dma_start3A_507 = arith.constant 1 : i32
    %dma_start3A_508 = arith.constant 12 : i32
    %dma_start3A_509 = arith.constant 0 : i32
    %dma_start3A_510 = arith.constant 0 : i32
    %dma_start3A_511 = arith.constant 0 : i32
    %dma_start3A_512 = tpu.memref_slice %arg6[%dma_start3A_507, %dma_start3A_509, %dma_start3A_510, %dma_start3A_511] : memref<2x16x50x32xf32, #tpu.memory_space<vmem>> -> memref<1x16x50x32xf32, #tpu.memory_space<vmem>>
    %dma_start3A_513 = tpu.memref_squeeze %dma_start3A_512 : memref<1x16x50x32xf32, #tpu.memory_space<vmem>> -> memref<16x50x32xf32, #tpu.memory_space<vmem>>
    %dma_start3A_514 = arith.constant 0 : i32
    %dma_start3A_515 = arith.constant 0 : i32
    %dma_start3A_516 = tpu.memref_slice %dma_start3A_513[%dma_start3A_508, %dma_start3A_514, %dma_start3A_515] : memref<16x50x32xf32, #tpu.memory_space<vmem>> -> memref<1x50x32xf32, #tpu.memory_space<vmem>>
    %dma_start3A_517 = tpu.memref_squeeze %dma_start3A_516 : memref<1x50x32xf32, #tpu.memory_space<vmem>> -> memref<50x32xf32, #tpu.memory_space<vmem>>
    %dma_start3A_518 = arith.constant 0 : i32
    %dma_start3A_519 = tpu.memref_slice %arg5[%dma_start3A_506, %dma_start3A_518] : memref<512x50xi32, #tpu.memory_space<vmem>> -> memref<1x50xi32, #tpu.memory_space<vmem>>
    %dma_start3A_520 = tpu.memref_squeeze %dma_start3A_519 : memref<1x50xi32, #tpu.memory_space<vmem>> -> memref<50xi32, #tpu.memory_space<vmem>>
    %dma_start3A_521 = arith.constant 0 : i32
    %dma_start3A_522 = arith.constant 0 : i32
    %dma_start3A_523 = tpu.memref_slice %arg3[%dma_start3A_521, %dma_start3A_522] : memref<1000000x32xf32, #tpu.memory_space<hbm>> -> memref<1000000x32xf32, #tpu.memory_space<hbm>>
    tpu.enqueue_indirect_dma source(%dma_start3A_523 : memref<1000000x32xf32, #tpu.memory_space<hbm>>) target(%dma_start3A_517 : memref<50x32xf32, #tpu.memory_space<vmem>>) offsets(%dma_start3A_520 : memref<50xi32, #tpu.memory_space<vmem>>) semaphore(%arg8 : memref<!tpu.dma_semaphore, #tpu.memory_space<semaphore_mem>>)
    %dma_start3A_524 = arith.constant 29 : i32
    %dma_start3A_525 = arith.constant 1 : i32
    %dma_start3A_526 = arith.constant 13 : i32
    %dma_start3A_527 = arith.constant 0 : i32
    %dma_start3A_528 = arith.constant 0 : i32
    %dma_start3A_529 = arith.constant 0 : i32
    %dma_start3A_530 = tpu.memref_slice %arg6[%dma_start3A_525, %dma_start3A_527, %dma_start3A_528, %dma_start3A_529] : memref<2x16x50x32xf32, #tpu.memory_space<vmem>> -> memref<1x16x50x32xf32, #tpu.memory_space<vmem>>
    %dma_start3A_531 = tpu.memref_squeeze %dma_start3A_530 : memref<1x16x50x32xf32, #tpu.memory_space<vmem>> -> memref<16x50x32xf32, #tpu.memory_space<vmem>>
    %dma_start3A_532 = arith.constant 0 : i32
    %dma_start3A_533 = arith.constant 0 : i32
    %dma_start3A_534 = tpu.memref_slice %dma_start3A_531[%dma_start3A_526, %dma_start3A_532, %dma_start3A_533] : memref<16x50x32xf32, #tpu.memory_space<vmem>> -> memref<1x50x32xf32, #tpu.memory_space<vmem>>
    %dma_start3A_535 = tpu.memref_squeeze %dma_start3A_534 : memref<1x50x32xf32, #tpu.memory_space<vmem>> -> memref<50x32xf32, #tpu.memory_space<vmem>>
    %dma_start3A_536 = arith.constant 0 : i32
    %dma_start3A_537 = tpu.memref_slice %arg5[%dma_start3A_524, %dma_start3A_536] : memref<512x50xi32, #tpu.memory_space<vmem>> -> memref<1x50xi32, #tpu.memory_space<vmem>>
    %dma_start3A_538 = tpu.memref_squeeze %dma_start3A_537 : memref<1x50xi32, #tpu.memory_space<vmem>> -> memref<50xi32, #tpu.memory_space<vmem>>
    %dma_start3A_539 = arith.constant 0 : i32
    %dma_start3A_540 = arith.constant 0 : i32
    %dma_start3A_541 = tpu.memref_slice %arg3[%dma_start3A_539, %dma_start3A_540] : memref<1000000x32xf32, #tpu.memory_space<hbm>> -> memref<1000000x32xf32, #tpu.memory_space<hbm>>
    tpu.enqueue_indirect_dma source(%dma_start3A_541 : memref<1000000x32xf32, #tpu.memory_space<hbm>>) target(%dma_start3A_535 : memref<50x32xf32, #tpu.memory_space<vmem>>) offsets(%dma_start3A_538 : memref<50xi32, #tpu.memory_space<vmem>>) semaphore(%arg8 : memref<!tpu.dma_semaphore, #tpu.memory_space<semaphore_mem>>)
    %dma_start3A_542 = arith.constant 30 : i32
    %dma_start3A_543 = arith.constant 1 : i32
    %dma_start3A_544 = arith.constant 14 : i32
    %dma_start3A_545 = arith.constant 0 : i32
    %dma_start3A_546 = arith.constant 0 : i32
    %dma_start3A_547 = arith.constant 0 : i32
    %dma_start3A_548 = tpu.memref_slice %arg6[%dma_start3A_543, %dma_start3A_545, %dma_start3A_546, %dma_start3A_547] : memref<2x16x50x32xf32, #tpu.memory_space<vmem>> -> memref<1x16x50x32xf32, #tpu.memory_space<vmem>>
    %dma_start3A_549 = tpu.memref_squeeze %dma_start3A_548 : memref<1x16x50x32xf32, #tpu.memory_space<vmem>> -> memref<16x50x32xf32, #tpu.memory_space<vmem>>
    %dma_start3A_550 = arith.constant 0 : i32
    %dma_start3A_551 = arith.constant 0 : i32
    %dma_start3A_552 = tpu.memref_slice %dma_start3A_549[%dma_start3A_544, %dma_start3A_550, %dma_start3A_551] : memref<16x50x32xf32, #tpu.memory_space<vmem>> -> memref<1x50x32xf32, #tpu.memory_space<vmem>>
    %dma_start3A_553 = tpu.memref_squeeze %dma_start3A_552 : memref<1x50x32xf32, #tpu.memory_space<vmem>> -> memref<50x32xf32, #tpu.memory_space<vmem>>
    %dma_start3A_554 = arith.constant 0 : i32
    %dma_start3A_555 = tpu.memref_slice %arg5[%dma_start3A_542, %dma_start3A_554] : memref<512x50xi32, #tpu.memory_space<vmem>> -> memref<1x50xi32, #tpu.memory_space<vmem>>
    %dma_start3A_556 = tpu.memref_squeeze %dma_start3A_555 : memref<1x50xi32, #tpu.memory_space<vmem>> -> memref<50xi32, #tpu.memory_space<vmem>>
    %dma_start3A_557 = arith.constant 0 : i32
    %dma_start3A_558 = arith.constant 0 : i32
    %dma_start3A_559 = tpu.memref_slice %arg3[%dma_start3A_557, %dma_start3A_558] : memref<1000000x32xf32, #tpu.memory_space<hbm>> -> memref<1000000x32xf32, #tpu.memory_space<hbm>>
    tpu.enqueue_indirect_dma source(%dma_start3A_559 : memref<1000000x32xf32, #tpu.memory_space<hbm>>) target(%dma_start3A_553 : memref<50x32xf32, #tpu.memory_space<vmem>>) offsets(%dma_start3A_556 : memref<50xi32, #tpu.memory_space<vmem>>) semaphore(%arg8 : memref<!tpu.dma_semaphore, #tpu.memory_space<semaphore_mem>>)
    %dma_start3A_560 = arith.constant 31 : i32
    %dma_start3A_561 = arith.constant 1 : i32
    %dma_start3A_562 = arith.constant 15 : i32
    %dma_start3A_563 = arith.constant 0 : i32
    %dma_start3A_564 = arith.constant 0 : i32
    %dma_start3A_565 = arith.constant 0 : i32
    %dma_start3A_566 = tpu.memref_slice %arg6[%dma_start3A_561, %dma_start3A_563, %dma_start3A_564, %dma_start3A_565] : memref<2x16x50x32xf32, #tpu.memory_space<vmem>> -> memref<1x16x50x32xf32, #tpu.memory_space<vmem>>
    %dma_start3A_567 = tpu.memref_squeeze %dma_start3A_566 : memref<1x16x50x32xf32, #tpu.memory_space<vmem>> -> memref<16x50x32xf32, #tpu.memory_space<vmem>>
    %dma_start3A_568 = arith.constant 0 : i32
    %dma_start3A_569 = arith.constant 0 : i32
    %dma_start3A_570 = tpu.memref_slice %dma_start3A_567[%dma_start3A_562, %dma_start3A_568, %dma_start3A_569] : memref<16x50x32xf32, #tpu.memory_space<vmem>> -> memref<1x50x32xf32, #tpu.memory_space<vmem>>
    %dma_start3A_571 = tpu.memref_squeeze %dma_start3A_570 : memref<1x50x32xf32, #tpu.memory_space<vmem>> -> memref<50x32xf32, #tpu.memory_space<vmem>>
    %dma_start3A_572 = arith.constant 0 : i32
    %dma_start3A_573 = tpu.memref_slice %arg5[%dma_start3A_560, %dma_start3A_572] : memref<512x50xi32, #tpu.memory_space<vmem>> -> memref<1x50xi32, #tpu.memory_space<vmem>>
    %dma_start3A_574 = tpu.memref_squeeze %dma_start3A_573 : memref<1x50xi32, #tpu.memory_space<vmem>> -> memref<50xi32, #tpu.memory_space<vmem>>
    %dma_start3A_575 = arith.constant 0 : i32
    %dma_start3A_576 = arith.constant 0 : i32
    %dma_start3A_577 = tpu.memref_slice %arg3[%dma_start3A_575, %dma_start3A_576] : memref<1000000x32xf32, #tpu.memory_space<hbm>> -> memref<1000000x32xf32, #tpu.memory_space<hbm>>
    tpu.enqueue_indirect_dma source(%dma_start3A_577 : memref<1000000x32xf32, #tpu.memory_space<hbm>>) target(%dma_start3A_571 : memref<50x32xf32, #tpu.memory_space<vmem>>) offsets(%dma_start3A_574 : memref<50xi32, #tpu.memory_space<vmem>>) semaphore(%arg8 : memref<!tpu.dma_semaphore, #tpu.memory_space<semaphore_mem>>)
    %dma_wait3A = arith.constant 0 : i32
    %dma_wait3A_578 = arith.constant 0 : i32
    %dma_wait3A_579 = arith.constant 0 : i32
    %dma_wait3A_580 = arith.constant 0 : i32
    %dma_wait3A_581 = tpu.memref_slice %arg6[%dma_wait3A, %dma_wait3A_578, %dma_wait3A_579, %dma_wait3A_580] : memref<2x16x50x32xf32, #tpu.memory_space<vmem>> -> memref<1x16x50x32xf32, #tpu.memory_space<vmem>>
    %dma_wait3A_582 = tpu.memref_squeeze %dma_wait3A_581 : memref<1x16x50x32xf32, #tpu.memory_space<vmem>> -> memref<16x50x32xf32, #tpu.memory_space<vmem>>
    %dma_wait3A_583 = arith.constant 0 : i32
    %dma_wait3A_584 = arith.constant 0 : i32
    %dma_wait3A_585 = tpu.memref_slice %arg4[%mul3A_2, %dma_wait3A_583, %dma_wait3A_584] : memref<16384x50x32xf32, #tpu.memory_space<hbm>> -> memref<16x50x32xf32, #tpu.memory_space<hbm>>
    %dma_wait3A_586 = arith.constant 0 : i32
    %dma_wait3A_587 = arith.constant 0 : i32
    %dma_wait3A_588 = arith.constant 0 : i32
    %dma_wait3A_589 = tpu.memref_slice %arg6[%dma_wait3A, %dma_wait3A_586, %dma_wait3A_587, %dma_wait3A_588] : memref<2x16x50x32xf32, #tpu.memory_space<vmem>> -> memref<1x16x50x32xf32, #tpu.memory_space<vmem>>
    %dma_wait3A_590 = tpu.memref_squeeze %dma_wait3A_589 : memref<1x16x50x32xf32, #tpu.memory_space<vmem>> -> memref<16x50x32xf32, #tpu.memory_space<vmem>>
    %dma_wait3A_591 = arith.constant 0 : i32
    %dma_wait3A_592 = arith.constant 0 : i32
    %dma_wait3A_593 = tpu.memref_slice %arg4[%mul3A_2, %dma_wait3A_591, %dma_wait3A_592] : memref<16384x50x32xf32, #tpu.memory_space<hbm>> -> memref<16x50x32xf32, #tpu.memory_space<hbm>>
    tpu.wait_dma2 semaphore(%arg7 : memref<!tpu.dma_semaphore, #tpu.memory_space<semaphore_mem>>) src(%dma_wait3A_593 : memref<16x50x32xf32, #tpu.memory_space<hbm>>) dst(%dma_wait3A_590 : memref<16x50x32xf32, #tpu.memory_space<vmem>>)
    %add3A_594 = arith.constant 0 : i32
    %add3A_595 = arith.addi %mul3A_2, %add3A_594 : i32
    %dma_start3A_596 = arith.constant 0 : i32
    %dma_start3A_597 = arith.constant 0 : i32
    %dma_start3A_598 = arith.constant 0 : i32
    %dma_start3A_599 = arith.constant 0 : i32
    %dma_start3A_600 = tpu.memref_slice %arg6[%dma_start3A_596, %dma_start3A_597, %dma_start3A_598, %dma_start3A_599] : memref<2x16x50x32xf32, #tpu.memory_space<vmem>> -> memref<1x16x50x32xf32, #tpu.memory_space<vmem>>
    %dma_start3A_601 = tpu.memref_squeeze %dma_start3A_600 : memref<1x16x50x32xf32, #tpu.memory_space<vmem>> -> memref<16x50x32xf32, #tpu.memory_space<vmem>>
    %dma_start3A_602 = arith.constant 0 : i32
    %dma_start3A_603 = arith.constant 0 : i32
    %dma_start3A_604 = tpu.memref_slice %arg4[%add3A_595, %dma_start3A_602, %dma_start3A_603] : memref<16384x50x32xf32, #tpu.memory_space<hbm>> -> memref<16x50x32xf32, #tpu.memory_space<hbm>>
    %dma_start3A_605 = arith.constant 0 : i32
    %dma_start3A_606 = arith.constant 0 : i32
    %dma_start3A_607 = tpu.memref_slice %arg4[%add3A_595, %dma_start3A_605, %dma_start3A_606] : memref<16384x50x32xf32, #tpu.memory_space<hbm>> -> memref<16x50x32xf32, #tpu.memory_space<hbm>>
    %dma_start3A_608 = arith.constant 0 : i32
    %dma_start3A_609 = arith.constant 0 : i32
    %dma_start3A_610 = arith.constant 0 : i32
    %dma_start3A_611 = tpu.memref_slice %arg6[%dma_start3A_596, %dma_start3A_608, %dma_start3A_609, %dma_start3A_610] : memref<2x16x50x32xf32, #tpu.memory_space<vmem>> -> memref<1x16x50x32xf32, #tpu.memory_space<vmem>>
    %dma_start3A_612 = tpu.memref_squeeze %dma_start3A_611 : memref<1x16x50x32xf32, #tpu.memory_space<vmem>> -> memref<16x50x32xf32, #tpu.memory_space<vmem>>
    tpu.enqueue_dma source(%dma_start3A_612 : memref<16x50x32xf32, #tpu.memory_space<vmem>>) target(%dma_start3A_607 : memref<16x50x32xf32, #tpu.memory_space<hbm>>) target_semaphore(%arg9 : memref<!tpu.dma_semaphore, #tpu.memory_space<semaphore_mem>>)
    %scan3A = arith.constant 0 : i32
    %scan3A_613 = arith.constant 15 : i32
    %scan3A_614 = arith.addi %scan3A, %scan3A_613 : i32
    %scan3A_615 = arith.constant 1 : i32
    scf.for %scan3A_687 = %scan3A to %scan3A_614 step %scan3A_615  : i32 {
      %mul3A_688 = arith.constant 2 : i32
      %mul3A_689 = arith.muli %scan3A_687, %mul3A_688 : i32
      %add3A_690 = arith.constant 2 : i32
      %add3A_691 = arith.addi %add3A_690, %mul3A_689 : i32
      %add3A_692 = arith.constant 0 : i32
      %add3A_693 = arith.addi %add3A_691, %add3A_692 : i32
      %dma_wait3A_694 = arith.constant 0 : i32
      %dma_wait3A_695 = arith.constant 0 : i32
      %dma_wait3A_696 = arith.constant 0 : i32
      %dma_wait3A_697 = arith.constant 0 : i32
      %dma_wait3A_698 = tpu.memref_slice %arg6[%dma_wait3A_694, %dma_wait3A_695, %dma_wait3A_696, %dma_wait3A_697] : memref<2x16x50x32xf32, #tpu.memory_space<vmem>> -> memref<1x16x50x32xf32, #tpu.memory_space<vmem>>
      %dma_wait3A_699 = tpu.memref_squeeze %dma_wait3A_698 : memref<1x16x50x32xf32, #tpu.memory_space<vmem>> -> memref<16x50x32xf32, #tpu.memory_space<vmem>>
      %dma_wait3A_700 = arith.constant 0 : i32
      %dma_wait3A_701 = arith.constant 0 : i32
      %dma_wait3A_702 = tpu.memref_slice %arg4[%mul3A_2, %dma_wait3A_700, %dma_wait3A_701] : memref<16384x50x32xf32, #tpu.memory_space<hbm>> -> memref<16x50x32xf32, #tpu.memory_space<hbm>>
      %dma_wait3A_703 = arith.constant 0 : i32
      %dma_wait3A_704 = arith.constant 0 : i32
      %dma_wait3A_705 = tpu.memref_slice %arg4[%mul3A_2, %dma_wait3A_703, %dma_wait3A_704] : memref<16384x50x32xf32, #tpu.memory_space<hbm>> -> memref<16x50x32xf32, #tpu.memory_space<hbm>>
      %dma_wait3A_706 = arith.constant 0 : i32
      %dma_wait3A_707 = arith.constant 0 : i32
      %dma_wait3A_708 = arith.constant 0 : i32
      %dma_wait3A_709 = tpu.memref_slice %arg6[%dma_wait3A_694, %dma_wait3A_706, %dma_wait3A_707, %dma_wait3A_708] : memref<2x16x50x32xf32, #tpu.memory_space<vmem>> -> memref<1x16x50x32xf32, #tpu.memory_space<vmem>>
      %dma_wait3A_710 = tpu.memref_squeeze %dma_wait3A_709 : memref<1x16x50x32xf32, #tpu.memory_space<vmem>> -> memref<16x50x32xf32, #tpu.memory_space<vmem>>
      tpu.wait_dma2 semaphore(%arg9 : memref<!tpu.dma_semaphore, #tpu.memory_space<semaphore_mem>>) src(%dma_wait3A_710 : memref<16x50x32xf32, #tpu.memory_space<vmem>>) dst(%dma_wait3A_705 : memref<16x50x32xf32, #tpu.memory_space<hbm>>)
      %mul3A_711 = arith.constant 16 : i32
      %mul3A_712 = arith.muli %add3A_693, %mul3A_711 : i32
      %add3A_713 = arith.constant 0 : i32
      %add3A_714 = arith.addi %mul3A_712, %add3A_713 : i32
      %dma_start3A_715 = arith.constant 0 : i32
      %dma_start3A_716 = arith.constant 0 : i32
      %dma_start3A_717 = arith.constant 0 : i32
      %dma_start3A_718 = arith.constant 0 : i32
      %dma_start3A_719 = arith.constant 0 : i32
      %dma_start3A_720 = tpu.memref_slice %arg6[%dma_start3A_715, %dma_start3A_717, %dma_start3A_718, %dma_start3A_719] : memref<2x16x50x32xf32, #tpu.memory_space<vmem>> -> memref<1x16x50x32xf32, #tpu.memory_space<vmem>>
      %dma_start3A_721 = tpu.memref_squeeze %dma_start3A_720 : memref<1x16x50x32xf32, #tpu.memory_space<vmem>> -> memref<16x50x32xf32, #tpu.memory_space<vmem>>
      %dma_start3A_722 = arith.constant 0 : i32
      %dma_start3A_723 = arith.constant 0 : i32
      %dma_start3A_724 = tpu.memref_slice %dma_start3A_721[%dma_start3A_716, %dma_start3A_722, %dma_start3A_723] : memref<16x50x32xf32, #tpu.memory_space<vmem>> -> memref<1x50x32xf32, #tpu.memory_space<vmem>>
      %dma_start3A_725 = tpu.memref_squeeze %dma_start3A_724 : memref<1x50x32xf32, #tpu.memory_space<vmem>> -> memref<50x32xf32, #tpu.memory_space<vmem>>
      %dma_start3A_726 = arith.constant 0 : i32
      %dma_start3A_727 = tpu.memref_slice %arg5[%add3A_714, %dma_start3A_726] : memref<512x50xi32, #tpu.memory_space<vmem>> -> memref<1x50xi32, #tpu.memory_space<vmem>>
      %dma_start3A_728 = tpu.memref_squeeze %dma_start3A_727 : memref<1x50xi32, #tpu.memory_space<vmem>> -> memref<50xi32, #tpu.memory_space<vmem>>
      %dma_start3A_729 = arith.constant 0 : i32
      %dma_start3A_730 = arith.constant 0 : i32
      %dma_start3A_731 = tpu.memref_slice %arg3[%dma_start3A_729, %dma_start3A_730] : memref<1000000x32xf32, #tpu.memory_space<hbm>> -> memref<1000000x32xf32, #tpu.memory_space<hbm>>
      tpu.enqueue_indirect_dma source(%dma_start3A_731 : memref<1000000x32xf32, #tpu.memory_space<hbm>>) target(%dma_start3A_725 : memref<50x32xf32, #tpu.memory_space<vmem>>) offsets(%dma_start3A_728 : memref<50xi32, #tpu.memory_space<vmem>>) semaphore(%arg7 : memref<!tpu.dma_semaphore, #tpu.memory_space<semaphore_mem>>)
      %mul3A_732 = arith.constant 16 : i32
      %mul3A_733 = arith.muli %add3A_693, %mul3A_732 : i32
      %add3A_734 = arith.constant 1 : i32
      %add3A_735 = arith.addi %mul3A_733, %add3A_734 : i32
      %dma_start3A_736 = arith.constant 0 : i32
      %dma_start3A_737 = arith.constant 1 : i32
      %dma_start3A_738 = arith.constant 0 : i32
      %dma_start3A_739 = arith.constant 0 : i32
      %dma_start3A_740 = arith.constant 0 : i32
      %dma_start3A_741 = tpu.memref_slice %arg6[%dma_start3A_736, %dma_start3A_738, %dma_start3A_739, %dma_start3A_740] : memref<2x16x50x32xf32, #tpu.memory_space<vmem>> -> memref<1x16x50x32xf32, #tpu.memory_space<vmem>>
      %dma_start3A_742 = tpu.memref_squeeze %dma_start3A_741 : memref<1x16x50x32xf32, #tpu.memory_space<vmem>> -> memref<16x50x32xf32, #tpu.memory_space<vmem>>
      %dma_start3A_743 = arith.constant 0 : i32
      %dma_start3A_744 = arith.constant 0 : i32
      %dma_start3A_745 = tpu.memref_slice %dma_start3A_742[%dma_start3A_737, %dma_start3A_743, %dma_start3A_744] : memref<16x50x32xf32, #tpu.memory_space<vmem>> -> memref<1x50x32xf32, #tpu.memory_space<vmem>>
      %dma_start3A_746 = tpu.memref_squeeze %dma_start3A_745 : memref<1x50x32xf32, #tpu.memory_space<vmem>> -> memref<50x32xf32, #tpu.memory_space<vmem>>
      %dma_start3A_747 = arith.constant 0 : i32
      %dma_start3A_748 = tpu.memref_slice %arg5[%add3A_735, %dma_start3A_747] : memref<512x50xi32, #tpu.memory_space<vmem>> -> memref<1x50xi32, #tpu.memory_space<vmem>>
      %dma_start3A_749 = tpu.memref_squeeze %dma_start3A_748 : memref<1x50xi32, #tpu.memory_space<vmem>> -> memref<50xi32, #tpu.memory_space<vmem>>
      %dma_start3A_750 = arith.constant 0 : i32
      %dma_start3A_751 = arith.constant 0 : i32
      %dma_start3A_752 = tpu.memref_slice %arg3[%dma_start3A_750, %dma_start3A_751] : memref<1000000x32xf32, #tpu.memory_space<hbm>> -> memref<1000000x32xf32, #tpu.memory_space<hbm>>
      tpu.enqueue_indirect_dma source(%dma_start3A_752 : memref<1000000x32xf32, #tpu.memory_space<hbm>>) target(%dma_start3A_746 : memref<50x32xf32, #tpu.memory_space<vmem>>) offsets(%dma_start3A_749 : memref<50xi32, #tpu.memory_space<vmem>>) semaphore(%arg7 : memref<!tpu.dma_semaphore, #tpu.memory_space<semaphore_mem>>)
      %mul3A_753 = arith.constant 16 : i32
      %mul3A_754 = arith.muli %add3A_693, %mul3A_753 : i32
      %add3A_755 = arith.constant 2 : i32
      %add3A_756 = arith.addi %mul3A_754, %add3A_755 : i32
      %dma_start3A_757 = arith.constant 0 : i32
      %dma_start3A_758 = arith.constant 2 : i32
      %dma_start3A_759 = arith.constant 0 : i32
      %dma_start3A_760 = arith.constant 0 : i32
      %dma_start3A_761 = arith.constant 0 : i32
      %dma_start3A_762 = tpu.memref_slice %arg6[%dma_start3A_757, %dma_start3A_759, %dma_start3A_760, %dma_start3A_761] : memref<2x16x50x32xf32, #tpu.memory_space<vmem>> -> memref<1x16x50x32xf32, #tpu.memory_space<vmem>>
      %dma_start3A_763 = tpu.memref_squeeze %dma_start3A_762 : memref<1x16x50x32xf32, #tpu.memory_space<vmem>> -> memref<16x50x32xf32, #tpu.memory_space<vmem>>
      %dma_start3A_764 = arith.constant 0 : i32
      %dma_start3A_765 = arith.constant 0 : i32
      %dma_start3A_766 = tpu.memref_slice %dma_start3A_763[%dma_start3A_758, %dma_start3A_764, %dma_start3A_765] : memref<16x50x32xf32, #tpu.memory_space<vmem>> -> memref<1x50x32xf32, #tpu.memory_space<vmem>>
      %dma_start3A_767 = tpu.memref_squeeze %dma_start3A_766 : memref<1x50x32xf32, #tpu.memory_space<vmem>> -> memref<50x32xf32, #tpu.memory_space<vmem>>
      %dma_start3A_768 = arith.constant 0 : i32
      %dma_start3A_769 = tpu.memref_slice %arg5[%add3A_756, %dma_start3A_768] : memref<512x50xi32, #tpu.memory_space<vmem>> -> memref<1x50xi32, #tpu.memory_space<vmem>>
      %dma_start3A_770 = tpu.memref_squeeze %dma_start3A_769 : memref<1x50xi32, #tpu.memory_space<vmem>> -> memref<50xi32, #tpu.memory_space<vmem>>
      %dma_start3A_771 = arith.constant 0 : i32
      %dma_start3A_772 = arith.constant 0 : i32
      %dma_start3A_773 = tpu.memref_slice %arg3[%dma_start3A_771, %dma_start3A_772] : memref<1000000x32xf32, #tpu.memory_space<hbm>> -> memref<1000000x32xf32, #tpu.memory_space<hbm>>
      tpu.enqueue_indirect_dma source(%dma_start3A_773 : memref<1000000x32xf32, #tpu.memory_space<hbm>>) target(%dma_start3A_767 : memref<50x32xf32, #tpu.memory_space<vmem>>) offsets(%dma_start3A_770 : memref<50xi32, #tpu.memory_space<vmem>>) semaphore(%arg7 : memref<!tpu.dma_semaphore, #tpu.memory_space<semaphore_mem>>)
      %mul3A_774 = arith.constant 16 : i32
      %mul3A_775 = arith.muli %add3A_693, %mul3A_774 : i32
      %add3A_776 = arith.constant 3 : i32
      %add3A_777 = arith.addi %mul3A_775, %add3A_776 : i32
      %dma_start3A_778 = arith.constant 0 : i32
      %dma_start3A_779 = arith.constant 3 : i32
      %dma_start3A_780 = arith.constant 0 : i32
      %dma_start3A_781 = arith.constant 0 : i32
      %dma_start3A_782 = arith.constant 0 : i32
      %dma_start3A_783 = tpu.memref_slice %arg6[%dma_start3A_778, %dma_start3A_780, %dma_start3A_781, %dma_start3A_782] : memref<2x16x50x32xf32, #tpu.memory_space<vmem>> -> memref<1x16x50x32xf32, #tpu.memory_space<vmem>>
      %dma_start3A_784 = tpu.memref_squeeze %dma_start3A_783 : memref<1x16x50x32xf32, #tpu.memory_space<vmem>> -> memref<16x50x32xf32, #tpu.memory_space<vmem>>
      %dma_start3A_785 = arith.constant 0 : i32
      %dma_start3A_786 = arith.constant 0 : i32
      %dma_start3A_787 = tpu.memref_slice %dma_start3A_784[%dma_start3A_779, %dma_start3A_785, %dma_start3A_786] : memref<16x50x32xf32, #tpu.memory_space<vmem>> -> memref<1x50x32xf32, #tpu.memory_space<vmem>>
      %dma_start3A_788 = tpu.memref_squeeze %dma_start3A_787 : memref<1x50x32xf32, #tpu.memory_space<vmem>> -> memref<50x32xf32, #tpu.memory_space<vmem>>
      %dma_start3A_789 = arith.constant 0 : i32
      %dma_start3A_790 = tpu.memref_slice %arg5[%add3A_777, %dma_start3A_789] : memref<512x50xi32, #tpu.memory_space<vmem>> -> memref<1x50xi32, #tpu.memory_space<vmem>>
      %dma_start3A_791 = tpu.memref_squeeze %dma_start3A_790 : memref<1x50xi32, #tpu.memory_space<vmem>> -> memref<50xi32, #tpu.memory_space<vmem>>
      %dma_start3A_792 = arith.constant 0 : i32
      %dma_start3A_793 = arith.constant 0 : i32
      %dma_start3A_794 = tpu.memref_slice %arg3[%dma_start3A_792, %dma_start3A_793] : memref<1000000x32xf32, #tpu.memory_space<hbm>> -> memref<1000000x32xf32, #tpu.memory_space<hbm>>
      tpu.enqueue_indirect_dma source(%dma_start3A_794 : memref<1000000x32xf32, #tpu.memory_space<hbm>>) target(%dma_start3A_788 : memref<50x32xf32, #tpu.memory_space<vmem>>) offsets(%dma_start3A_791 : memref<50xi32, #tpu.memory_space<vmem>>) semaphore(%arg7 : memref<!tpu.dma_semaphore, #tpu.memory_space<semaphore_mem>>)
      %mul3A_795 = arith.constant 16 : i32
      %mul3A_796 = arith.muli %add3A_693, %mul3A_795 : i32
      %add3A_797 = arith.constant 4 : i32
      %add3A_798 = arith.addi %mul3A_796, %add3A_797 : i32
      %dma_start3A_799 = arith.constant 0 : i32
      %dma_start3A_800 = arith.constant 4 : i32
      %dma_start3A_801 = arith.constant 0 : i32
      %dma_start3A_802 = arith.constant 0 : i32
      %dma_start3A_803 = arith.constant 0 : i32
      %dma_start3A_804 = tpu.memref_slice %arg6[%dma_start3A_799, %dma_start3A_801, %dma_start3A_802, %dma_start3A_803] : memref<2x16x50x32xf32, #tpu.memory_space<vmem>> -> memref<1x16x50x32xf32, #tpu.memory_space<vmem>>
      %dma_start3A_805 = tpu.memref_squeeze %dma_start3A_804 : memref<1x16x50x32xf32, #tpu.memory_space<vmem>> -> memref<16x50x32xf32, #tpu.memory_space<vmem>>
      %dma_start3A_806 = arith.constant 0 : i32
      %dma_start3A_807 = arith.constant 0 : i32
      %dma_start3A_808 = tpu.memref_slice %dma_start3A_805[%dma_start3A_800, %dma_start3A_806, %dma_start3A_807] : memref<16x50x32xf32, #tpu.memory_space<vmem>> -> memref<1x50x32xf32, #tpu.memory_space<vmem>>
      %dma_start3A_809 = tpu.memref_squeeze %dma_start3A_808 : memref<1x50x32xf32, #tpu.memory_space<vmem>> -> memref<50x32xf32, #tpu.memory_space<vmem>>
      %dma_start3A_810 = arith.constant 0 : i32
      %dma_start3A_811 = tpu.memref_slice %arg5[%add3A_798, %dma_start3A_810] : memref<512x50xi32, #tpu.memory_space<vmem>> -> memref<1x50xi32, #tpu.memory_space<vmem>>
      %dma_start3A_812 = tpu.memref_squeeze %dma_start3A_811 : memref<1x50xi32, #tpu.memory_space<vmem>> -> memref<50xi32, #tpu.memory_space<vmem>>
      %dma_start3A_813 = arith.constant 0 : i32
      %dma_start3A_814 = arith.constant 0 : i32
      %dma_start3A_815 = tpu.memref_slice %arg3[%dma_start3A_813, %dma_start3A_814] : memref<1000000x32xf32, #tpu.memory_space<hbm>> -> memref<1000000x32xf32, #tpu.memory_space<hbm>>
      tpu.enqueue_indirect_dma source(%dma_start3A_815 : memref<1000000x32xf32, #tpu.memory_space<hbm>>) target(%dma_start3A_809 : memref<50x32xf32, #tpu.memory_space<vmem>>) offsets(%dma_start3A_812 : memref<50xi32, #tpu.memory_space<vmem>>) semaphore(%arg7 : memref<!tpu.dma_semaphore, #tpu.memory_space<semaphore_mem>>)
      %mul3A_816 = arith.constant 16 : i32
      %mul3A_817 = arith.muli %add3A_693, %mul3A_816 : i32
      %add3A_818 = arith.constant 5 : i32
      %add3A_819 = arith.addi %mul3A_817, %add3A_818 : i32
      %dma_start3A_820 = arith.constant 0 : i32
      %dma_start3A_821 = arith.constant 5 : i32
      %dma_start3A_822 = arith.constant 0 : i32
      %dma_start3A_823 = arith.constant 0 : i32
      %dma_start3A_824 = arith.constant 0 : i32
      %dma_start3A_825 = tpu.memref_slice %arg6[%dma_start3A_820, %dma_start3A_822, %dma_start3A_823, %dma_start3A_824] : memref<2x16x50x32xf32, #tpu.memory_space<vmem>> -> memref<1x16x50x32xf32, #tpu.memory_space<vmem>>
      %dma_start3A_826 = tpu.memref_squeeze %dma_start3A_825 : memref<1x16x50x32xf32, #tpu.memory_space<vmem>> -> memref<16x50x32xf32, #tpu.memory_space<vmem>>
      %dma_start3A_827 = arith.constant 0 : i32
      %dma_start3A_828 = arith.constant 0 : i32
      %dma_start3A_829 = tpu.memref_slice %dma_start3A_826[%dma_start3A_821, %dma_start3A_827, %dma_start3A_828] : memref<16x50x32xf32, #tpu.memory_space<vmem>> -> memref<1x50x32xf32, #tpu.memory_space<vmem>>
      %dma_start3A_830 = tpu.memref_squeeze %dma_start3A_829 : memref<1x50x32xf32, #tpu.memory_space<vmem>> -> memref<50x32xf32, #tpu.memory_space<vmem>>
      %dma_start3A_831 = arith.constant 0 : i32
      %dma_start3A_832 = tpu.memref_slice %arg5[%add3A_819, %dma_start3A_831] : memref<512x50xi32, #tpu.memory_space<vmem>> -> memref<1x50xi32, #tpu.memory_space<vmem>>
      %dma_start3A_833 = tpu.memref_squeeze %dma_start3A_832 : memref<1x50xi32, #tpu.memory_space<vmem>> -> memref<50xi32, #tpu.memory_space<vmem>>
      %dma_start3A_834 = arith.constant 0 : i32
      %dma_start3A_835 = arith.constant 0 : i32
      %dma_start3A_836 = tpu.memref_slice %arg3[%dma_start3A_834, %dma_start3A_835] : memref<1000000x32xf32, #tpu.memory_space<hbm>> -> memref<1000000x32xf32, #tpu.memory_space<hbm>>
      tpu.enqueue_indirect_dma source(%dma_start3A_836 : memref<1000000x32xf32, #tpu.memory_space<hbm>>) target(%dma_start3A_830 : memref<50x32xf32, #tpu.memory_space<vmem>>) offsets(%dma_start3A_833 : memref<50xi32, #tpu.memory_space<vmem>>) semaphore(%arg7 : memref<!tpu.dma_semaphore, #tpu.memory_space<semaphore_mem>>)
      %mul3A_837 = arith.constant 16 : i32
      %mul3A_838 = arith.muli %add3A_693, %mul3A_837 : i32
      %add3A_839 = arith.constant 6 : i32
      %add3A_840 = arith.addi %mul3A_838, %add3A_839 : i32
      %dma_start3A_841 = arith.constant 0 : i32
      %dma_start3A_842 = arith.constant 6 : i32
      %dma_start3A_843 = arith.constant 0 : i32
      %dma_start3A_844 = arith.constant 0 : i32
      %dma_start3A_845 = arith.constant 0 : i32
      %dma_start3A_846 = tpu.memref_slice %arg6[%dma_start3A_841, %dma_start3A_843, %dma_start3A_844, %dma_start3A_845] : memref<2x16x50x32xf32, #tpu.memory_space<vmem>> -> memref<1x16x50x32xf32, #tpu.memory_space<vmem>>
      %dma_start3A_847 = tpu.memref_squeeze %dma_start3A_846 : memref<1x16x50x32xf32, #tpu.memory_space<vmem>> -> memref<16x50x32xf32, #tpu.memory_space<vmem>>
      %dma_start3A_848 = arith.constant 0 : i32
      %dma_start3A_849 = arith.constant 0 : i32
      %dma_start3A_850 = tpu.memref_slice %dma_start3A_847[%dma_start3A_842, %dma_start3A_848, %dma_start3A_849] : memref<16x50x32xf32, #tpu.memory_space<vmem>> -> memref<1x50x32xf32, #tpu.memory_space<vmem>>
      %dma_start3A_851 = tpu.memref_squeeze %dma_start3A_850 : memref<1x50x32xf32, #tpu.memory_space<vmem>> -> memref<50x32xf32, #tpu.memory_space<vmem>>
      %dma_start3A_852 = arith.constant 0 : i32
      %dma_start3A_853 = tpu.memref_slice %arg5[%add3A_840, %dma_start3A_852] : memref<512x50xi32, #tpu.memory_space<vmem>> -> memref<1x50xi32, #tpu.memory_space<vmem>>
      %dma_start3A_854 = tpu.memref_squeeze %dma_start3A_853 : memref<1x50xi32, #tpu.memory_space<vmem>> -> memref<50xi32, #tpu.memory_space<vmem>>
      %dma_start3A_855 = arith.constant 0 : i32
      %dma_start3A_856 = arith.constant 0 : i32
      %dma_start3A_857 = tpu.memref_slice %arg3[%dma_start3A_855, %dma_start3A_856] : memref<1000000x32xf32, #tpu.memory_space<hbm>> -> memref<1000000x32xf32, #tpu.memory_space<hbm>>
      tpu.enqueue_indirect_dma source(%dma_start3A_857 : memref<1000000x32xf32, #tpu.memory_space<hbm>>) target(%dma_start3A_851 : memref<50x32xf32, #tpu.memory_space<vmem>>) offsets(%dma_start3A_854 : memref<50xi32, #tpu.memory_space<vmem>>) semaphore(%arg7 : memref<!tpu.dma_semaphore, #tpu.memory_space<semaphore_mem>>)
      %mul3A_858 = arith.constant 16 : i32
      %mul3A_859 = arith.muli %add3A_693, %mul3A_858 : i32
      %add3A_860 = arith.constant 7 : i32
      %add3A_861 = arith.addi %mul3A_859, %add3A_860 : i32
      %dma_start3A_862 = arith.constant 0 : i32
      %dma_start3A_863 = arith.constant 7 : i32
      %dma_start3A_864 = arith.constant 0 : i32
      %dma_start3A_865 = arith.constant 0 : i32
      %dma_start3A_866 = arith.constant 0 : i32
      %dma_start3A_867 = tpu.memref_slice %arg6[%dma_start3A_862, %dma_start3A_864, %dma_start3A_865, %dma_start3A_866] : memref<2x16x50x32xf32, #tpu.memory_space<vmem>> -> memref<1x16x50x32xf32, #tpu.memory_space<vmem>>
      %dma_start3A_868 = tpu.memref_squeeze %dma_start3A_867 : memref<1x16x50x32xf32, #tpu.memory_space<vmem>> -> memref<16x50x32xf32, #tpu.memory_space<vmem>>
      %dma_start3A_869 = arith.constant 0 : i32
      %dma_start3A_870 = arith.constant 0 : i32
      %dma_start3A_871 = tpu.memref_slice %dma_start3A_868[%dma_start3A_863, %dma_start3A_869, %dma_start3A_870] : memref<16x50x32xf32, #tpu.memory_space<vmem>> -> memref<1x50x32xf32, #tpu.memory_space<vmem>>
      %dma_start3A_872 = tpu.memref_squeeze %dma_start3A_871 : memref<1x50x32xf32, #tpu.memory_space<vmem>> -> memref<50x32xf32, #tpu.memory_space<vmem>>
      %dma_start3A_873 = arith.constant 0 : i32
      %dma_start3A_874 = tpu.memref_slice %arg5[%add3A_861, %dma_start3A_873] : memref<512x50xi32, #tpu.memory_space<vmem>> -> memref<1x50xi32, #tpu.memory_space<vmem>>
      %dma_start3A_875 = tpu.memref_squeeze %dma_start3A_874 : memref<1x50xi32, #tpu.memory_space<vmem>> -> memref<50xi32, #tpu.memory_space<vmem>>
      %dma_start3A_876 = arith.constant 0 : i32
      %dma_start3A_877 = arith.constant 0 : i32
      %dma_start3A_878 = tpu.memref_slice %arg3[%dma_start3A_876, %dma_start3A_877] : memref<1000000x32xf32, #tpu.memory_space<hbm>> -> memref<1000000x32xf32, #tpu.memory_space<hbm>>
      tpu.enqueue_indirect_dma source(%dma_start3A_878 : memref<1000000x32xf32, #tpu.memory_space<hbm>>) target(%dma_start3A_872 : memref<50x32xf32, #tpu.memory_space<vmem>>) offsets(%dma_start3A_875 : memref<50xi32, #tpu.memory_space<vmem>>) semaphore(%arg7 : memref<!tpu.dma_semaphore, #tpu.memory_space<semaphore_mem>>)
      %mul3A_879 = arith.constant 16 : i32
      %mul3A_880 = arith.muli %add3A_693, %mul3A_879 : i32
      %add3A_881 = arith.constant 8 : i32
      %add3A_882 = arith.addi %mul3A_880, %add3A_881 : i32
      %dma_start3A_883 = arith.constant 0 : i32
      %dma_start3A_884 = arith.constant 8 : i32
      %dma_start3A_885 = arith.constant 0 : i32
      %dma_start3A_886 = arith.constant 0 : i32
      %dma_start3A_887 = arith.constant 0 : i32
      %dma_start3A_888 = tpu.memref_slice %arg6[%dma_start3A_883, %dma_start3A_885, %dma_start3A_886, %dma_start3A_887] : memref<2x16x50x32xf32, #tpu.memory_space<vmem>> -> memref<1x16x50x32xf32, #tpu.memory_space<vmem>>
      %dma_start3A_889 = tpu.memref_squeeze %dma_start3A_888 : memref<1x16x50x32xf32, #tpu.memory_space<vmem>> -> memref<16x50x32xf32, #tpu.memory_space<vmem>>
      %dma_start3A_890 = arith.constant 0 : i32
      %dma_start3A_891 = arith.constant 0 : i32
      %dma_start3A_892 = tpu.memref_slice %dma_start3A_889[%dma_start3A_884, %dma_start3A_890, %dma_start3A_891] : memref<16x50x32xf32, #tpu.memory_space<vmem>> -> memref<1x50x32xf32, #tpu.memory_space<vmem>>
      %dma_start3A_893 = tpu.memref_squeeze %dma_start3A_892 : memref<1x50x32xf32, #tpu.memory_space<vmem>> -> memref<50x32xf32, #tpu.memory_space<vmem>>
      %dma_start3A_894 = arith.constant 0 : i32
      %dma_start3A_895 = tpu.memref_slice %arg5[%add3A_882, %dma_start3A_894] : memref<512x50xi32, #tpu.memory_space<vmem>> -> memref<1x50xi32, #tpu.memory_space<vmem>>
      %dma_start3A_896 = tpu.memref_squeeze %dma_start3A_895 : memref<1x50xi32, #tpu.memory_space<vmem>> -> memref<50xi32, #tpu.memory_space<vmem>>
      %dma_start3A_897 = arith.constant 0 : i32
      %dma_start3A_898 = arith.constant 0 : i32
      %dma_start3A_899 = tpu.memref_slice %arg3[%dma_start3A_897, %dma_start3A_898] : memref<1000000x32xf32, #tpu.memory_space<hbm>> -> memref<1000000x32xf32, #tpu.memory_space<hbm>>
      tpu.enqueue_indirect_dma source(%dma_start3A_899 : memref<1000000x32xf32, #tpu.memory_space<hbm>>) target(%dma_start3A_893 : memref<50x32xf32, #tpu.memory_space<vmem>>) offsets(%dma_start3A_896 : memref<50xi32, #tpu.memory_space<vmem>>) semaphore(%arg7 : memref<!tpu.dma_semaphore, #tpu.memory_space<semaphore_mem>>)
      %mul3A_900 = arith.constant 16 : i32
      %mul3A_901 = arith.muli %add3A_693, %mul3A_900 : i32
      %add3A_902 = arith.constant 9 : i32
      %add3A_903 = arith.addi %mul3A_901, %add3A_902 : i32
      %dma_start3A_904 = arith.constant 0 : i32
      %dma_start3A_905 = arith.constant 9 : i32
      %dma_start3A_906 = arith.constant 0 : i32
      %dma_start3A_907 = arith.constant 0 : i32
      %dma_start3A_908 = arith.constant 0 : i32
      %dma_start3A_909 = tpu.memref_slice %arg6[%dma_start3A_904, %dma_start3A_906, %dma_start3A_907, %dma_start3A_908] : memref<2x16x50x32xf32, #tpu.memory_space<vmem>> -> memref<1x16x50x32xf32, #tpu.memory_space<vmem>>
      %dma_start3A_910 = tpu.memref_squeeze %dma_start3A_909 : memref<1x16x50x32xf32, #tpu.memory_space<vmem>> -> memref<16x50x32xf32, #tpu.memory_space<vmem>>
      %dma_start3A_911 = arith.constant 0 : i32
      %dma_start3A_912 = arith.constant 0 : i32
      %dma_start3A_913 = tpu.memref_slice %dma_start3A_910[%dma_start3A_905, %dma_start3A_911, %dma_start3A_912] : memref<16x50x32xf32, #tpu.memory_space<vmem>> -> memref<1x50x32xf32, #tpu.memory_space<vmem>>
      %dma_start3A_914 = tpu.memref_squeeze %dma_start3A_913 : memref<1x50x32xf32, #tpu.memory_space<vmem>> -> memref<50x32xf32, #tpu.memory_space<vmem>>
      %dma_start3A_915 = arith.constant 0 : i32
      %dma_start3A_916 = tpu.memref_slice %arg5[%add3A_903, %dma_start3A_915] : memref<512x50xi32, #tpu.memory_space<vmem>> -> memref<1x50xi32, #tpu.memory_space<vmem>>
      %dma_start3A_917 = tpu.memref_squeeze %dma_start3A_916 : memref<1x50xi32, #tpu.memory_space<vmem>> -> memref<50xi32, #tpu.memory_space<vmem>>
      %dma_start3A_918 = arith.constant 0 : i32
      %dma_start3A_919 = arith.constant 0 : i32
      %dma_start3A_920 = tpu.memref_slice %arg3[%dma_start3A_918, %dma_start3A_919] : memref<1000000x32xf32, #tpu.memory_space<hbm>> -> memref<1000000x32xf32, #tpu.memory_space<hbm>>
      tpu.enqueue_indirect_dma source(%dma_start3A_920 : memref<1000000x32xf32, #tpu.memory_space<hbm>>) target(%dma_start3A_914 : memref<50x32xf32, #tpu.memory_space<vmem>>) offsets(%dma_start3A_917 : memref<50xi32, #tpu.memory_space<vmem>>) semaphore(%arg7 : memref<!tpu.dma_semaphore, #tpu.memory_space<semaphore_mem>>)
      %mul3A_921 = arith.constant 16 : i32
      %mul3A_922 = arith.muli %add3A_693, %mul3A_921 : i32
      %add3A_923 = arith.constant 10 : i32
      %add3A_924 = arith.addi %mul3A_922, %add3A_923 : i32
      %dma_start3A_925 = arith.constant 0 : i32
      %dma_start3A_926 = arith.constant 10 : i32
      %dma_start3A_927 = arith.constant 0 : i32
      %dma_start3A_928 = arith.constant 0 : i32
      %dma_start3A_929 = arith.constant 0 : i32
      %dma_start3A_930 = tpu.memref_slice %arg6[%dma_start3A_925, %dma_start3A_927, %dma_start3A_928, %dma_start3A_929] : memref<2x16x50x32xf32, #tpu.memory_space<vmem>> -> memref<1x16x50x32xf32, #tpu.memory_space<vmem>>
      %dma_start3A_931 = tpu.memref_squeeze %dma_start3A_930 : memref<1x16x50x32xf32, #tpu.memory_space<vmem>> -> memref<16x50x32xf32, #tpu.memory_space<vmem>>
      %dma_start3A_932 = arith.constant 0 : i32
      %dma_start3A_933 = arith.constant 0 : i32
      %dma_start3A_934 = tpu.memref_slice %dma_start3A_931[%dma_start3A_926, %dma_start3A_932, %dma_start3A_933] : memref<16x50x32xf32, #tpu.memory_space<vmem>> -> memref<1x50x32xf32, #tpu.memory_space<vmem>>
      %dma_start3A_935 = tpu.memref_squeeze %dma_start3A_934 : memref<1x50x32xf32, #tpu.memory_space<vmem>> -> memref<50x32xf32, #tpu.memory_space<vmem>>
      %dma_start3A_936 = arith.constant 0 : i32
      %dma_start3A_937 = tpu.memref_slice %arg5[%add3A_924, %dma_start3A_936] : memref<512x50xi32, #tpu.memory_space<vmem>> -> memref<1x50xi32, #tpu.memory_space<vmem>>
      %dma_start3A_938 = tpu.memref_squeeze %dma_start3A_937 : memref<1x50xi32, #tpu.memory_space<vmem>> -> memref<50xi32, #tpu.memory_space<vmem>>
      %dma_start3A_939 = arith.constant 0 : i32
      %dma_start3A_940 = arith.constant 0 : i32
      %dma_start3A_941 = tpu.memref_slice %arg3[%dma_start3A_939, %dma_start3A_940] : memref<1000000x32xf32, #tpu.memory_space<hbm>> -> memref<1000000x32xf32, #tpu.memory_space<hbm>>
      tpu.enqueue_indirect_dma source(%dma_start3A_941 : memref<1000000x32xf32, #tpu.memory_space<hbm>>) target(%dma_start3A_935 : memref<50x32xf32, #tpu.memory_space<vmem>>) offsets(%dma_start3A_938 : memref<50xi32, #tpu.memory_space<vmem>>) semaphore(%arg7 : memref<!tpu.dma_semaphore, #tpu.memory_space<semaphore_mem>>)
      %mul3A_942 = arith.constant 16 : i32
      %mul3A_943 = arith.muli %add3A_693, %mul3A_942 : i32
      %add3A_944 = arith.constant 11 : i32
      %add3A_945 = arith.addi %mul3A_943, %add3A_944 : i32
      %dma_start3A_946 = arith.constant 0 : i32
      %dma_start3A_947 = arith.constant 11 : i32
      %dma_start3A_948 = arith.constant 0 : i32
      %dma_start3A_949 = arith.constant 0 : i32
      %dma_start3A_950 = arith.constant 0 : i32
      %dma_start3A_951 = tpu.memref_slice %arg6[%dma_start3A_946, %dma_start3A_948, %dma_start3A_949, %dma_start3A_950] : memref<2x16x50x32xf32, #tpu.memory_space<vmem>> -> memref<1x16x50x32xf32, #tpu.memory_space<vmem>>
      %dma_start3A_952 = tpu.memref_squeeze %dma_start3A_951 : memref<1x16x50x32xf32, #tpu.memory_space<vmem>> -> memref<16x50x32xf32, #tpu.memory_space<vmem>>
      %dma_start3A_953 = arith.constant 0 : i32
      %dma_start3A_954 = arith.constant 0 : i32
      %dma_start3A_955 = tpu.memref_slice %dma_start3A_952[%dma_start3A_947, %dma_start3A_953, %dma_start3A_954] : memref<16x50x32xf32, #tpu.memory_space<vmem>> -> memref<1x50x32xf32, #tpu.memory_space<vmem>>
      %dma_start3A_956 = tpu.memref_squeeze %dma_start3A_955 : memref<1x50x32xf32, #tpu.memory_space<vmem>> -> memref<50x32xf32, #tpu.memory_space<vmem>>
      %dma_start3A_957 = arith.constant 0 : i32
      %dma_start3A_958 = tpu.memref_slice %arg5[%add3A_945, %dma_start3A_957] : memref<512x50xi32, #tpu.memory_space<vmem>> -> memref<1x50xi32, #tpu.memory_space<vmem>>
      %dma_start3A_959 = tpu.memref_squeeze %dma_start3A_958 : memref<1x50xi32, #tpu.memory_space<vmem>> -> memref<50xi32, #tpu.memory_space<vmem>>
      %dma_start3A_960 = arith.constant 0 : i32
      %dma_start3A_961 = arith.constant 0 : i32
      %dma_start3A_962 = tpu.memref_slice %arg3[%dma_start3A_960, %dma_start3A_961] : memref<1000000x32xf32, #tpu.memory_space<hbm>> -> memref<1000000x32xf32, #tpu.memory_space<hbm>>
      tpu.enqueue_indirect_dma source(%dma_start3A_962 : memref<1000000x32xf32, #tpu.memory_space<hbm>>) target(%dma_start3A_956 : memref<50x32xf32, #tpu.memory_space<vmem>>) offsets(%dma_start3A_959 : memref<50xi32, #tpu.memory_space<vmem>>) semaphore(%arg7 : memref<!tpu.dma_semaphore, #tpu.memory_space<semaphore_mem>>)
      %mul3A_963 = arith.constant 16 : i32
      %mul3A_964 = arith.muli %add3A_693, %mul3A_963 : i32
      %add3A_965 = arith.constant 12 : i32
      %add3A_966 = arith.addi %mul3A_964, %add3A_965 : i32
      %dma_start3A_967 = arith.constant 0 : i32
      %dma_start3A_968 = arith.constant 12 : i32
      %dma_start3A_969 = arith.constant 0 : i32
      %dma_start3A_970 = arith.constant 0 : i32
      %dma_start3A_971 = arith.constant 0 : i32
      %dma_start3A_972 = tpu.memref_slice %arg6[%dma_start3A_967, %dma_start3A_969, %dma_start3A_970, %dma_start3A_971] : memref<2x16x50x32xf32, #tpu.memory_space<vmem>> -> memref<1x16x50x32xf32, #tpu.memory_space<vmem>>
      %dma_start3A_973 = tpu.memref_squeeze %dma_start3A_972 : memref<1x16x50x32xf32, #tpu.memory_space<vmem>> -> memref<16x50x32xf32, #tpu.memory_space<vmem>>
      %dma_start3A_974 = arith.constant 0 : i32
      %dma_start3A_975 = arith.constant 0 : i32
      %dma_start3A_976 = tpu.memref_slice %dma_start3A_973[%dma_start3A_968, %dma_start3A_974, %dma_start3A_975] : memref<16x50x32xf32, #tpu.memory_space<vmem>> -> memref<1x50x32xf32, #tpu.memory_space<vmem>>
      %dma_start3A_977 = tpu.memref_squeeze %dma_start3A_976 : memref<1x50x32xf32, #tpu.memory_space<vmem>> -> memref<50x32xf32, #tpu.memory_space<vmem>>
      %dma_start3A_978 = arith.constant 0 : i32
      %dma_start3A_979 = tpu.memref_slice %arg5[%add3A_966, %dma_start3A_978] : memref<512x50xi32, #tpu.memory_space<vmem>> -> memref<1x50xi32, #tpu.memory_space<vmem>>
      %dma_start3A_980 = tpu.memref_squeeze %dma_start3A_979 : memref<1x50xi32, #tpu.memory_space<vmem>> -> memref<50xi32, #tpu.memory_space<vmem>>
      %dma_start3A_981 = arith.constant 0 : i32
      %dma_start3A_982 = arith.constant 0 : i32
      %dma_start3A_983 = tpu.memref_slice %arg3[%dma_start3A_981, %dma_start3A_982] : memref<1000000x32xf32, #tpu.memory_space<hbm>> -> memref<1000000x32xf32, #tpu.memory_space<hbm>>
      tpu.enqueue_indirect_dma source(%dma_start3A_983 : memref<1000000x32xf32, #tpu.memory_space<hbm>>) target(%dma_start3A_977 : memref<50x32xf32, #tpu.memory_space<vmem>>) offsets(%dma_start3A_980 : memref<50xi32, #tpu.memory_space<vmem>>) semaphore(%arg7 : memref<!tpu.dma_semaphore, #tpu.memory_space<semaphore_mem>>)
      %mul3A_984 = arith.constant 16 : i32
      %mul3A_985 = arith.muli %add3A_693, %mul3A_984 : i32
      %add3A_986 = arith.constant 13 : i32
      %add3A_987 = arith.addi %mul3A_985, %add3A_986 : i32
      %dma_start3A_988 = arith.constant 0 : i32
      %dma_start3A_989 = arith.constant 13 : i32
      %dma_start3A_990 = arith.constant 0 : i32
      %dma_start3A_991 = arith.constant 0 : i32
      %dma_start3A_992 = arith.constant 0 : i32
      %dma_start3A_993 = tpu.memref_slice %arg6[%dma_start3A_988, %dma_start3A_990, %dma_start3A_991, %dma_start3A_992] : memref<2x16x50x32xf32, #tpu.memory_space<vmem>> -> memref<1x16x50x32xf32, #tpu.memory_space<vmem>>
      %dma_start3A_994 = tpu.memref_squeeze %dma_start3A_993 : memref<1x16x50x32xf32, #tpu.memory_space<vmem>> -> memref<16x50x32xf32, #tpu.memory_space<vmem>>
      %dma_start3A_995 = arith.constant 0 : i32
      %dma_start3A_996 = arith.constant 0 : i32
      %dma_start3A_997 = tpu.memref_slice %dma_start3A_994[%dma_start3A_989, %dma_start3A_995, %dma_start3A_996] : memref<16x50x32xf32, #tpu.memory_space<vmem>> -> memref<1x50x32xf32, #tpu.memory_space<vmem>>
      %dma_start3A_998 = tpu.memref_squeeze %dma_start3A_997 : memref<1x50x32xf32, #tpu.memory_space<vmem>> -> memref<50x32xf32, #tpu.memory_space<vmem>>
      %dma_start3A_999 = arith.constant 0 : i32
      %dma_start3A_1000 = tpu.memref_slice %arg5[%add3A_987, %dma_start3A_999] : memref<512x50xi32, #tpu.memory_space<vmem>> -> memref<1x50xi32, #tpu.memory_space<vmem>>
      %dma_start3A_1001 = tpu.memref_squeeze %dma_start3A_1000 : memref<1x50xi32, #tpu.memory_space<vmem>> -> memref<50xi32, #tpu.memory_space<vmem>>
      %dma_start3A_1002 = arith.constant 0 : i32
      %dma_start3A_1003 = arith.constant 0 : i32
      %dma_start3A_1004 = tpu.memref_slice %arg3[%dma_start3A_1002, %dma_start3A_1003] : memref<1000000x32xf32, #tpu.memory_space<hbm>> -> memref<1000000x32xf32, #tpu.memory_space<hbm>>
      tpu.enqueue_indirect_dma source(%dma_start3A_1004 : memref<1000000x32xf32, #tpu.memory_space<hbm>>) target(%dma_start3A_998 : memref<50x32xf32, #tpu.memory_space<vmem>>) offsets(%dma_start3A_1001 : memref<50xi32, #tpu.memory_space<vmem>>) semaphore(%arg7 : memref<!tpu.dma_semaphore, #tpu.memory_space<semaphore_mem>>)
      %mul3A_1005 = arith.constant 16 : i32
      %mul3A_1006 = arith.muli %add3A_693, %mul3A_1005 : i32
      %add3A_1007 = arith.constant 14 : i32
      %add3A_1008 = arith.addi %mul3A_1006, %add3A_1007 : i32
      %dma_start3A_1009 = arith.constant 0 : i32
      %dma_start3A_1010 = arith.constant 14 : i32
      %dma_start3A_1011 = arith.constant 0 : i32
      %dma_start3A_1012 = arith.constant 0 : i32
      %dma_start3A_1013 = arith.constant 0 : i32
      %dma_start3A_1014 = tpu.memref_slice %arg6[%dma_start3A_1009, %dma_start3A_1011, %dma_start3A_1012, %dma_start3A_1013] : memref<2x16x50x32xf32, #tpu.memory_space<vmem>> -> memref<1x16x50x32xf32, #tpu.memory_space<vmem>>
      %dma_start3A_1015 = tpu.memref_squeeze %dma_start3A_1014 : memref<1x16x50x32xf32, #tpu.memory_space<vmem>> -> memref<16x50x32xf32, #tpu.memory_space<vmem>>
      %dma_start3A_1016 = arith.constant 0 : i32
      %dma_start3A_1017 = arith.constant 0 : i32
      %dma_start3A_1018 = tpu.memref_slice %dma_start3A_1015[%dma_start3A_1010, %dma_start3A_1016, %dma_start3A_1017] : memref<16x50x32xf32, #tpu.memory_space<vmem>> -> memref<1x50x32xf32, #tpu.memory_space<vmem>>
      %dma_start3A_1019 = tpu.memref_squeeze %dma_start3A_1018 : memref<1x50x32xf32, #tpu.memory_space<vmem>> -> memref<50x32xf32, #tpu.memory_space<vmem>>
      %dma_start3A_1020 = arith.constant 0 : i32
      %dma_start3A_1021 = tpu.memref_slice %arg5[%add3A_1008, %dma_start3A_1020] : memref<512x50xi32, #tpu.memory_space<vmem>> -> memref<1x50xi32, #tpu.memory_space<vmem>>
      %dma_start3A_1022 = tpu.memref_squeeze %dma_start3A_1021 : memref<1x50xi32, #tpu.memory_space<vmem>> -> memref<50xi32, #tpu.memory_space<vmem>>
      %dma_start3A_1023 = arith.constant 0 : i32
      %dma_start3A_1024 = arith.constant 0 : i32
      %dma_start3A_1025 = tpu.memref_slice %arg3[%dma_start3A_1023, %dma_start3A_1024] : memref<1000000x32xf32, #tpu.memory_space<hbm>> -> memref<1000000x32xf32, #tpu.memory_space<hbm>>
      tpu.enqueue_indirect_dma source(%dma_start3A_1025 : memref<1000000x32xf32, #tpu.memory_space<hbm>>) target(%dma_start3A_1019 : memref<50x32xf32, #tpu.memory_space<vmem>>) offsets(%dma_start3A_1022 : memref<50xi32, #tpu.memory_space<vmem>>) semaphore(%arg7 : memref<!tpu.dma_semaphore, #tpu.memory_space<semaphore_mem>>)
      %mul3A_1026 = arith.constant 16 : i32
      %mul3A_1027 = arith.muli %add3A_693, %mul3A_1026 : i32
      %add3A_1028 = arith.constant 15 : i32
      %add3A_1029 = arith.addi %mul3A_1027, %add3A_1028 : i32
      %dma_start3A_1030 = arith.constant 0 : i32
      %dma_start3A_1031 = arith.constant 15 : i32
      %dma_start3A_1032 = arith.constant 0 : i32
      %dma_start3A_1033 = arith.constant 0 : i32
      %dma_start3A_1034 = arith.constant 0 : i32
      %dma_start3A_1035 = tpu.memref_slice %arg6[%dma_start3A_1030, %dma_start3A_1032, %dma_start3A_1033, %dma_start3A_1034] : memref<2x16x50x32xf32, #tpu.memory_space<vmem>> -> memref<1x16x50x32xf32, #tpu.memory_space<vmem>>
      %dma_start3A_1036 = tpu.memref_squeeze %dma_start3A_1035 : memref<1x16x50x32xf32, #tpu.memory_space<vmem>> -> memref<16x50x32xf32, #tpu.memory_space<vmem>>
      %dma_start3A_1037 = arith.constant 0 : i32
      %dma_start3A_1038 = arith.constant 0 : i32
      %dma_start3A_1039 = tpu.memref_slice %dma_start3A_1036[%dma_start3A_1031, %dma_start3A_1037, %dma_start3A_1038] : memref<16x50x32xf32, #tpu.memory_space<vmem>> -> memref<1x50x32xf32, #tpu.memory_space<vmem>>
      %dma_start3A_1040 = tpu.memref_squeeze %dma_start3A_1039 : memref<1x50x32xf32, #tpu.memory_space<vmem>> -> memref<50x32xf32, #tpu.memory_space<vmem>>
      %dma_start3A_1041 = arith.constant 0 : i32
      %dma_start3A_1042 = tpu.memref_slice %arg5[%add3A_1029, %dma_start3A_1041] : memref<512x50xi32, #tpu.memory_space<vmem>> -> memref<1x50xi32, #tpu.memory_space<vmem>>
      %dma_start3A_1043 = tpu.memref_squeeze %dma_start3A_1042 : memref<1x50xi32, #tpu.memory_space<vmem>> -> memref<50xi32, #tpu.memory_space<vmem>>
      %dma_start3A_1044 = arith.constant 0 : i32
      %dma_start3A_1045 = arith.constant 0 : i32
      %dma_start3A_1046 = tpu.memref_slice %arg3[%dma_start3A_1044, %dma_start3A_1045] : memref<1000000x32xf32, #tpu.memory_space<hbm>> -> memref<1000000x32xf32, #tpu.memory_space<hbm>>
      tpu.enqueue_indirect_dma source(%dma_start3A_1046 : memref<1000000x32xf32, #tpu.memory_space<hbm>>) target(%dma_start3A_1040 : memref<50x32xf32, #tpu.memory_space<vmem>>) offsets(%dma_start3A_1043 : memref<50xi32, #tpu.memory_space<vmem>>) semaphore(%arg7 : memref<!tpu.dma_semaphore, #tpu.memory_space<semaphore_mem>>)
      %dma_wait3A_1047 = arith.constant 1 : i32
      %dma_wait3A_1048 = arith.constant 0 : i32
      %dma_wait3A_1049 = arith.constant 0 : i32
      %dma_wait3A_1050 = arith.constant 0 : i32
      %dma_wait3A_1051 = tpu.memref_slice %arg6[%dma_wait3A_1047, %dma_wait3A_1048, %dma_wait3A_1049, %dma_wait3A_1050] : memref<2x16x50x32xf32, #tpu.memory_space<vmem>> -> memref<1x16x50x32xf32, #tpu.memory_space<vmem>>
      %dma_wait3A_1052 = tpu.memref_squeeze %dma_wait3A_1051 : memref<1x16x50x32xf32, #tpu.memory_space<vmem>> -> memref<16x50x32xf32, #tpu.memory_space<vmem>>
      %dma_wait3A_1053 = arith.constant 0 : i32
      %dma_wait3A_1054 = arith.constant 0 : i32
      %dma_wait3A_1055 = tpu.memref_slice %arg4[%mul3A_2, %dma_wait3A_1053, %dma_wait3A_1054] : memref<16384x50x32xf32, #tpu.memory_space<hbm>> -> memref<16x50x32xf32, #tpu.memory_space<hbm>>
      %dma_wait3A_1056 = arith.constant 0 : i32
      %dma_wait3A_1057 = arith.constant 0 : i32
      %dma_wait3A_1058 = arith.constant 0 : i32
      %dma_wait3A_1059 = tpu.memref_slice %arg6[%dma_wait3A_1047, %dma_wait3A_1056, %dma_wait3A_1057, %dma_wait3A_1058] : memref<2x16x50x32xf32, #tpu.memory_space<vmem>> -> memref<1x16x50x32xf32, #tpu.memory_space<vmem>>
      %dma_wait3A_1060 = tpu.memref_squeeze %dma_wait3A_1059 : memref<1x16x50x32xf32, #tpu.memory_space<vmem>> -> memref<16x50x32xf32, #tpu.memory_space<vmem>>
      %dma_wait3A_1061 = arith.constant 0 : i32
      %dma_wait3A_1062 = arith.constant 0 : i32
      %dma_wait3A_1063 = tpu.memref_slice %arg4[%mul3A_2, %dma_wait3A_1061, %dma_wait3A_1062] : memref<16384x50x32xf32, #tpu.memory_space<hbm>> -> memref<16x50x32xf32, #tpu.memory_space<hbm>>
      tpu.wait_dma2 semaphore(%arg8 : memref<!tpu.dma_semaphore, #tpu.memory_space<semaphore_mem>>) src(%dma_wait3A_1063 : memref<16x50x32xf32, #tpu.memory_space<hbm>>) dst(%dma_wait3A_1060 : memref<16x50x32xf32, #tpu.memory_space<vmem>>)
      %sub3A = arith.constant 1 : i32
      %sub3A_1064 = arith.subi %add3A_693, %sub3A : i32
      %mul3A_1065 = arith.constant 16 : i32
      %mul3A_1066 = arith.muli %sub3A_1064, %mul3A_1065 : i32
      %add3A_1067 = arith.addi %mul3A_2, %mul3A_1066 : i32
      %dma_start3A_1068 = arith.constant 1 : i32
      %dma_start3A_1069 = arith.constant 0 : i32
      %dma_start3A_1070 = arith.constant 0 : i32
      %dma_start3A_1071 = arith.constant 0 : i32
      %dma_start3A_1072 = tpu.memref_slice %arg6[%dma_start3A_1068, %dma_start3A_1069, %dma_start3A_1070, %dma_start3A_1071] : memref<2x16x50x32xf32, #tpu.memory_space<vmem>> -> memref<1x16x50x32xf32, #tpu.memory_space<vmem>>
      %dma_start3A_1073 = tpu.memref_squeeze %dma_start3A_1072 : memref<1x16x50x32xf32, #tpu.memory_space<vmem>> -> memref<16x50x32xf32, #tpu.memory_space<vmem>>
      %dma_start3A_1074 = arith.constant 0 : i32
      %dma_start3A_1075 = arith.constant 0 : i32
      %dma_start3A_1076 = tpu.memref_slice %arg4[%add3A_1067, %dma_start3A_1074, %dma_start3A_1075] : memref<16384x50x32xf32, #tpu.memory_space<hbm>> -> memref<16x50x32xf32, #tpu.memory_space<hbm>>
      %dma_start3A_1077 = arith.constant 0 : i32
      %dma_start3A_1078 = arith.constant 0 : i32
      %dma_start3A_1079 = tpu.memref_slice %arg4[%add3A_1067, %dma_start3A_1077, %dma_start3A_1078] : memref<16384x50x32xf32, #tpu.memory_space<hbm>> -> memref<16x50x32xf32, #tpu.memory_space<hbm>>
      %dma_start3A_1080 = arith.constant 0 : i32
      %dma_start3A_1081 = arith.constant 0 : i32
      %dma_start3A_1082 = arith.constant 0 : i32
      %dma_start3A_1083 = tpu.memref_slice %arg6[%dma_start3A_1068, %dma_start3A_1080, %dma_start3A_1081, %dma_start3A_1082] : memref<2x16x50x32xf32, #tpu.memory_space<vmem>> -> memref<1x16x50x32xf32, #tpu.memory_space<vmem>>
      %dma_start3A_1084 = tpu.memref_squeeze %dma_start3A_1083 : memref<1x16x50x32xf32, #tpu.memory_space<vmem>> -> memref<16x50x32xf32, #tpu.memory_space<vmem>>
      tpu.enqueue_dma source(%dma_start3A_1084 : memref<16x50x32xf32, #tpu.memory_space<vmem>>) target(%dma_start3A_1079 : memref<16x50x32xf32, #tpu.memory_space<hbm>>) target_semaphore(%arg10 : memref<!tpu.dma_semaphore, #tpu.memory_space<semaphore_mem>>)
      %add3A_1085 = arith.constant 1 : i32
      %add3A_1086 = arith.addi %add3A_691, %add3A_1085 : i32
      %dma_wait3A_1087 = arith.constant 1 : i32
      %dma_wait3A_1088 = arith.constant 0 : i32
      %dma_wait3A_1089 = arith.constant 0 : i32
      %dma_wait3A_1090 = arith.constant 0 : i32
      %dma_wait3A_1091 = tpu.memref_slice %arg6[%dma_wait3A_1087, %dma_wait3A_1088, %dma_wait3A_1089, %dma_wait3A_1090] : memref<2x16x50x32xf32, #tpu.memory_space<vmem>> -> memref<1x16x50x32xf32, #tpu.memory_space<vmem>>
      %dma_wait3A_1092 = tpu.memref_squeeze %dma_wait3A_1091 : memref<1x16x50x32xf32, #tpu.memory_space<vmem>> -> memref<16x50x32xf32, #tpu.memory_space<vmem>>
      %dma_wait3A_1093 = arith.constant 0 : i32
      %dma_wait3A_1094 = arith.constant 0 : i32
      %dma_wait3A_1095 = tpu.memref_slice %arg4[%mul3A_2, %dma_wait3A_1093, %dma_wait3A_1094] : memref<16384x50x32xf32, #tpu.memory_space<hbm>> -> memref<16x50x32xf32, #tpu.memory_space<hbm>>
      %dma_wait3A_1096 = arith.constant 0 : i32
      %dma_wait3A_1097 = arith.constant 0 : i32
      %dma_wait3A_1098 = tpu.memref_slice %arg4[%mul3A_2, %dma_wait3A_1096, %dma_wait3A_1097] : memref<16384x50x32xf32, #tpu.memory_space<hbm>> -> memref<16x50x32xf32, #tpu.memory_space<hbm>>
      %dma_wait3A_1099 = arith.constant 0 : i32
      %dma_wait3A_1100 = arith.constant 0 : i32
      %dma_wait3A_1101 = arith.constant 0 : i32
      %dma_wait3A_1102 = tpu.memref_slice %arg6[%dma_wait3A_1087, %dma_wait3A_1099, %dma_wait3A_1100, %dma_wait3A_1101] : memref<2x16x50x32xf32, #tpu.memory_space<vmem>> -> memref<1x16x50x32xf32, #tpu.memory_space<vmem>>
      %dma_wait3A_1103 = tpu.memref_squeeze %dma_wait3A_1102 : memref<1x16x50x32xf32, #tpu.memory_space<vmem>> -> memref<16x50x32xf32, #tpu.memory_space<vmem>>
      tpu.wait_dma2 semaphore(%arg10 : memref<!tpu.dma_semaphore, #tpu.memory_space<semaphore_mem>>) src(%dma_wait3A_1103 : memref<16x50x32xf32, #tpu.memory_space<vmem>>) dst(%dma_wait3A_1098 : memref<16x50x32xf32, #tpu.memory_space<hbm>>)
      %mul3A_1104 = arith.constant 16 : i32
      %mul3A_1105 = arith.muli %add3A_1086, %mul3A_1104 : i32
      %add3A_1106 = arith.constant 0 : i32
      %add3A_1107 = arith.addi %mul3A_1105, %add3A_1106 : i32
      %dma_start3A_1108 = arith.constant 1 : i32
      %dma_start3A_1109 = arith.constant 0 : i32
      %dma_start3A_1110 = arith.constant 0 : i32
      %dma_start3A_1111 = arith.constant 0 : i32
      %dma_start3A_1112 = arith.constant 0 : i32
      %dma_start3A_1113 = tpu.memref_slice %arg6[%dma_start3A_1108, %dma_start3A_1110, %dma_start3A_1111, %dma_start3A_1112] : memref<2x16x50x32xf32, #tpu.memory_space<vmem>> -> memref<1x16x50x32xf32, #tpu.memory_space<vmem>>
      %dma_start3A_1114 = tpu.memref_squeeze %dma_start3A_1113 : memref<1x16x50x32xf32, #tpu.memory_space<vmem>> -> memref<16x50x32xf32, #tpu.memory_space<vmem>>
      %dma_start3A_1115 = arith.constant 0 : i32
      %dma_start3A_1116 = arith.constant 0 : i32
      %dma_start3A_1117 = tpu.memref_slice %dma_start3A_1114[%dma_start3A_1109, %dma_start3A_1115, %dma_start3A_1116] : memref<16x50x32xf32, #tpu.memory_space<vmem>> -> memref<1x50x32xf32, #tpu.memory_space<vmem>>
      %dma_start3A_1118 = tpu.memref_squeeze %dma_start3A_1117 : memref<1x50x32xf32, #tpu.memory_space<vmem>> -> memref<50x32xf32, #tpu.memory_space<vmem>>
      %dma_start3A_1119 = arith.constant 0 : i32
      %dma_start3A_1120 = tpu.memref_slice %arg5[%add3A_1107, %dma_start3A_1119] : memref<512x50xi32, #tpu.memory_space<vmem>> -> memref<1x50xi32, #tpu.memory_space<vmem>>
      %dma_start3A_1121 = tpu.memref_squeeze %dma_start3A_1120 : memref<1x50xi32, #tpu.memory_space<vmem>> -> memref<50xi32, #tpu.memory_space<vmem>>
      %dma_start3A_1122 = arith.constant 0 : i32
      %dma_start3A_1123 = arith.constant 0 : i32
      %dma_start3A_1124 = tpu.memref_slice %arg3[%dma_start3A_1122, %dma_start3A_1123] : memref<1000000x32xf32, #tpu.memory_space<hbm>> -> memref<1000000x32xf32, #tpu.memory_space<hbm>>
      tpu.enqueue_indirect_dma source(%dma_start3A_1124 : memref<1000000x32xf32, #tpu.memory_space<hbm>>) target(%dma_start3A_1118 : memref<50x32xf32, #tpu.memory_space<vmem>>) offsets(%dma_start3A_1121 : memref<50xi32, #tpu.memory_space<vmem>>) semaphore(%arg8 : memref<!tpu.dma_semaphore, #tpu.memory_space<semaphore_mem>>)
      %mul3A_1125 = arith.constant 16 : i32
      %mul3A_1126 = arith.muli %add3A_1086, %mul3A_1125 : i32
      %add3A_1127 = arith.constant 1 : i32
      %add3A_1128 = arith.addi %mul3A_1126, %add3A_1127 : i32
      %dma_start3A_1129 = arith.constant 1 : i32
      %dma_start3A_1130 = arith.constant 1 : i32
      %dma_start3A_1131 = arith.constant 0 : i32
      %dma_start3A_1132 = arith.constant 0 : i32
      %dma_start3A_1133 = arith.constant 0 : i32
      %dma_start3A_1134 = tpu.memref_slice %arg6[%dma_start3A_1129, %dma_start3A_1131, %dma_start3A_1132, %dma_start3A_1133] : memref<2x16x50x32xf32, #tpu.memory_space<vmem>> -> memref<1x16x50x32xf32, #tpu.memory_space<vmem>>
      %dma_start3A_1135 = tpu.memref_squeeze %dma_start3A_1134 : memref<1x16x50x32xf32, #tpu.memory_space<vmem>> -> memref<16x50x32xf32, #tpu.memory_space<vmem>>
      %dma_start3A_1136 = arith.constant 0 : i32
      %dma_start3A_1137 = arith.constant 0 : i32
      %dma_start3A_1138 = tpu.memref_slice %dma_start3A_1135[%dma_start3A_1130, %dma_start3A_1136, %dma_start3A_1137] : memref<16x50x32xf32, #tpu.memory_space<vmem>> -> memref<1x50x32xf32, #tpu.memory_space<vmem>>
      %dma_start3A_1139 = tpu.memref_squeeze %dma_start3A_1138 : memref<1x50x32xf32, #tpu.memory_space<vmem>> -> memref<50x32xf32, #tpu.memory_space<vmem>>
      %dma_start3A_1140 = arith.constant 0 : i32
      %dma_start3A_1141 = tpu.memref_slice %arg5[%add3A_1128, %dma_start3A_1140] : memref<512x50xi32, #tpu.memory_space<vmem>> -> memref<1x50xi32, #tpu.memory_space<vmem>>
      %dma_start3A_1142 = tpu.memref_squeeze %dma_start3A_1141 : memref<1x50xi32, #tpu.memory_space<vmem>> -> memref<50xi32, #tpu.memory_space<vmem>>
      %dma_start3A_1143 = arith.constant 0 : i32
      %dma_start3A_1144 = arith.constant 0 : i32
      %dma_start3A_1145 = tpu.memref_slice %arg3[%dma_start3A_1143, %dma_start3A_1144] : memref<1000000x32xf32, #tpu.memory_space<hbm>> -> memref<1000000x32xf32, #tpu.memory_space<hbm>>
      tpu.enqueue_indirect_dma source(%dma_start3A_1145 : memref<1000000x32xf32, #tpu.memory_space<hbm>>) target(%dma_start3A_1139 : memref<50x32xf32, #tpu.memory_space<vmem>>) offsets(%dma_start3A_1142 : memref<50xi32, #tpu.memory_space<vmem>>) semaphore(%arg8 : memref<!tpu.dma_semaphore, #tpu.memory_space<semaphore_mem>>)
      %mul3A_1146 = arith.constant 16 : i32
      %mul3A_1147 = arith.muli %add3A_1086, %mul3A_1146 : i32
      %add3A_1148 = arith.constant 2 : i32
      %add3A_1149 = arith.addi %mul3A_1147, %add3A_1148 : i32
      %dma_start3A_1150 = arith.constant 1 : i32
      %dma_start3A_1151 = arith.constant 2 : i32
      %dma_start3A_1152 = arith.constant 0 : i32
      %dma_start3A_1153 = arith.constant 0 : i32
      %dma_start3A_1154 = arith.constant 0 : i32
      %dma_start3A_1155 = tpu.memref_slice %arg6[%dma_start3A_1150, %dma_start3A_1152, %dma_start3A_1153, %dma_start3A_1154] : memref<2x16x50x32xf32, #tpu.memory_space<vmem>> -> memref<1x16x50x32xf32, #tpu.memory_space<vmem>>
      %dma_start3A_1156 = tpu.memref_squeeze %dma_start3A_1155 : memref<1x16x50x32xf32, #tpu.memory_space<vmem>> -> memref<16x50x32xf32, #tpu.memory_space<vmem>>
      %dma_start3A_1157 = arith.constant 0 : i32
      %dma_start3A_1158 = arith.constant 0 : i32
      %dma_start3A_1159 = tpu.memref_slice %dma_start3A_1156[%dma_start3A_1151, %dma_start3A_1157, %dma_start3A_1158] : memref<16x50x32xf32, #tpu.memory_space<vmem>> -> memref<1x50x32xf32, #tpu.memory_space<vmem>>
      %dma_start3A_1160 = tpu.memref_squeeze %dma_start3A_1159 : memref<1x50x32xf32, #tpu.memory_space<vmem>> -> memref<50x32xf32, #tpu.memory_space<vmem>>
      %dma_start3A_1161 = arith.constant 0 : i32
      %dma_start3A_1162 = tpu.memref_slice %arg5[%add3A_1149, %dma_start3A_1161] : memref<512x50xi32, #tpu.memory_space<vmem>> -> memref<1x50xi32, #tpu.memory_space<vmem>>
      %dma_start3A_1163 = tpu.memref_squeeze %dma_start3A_1162 : memref<1x50xi32, #tpu.memory_space<vmem>> -> memref<50xi32, #tpu.memory_space<vmem>>
      %dma_start3A_1164 = arith.constant 0 : i32
      %dma_start3A_1165 = arith.constant 0 : i32
      %dma_start3A_1166 = tpu.memref_slice %arg3[%dma_start3A_1164, %dma_start3A_1165] : memref<1000000x32xf32, #tpu.memory_space<hbm>> -> memref<1000000x32xf32, #tpu.memory_space<hbm>>
      tpu.enqueue_indirect_dma source(%dma_start3A_1166 : memref<1000000x32xf32, #tpu.memory_space<hbm>>) target(%dma_start3A_1160 : memref<50x32xf32, #tpu.memory_space<vmem>>) offsets(%dma_start3A_1163 : memref<50xi32, #tpu.memory_space<vmem>>) semaphore(%arg8 : memref<!tpu.dma_semaphore, #tpu.memory_space<semaphore_mem>>)
      %mul3A_1167 = arith.constant 16 : i32
      %mul3A_1168 = arith.muli %add3A_1086, %mul3A_1167 : i32
      %add3A_1169 = arith.constant 3 : i32
      %add3A_1170 = arith.addi %mul3A_1168, %add3A_1169 : i32
      %dma_start3A_1171 = arith.constant 1 : i32
      %dma_start3A_1172 = arith.constant 3 : i32
      %dma_start3A_1173 = arith.constant 0 : i32
      %dma_start3A_1174 = arith.constant 0 : i32
      %dma_start3A_1175 = arith.constant 0 : i32
      %dma_start3A_1176 = tpu.memref_slice %arg6[%dma_start3A_1171, %dma_start3A_1173, %dma_start3A_1174, %dma_start3A_1175] : memref<2x16x50x32xf32, #tpu.memory_space<vmem>> -> memref<1x16x50x32xf32, #tpu.memory_space<vmem>>
      %dma_start3A_1177 = tpu.memref_squeeze %dma_start3A_1176 : memref<1x16x50x32xf32, #tpu.memory_space<vmem>> -> memref<16x50x32xf32, #tpu.memory_space<vmem>>
      %dma_start3A_1178 = arith.constant 0 : i32
      %dma_start3A_1179 = arith.constant 0 : i32
      %dma_start3A_1180 = tpu.memref_slice %dma_start3A_1177[%dma_start3A_1172, %dma_start3A_1178, %dma_start3A_1179] : memref<16x50x32xf32, #tpu.memory_space<vmem>> -> memref<1x50x32xf32, #tpu.memory_space<vmem>>
      %dma_start3A_1181 = tpu.memref_squeeze %dma_start3A_1180 : memref<1x50x32xf32, #tpu.memory_space<vmem>> -> memref<50x32xf32, #tpu.memory_space<vmem>>
      %dma_start3A_1182 = arith.constant 0 : i32
      %dma_start3A_1183 = tpu.memref_slice %arg5[%add3A_1170, %dma_start3A_1182] : memref<512x50xi32, #tpu.memory_space<vmem>> -> memref<1x50xi32, #tpu.memory_space<vmem>>
      %dma_start3A_1184 = tpu.memref_squeeze %dma_start3A_1183 : memref<1x50xi32, #tpu.memory_space<vmem>> -> memref<50xi32, #tpu.memory_space<vmem>>
      %dma_start3A_1185 = arith.constant 0 : i32
      %dma_start3A_1186 = arith.constant 0 : i32
      %dma_start3A_1187 = tpu.memref_slice %arg3[%dma_start3A_1185, %dma_start3A_1186] : memref<1000000x32xf32, #tpu.memory_space<hbm>> -> memref<1000000x32xf32, #tpu.memory_space<hbm>>
      tpu.enqueue_indirect_dma source(%dma_start3A_1187 : memref<1000000x32xf32, #tpu.memory_space<hbm>>) target(%dma_start3A_1181 : memref<50x32xf32, #tpu.memory_space<vmem>>) offsets(%dma_start3A_1184 : memref<50xi32, #tpu.memory_space<vmem>>) semaphore(%arg8 : memref<!tpu.dma_semaphore, #tpu.memory_space<semaphore_mem>>)
      %mul3A_1188 = arith.constant 16 : i32
      %mul3A_1189 = arith.muli %add3A_1086, %mul3A_1188 : i32
      %add3A_1190 = arith.constant 4 : i32
      %add3A_1191 = arith.addi %mul3A_1189, %add3A_1190 : i32
      %dma_start3A_1192 = arith.constant 1 : i32
      %dma_start3A_1193 = arith.constant 4 : i32
      %dma_start3A_1194 = arith.constant 0 : i32
      %dma_start3A_1195 = arith.constant 0 : i32
      %dma_start3A_1196 = arith.constant 0 : i32
      %dma_start3A_1197 = tpu.memref_slice %arg6[%dma_start3A_1192, %dma_start3A_1194, %dma_start3A_1195, %dma_start3A_1196] : memref<2x16x50x32xf32, #tpu.memory_space<vmem>> -> memref<1x16x50x32xf32, #tpu.memory_space<vmem>>
      %dma_start3A_1198 = tpu.memref_squeeze %dma_start3A_1197 : memref<1x16x50x32xf32, #tpu.memory_space<vmem>> -> memref<16x50x32xf32, #tpu.memory_space<vmem>>
      %dma_start3A_1199 = arith.constant 0 : i32
      %dma_start3A_1200 = arith.constant 0 : i32
      %dma_start3A_1201 = tpu.memref_slice %dma_start3A_1198[%dma_start3A_1193, %dma_start3A_1199, %dma_start3A_1200] : memref<16x50x32xf32, #tpu.memory_space<vmem>> -> memref<1x50x32xf32, #tpu.memory_space<vmem>>
      %dma_start3A_1202 = tpu.memref_squeeze %dma_start3A_1201 : memref<1x50x32xf32, #tpu.memory_space<vmem>> -> memref<50x32xf32, #tpu.memory_space<vmem>>
      %dma_start3A_1203 = arith.constant 0 : i32
      %dma_start3A_1204 = tpu.memref_slice %arg5[%add3A_1191, %dma_start3A_1203] : memref<512x50xi32, #tpu.memory_space<vmem>> -> memref<1x50xi32, #tpu.memory_space<vmem>>
      %dma_start3A_1205 = tpu.memref_squeeze %dma_start3A_1204 : memref<1x50xi32, #tpu.memory_space<vmem>> -> memref<50xi32, #tpu.memory_space<vmem>>
      %dma_start3A_1206 = arith.constant 0 : i32
      %dma_start3A_1207 = arith.constant 0 : i32
      %dma_start3A_1208 = tpu.memref_slice %arg3[%dma_start3A_1206, %dma_start3A_1207] : memref<1000000x32xf32, #tpu.memory_space<hbm>> -> memref<1000000x32xf32, #tpu.memory_space<hbm>>
      tpu.enqueue_indirect_dma source(%dma_start3A_1208 : memref<1000000x32xf32, #tpu.memory_space<hbm>>) target(%dma_start3A_1202 : memref<50x32xf32, #tpu.memory_space<vmem>>) offsets(%dma_start3A_1205 : memref<50xi32, #tpu.memory_space<vmem>>) semaphore(%arg8 : memref<!tpu.dma_semaphore, #tpu.memory_space<semaphore_mem>>)
      %mul3A_1209 = arith.constant 16 : i32
      %mul3A_1210 = arith.muli %add3A_1086, %mul3A_1209 : i32
      %add3A_1211 = arith.constant 5 : i32
      %add3A_1212 = arith.addi %mul3A_1210, %add3A_1211 : i32
      %dma_start3A_1213 = arith.constant 1 : i32
      %dma_start3A_1214 = arith.constant 5 : i32
      %dma_start3A_1215 = arith.constant 0 : i32
      %dma_start3A_1216 = arith.constant 0 : i32
      %dma_start3A_1217 = arith.constant 0 : i32
      %dma_start3A_1218 = tpu.memref_slice %arg6[%dma_start3A_1213, %dma_start3A_1215, %dma_start3A_1216, %dma_start3A_1217] : memref<2x16x50x32xf32, #tpu.memory_space<vmem>> -> memref<1x16x50x32xf32, #tpu.memory_space<vmem>>
      %dma_start3A_1219 = tpu.memref_squeeze %dma_start3A_1218 : memref<1x16x50x32xf32, #tpu.memory_space<vmem>> -> memref<16x50x32xf32, #tpu.memory_space<vmem>>
      %dma_start3A_1220 = arith.constant 0 : i32
      %dma_start3A_1221 = arith.constant 0 : i32
      %dma_start3A_1222 = tpu.memref_slice %dma_start3A_1219[%dma_start3A_1214, %dma_start3A_1220, %dma_start3A_1221] : memref<16x50x32xf32, #tpu.memory_space<vmem>> -> memref<1x50x32xf32, #tpu.memory_space<vmem>>
      %dma_start3A_1223 = tpu.memref_squeeze %dma_start3A_1222 : memref<1x50x32xf32, #tpu.memory_space<vmem>> -> memref<50x32xf32, #tpu.memory_space<vmem>>
      %dma_start3A_1224 = arith.constant 0 : i32
      %dma_start3A_1225 = tpu.memref_slice %arg5[%add3A_1212, %dma_start3A_1224] : memref<512x50xi32, #tpu.memory_space<vmem>> -> memref<1x50xi32, #tpu.memory_space<vmem>>
      %dma_start3A_1226 = tpu.memref_squeeze %dma_start3A_1225 : memref<1x50xi32, #tpu.memory_space<vmem>> -> memref<50xi32, #tpu.memory_space<vmem>>
      %dma_start3A_1227 = arith.constant 0 : i32
      %dma_start3A_1228 = arith.constant 0 : i32
      %dma_start3A_1229 = tpu.memref_slice %arg3[%dma_start3A_1227, %dma_start3A_1228] : memref<1000000x32xf32, #tpu.memory_space<hbm>> -> memref<1000000x32xf32, #tpu.memory_space<hbm>>
      tpu.enqueue_indirect_dma source(%dma_start3A_1229 : memref<1000000x32xf32, #tpu.memory_space<hbm>>) target(%dma_start3A_1223 : memref<50x32xf32, #tpu.memory_space<vmem>>) offsets(%dma_start3A_1226 : memref<50xi32, #tpu.memory_space<vmem>>) semaphore(%arg8 : memref<!tpu.dma_semaphore, #tpu.memory_space<semaphore_mem>>)
      %mul3A_1230 = arith.constant 16 : i32
      %mul3A_1231 = arith.muli %add3A_1086, %mul3A_1230 : i32
      %add3A_1232 = arith.constant 6 : i32
      %add3A_1233 = arith.addi %mul3A_1231, %add3A_1232 : i32
      %dma_start3A_1234 = arith.constant 1 : i32
      %dma_start3A_1235 = arith.constant 6 : i32
      %dma_start3A_1236 = arith.constant 0 : i32
      %dma_start3A_1237 = arith.constant 0 : i32
      %dma_start3A_1238 = arith.constant 0 : i32
      %dma_start3A_1239 = tpu.memref_slice %arg6[%dma_start3A_1234, %dma_start3A_1236, %dma_start3A_1237, %dma_start3A_1238] : memref<2x16x50x32xf32, #tpu.memory_space<vmem>> -> memref<1x16x50x32xf32, #tpu.memory_space<vmem>>
      %dma_start3A_1240 = tpu.memref_squeeze %dma_start3A_1239 : memref<1x16x50x32xf32, #tpu.memory_space<vmem>> -> memref<16x50x32xf32, #tpu.memory_space<vmem>>
      %dma_start3A_1241 = arith.constant 0 : i32
      %dma_start3A_1242 = arith.constant 0 : i32
      %dma_start3A_1243 = tpu.memref_slice %dma_start3A_1240[%dma_start3A_1235, %dma_start3A_1241, %dma_start3A_1242] : memref<16x50x32xf32, #tpu.memory_space<vmem>> -> memref<1x50x32xf32, #tpu.memory_space<vmem>>
      %dma_start3A_1244 = tpu.memref_squeeze %dma_start3A_1243 : memref<1x50x32xf32, #tpu.memory_space<vmem>> -> memref<50x32xf32, #tpu.memory_space<vmem>>
      %dma_start3A_1245 = arith.constant 0 : i32
      %dma_start3A_1246 = tpu.memref_slice %arg5[%add3A_1233, %dma_start3A_1245] : memref<512x50xi32, #tpu.memory_space<vmem>> -> memref<1x50xi32, #tpu.memory_space<vmem>>
      %dma_start3A_1247 = tpu.memref_squeeze %dma_start3A_1246 : memref<1x50xi32, #tpu.memory_space<vmem>> -> memref<50xi32, #tpu.memory_space<vmem>>
      %dma_start3A_1248 = arith.constant 0 : i32
      %dma_start3A_1249 = arith.constant 0 : i32
      %dma_start3A_1250 = tpu.memref_slice %arg3[%dma_start3A_1248, %dma_start3A_1249] : memref<1000000x32xf32, #tpu.memory_space<hbm>> -> memref<1000000x32xf32, #tpu.memory_space<hbm>>
      tpu.enqueue_indirect_dma source(%dma_start3A_1250 : memref<1000000x32xf32, #tpu.memory_space<hbm>>) target(%dma_start3A_1244 : memref<50x32xf32, #tpu.memory_space<vmem>>) offsets(%dma_start3A_1247 : memref<50xi32, #tpu.memory_space<vmem>>) semaphore(%arg8 : memref<!tpu.dma_semaphore, #tpu.memory_space<semaphore_mem>>)
      %mul3A_1251 = arith.constant 16 : i32
      %mul3A_1252 = arith.muli %add3A_1086, %mul3A_1251 : i32
      %add3A_1253 = arith.constant 7 : i32
      %add3A_1254 = arith.addi %mul3A_1252, %add3A_1253 : i32
      %dma_start3A_1255 = arith.constant 1 : i32
      %dma_start3A_1256 = arith.constant 7 : i32
      %dma_start3A_1257 = arith.constant 0 : i32
      %dma_start3A_1258 = arith.constant 0 : i32
      %dma_start3A_1259 = arith.constant 0 : i32
      %dma_start3A_1260 = tpu.memref_slice %arg6[%dma_start3A_1255, %dma_start3A_1257, %dma_start3A_1258, %dma_start3A_1259] : memref<2x16x50x32xf32, #tpu.memory_space<vmem>> -> memref<1x16x50x32xf32, #tpu.memory_space<vmem>>
      %dma_start3A_1261 = tpu.memref_squeeze %dma_start3A_1260 : memref<1x16x50x32xf32, #tpu.memory_space<vmem>> -> memref<16x50x32xf32, #tpu.memory_space<vmem>>
      %dma_start3A_1262 = arith.constant 0 : i32
      %dma_start3A_1263 = arith.constant 0 : i32
      %dma_start3A_1264 = tpu.memref_slice %dma_start3A_1261[%dma_start3A_1256, %dma_start3A_1262, %dma_start3A_1263] : memref<16x50x32xf32, #tpu.memory_space<vmem>> -> memref<1x50x32xf32, #tpu.memory_space<vmem>>
      %dma_start3A_1265 = tpu.memref_squeeze %dma_start3A_1264 : memref<1x50x32xf32, #tpu.memory_space<vmem>> -> memref<50x32xf32, #tpu.memory_space<vmem>>
      %dma_start3A_1266 = arith.constant 0 : i32
      %dma_start3A_1267 = tpu.memref_slice %arg5[%add3A_1254, %dma_start3A_1266] : memref<512x50xi32, #tpu.memory_space<vmem>> -> memref<1x50xi32, #tpu.memory_space<vmem>>
      %dma_start3A_1268 = tpu.memref_squeeze %dma_start3A_1267 : memref<1x50xi32, #tpu.memory_space<vmem>> -> memref<50xi32, #tpu.memory_space<vmem>>
      %dma_start3A_1269 = arith.constant 0 : i32
      %dma_start3A_1270 = arith.constant 0 : i32
      %dma_start3A_1271 = tpu.memref_slice %arg3[%dma_start3A_1269, %dma_start3A_1270] : memref<1000000x32xf32, #tpu.memory_space<hbm>> -> memref<1000000x32xf32, #tpu.memory_space<hbm>>
      tpu.enqueue_indirect_dma source(%dma_start3A_1271 : memref<1000000x32xf32, #tpu.memory_space<hbm>>) target(%dma_start3A_1265 : memref<50x32xf32, #tpu.memory_space<vmem>>) offsets(%dma_start3A_1268 : memref<50xi32, #tpu.memory_space<vmem>>) semaphore(%arg8 : memref<!tpu.dma_semaphore, #tpu.memory_space<semaphore_mem>>)
      %mul3A_1272 = arith.constant 16 : i32
      %mul3A_1273 = arith.muli %add3A_1086, %mul3A_1272 : i32
      %add3A_1274 = arith.constant 8 : i32
      %add3A_1275 = arith.addi %mul3A_1273, %add3A_1274 : i32
      %dma_start3A_1276 = arith.constant 1 : i32
      %dma_start3A_1277 = arith.constant 8 : i32
      %dma_start3A_1278 = arith.constant 0 : i32
      %dma_start3A_1279 = arith.constant 0 : i32
      %dma_start3A_1280 = arith.constant 0 : i32
      %dma_start3A_1281 = tpu.memref_slice %arg6[%dma_start3A_1276, %dma_start3A_1278, %dma_start3A_1279, %dma_start3A_1280] : memref<2x16x50x32xf32, #tpu.memory_space<vmem>> -> memref<1x16x50x32xf32, #tpu.memory_space<vmem>>
      %dma_start3A_1282 = tpu.memref_squeeze %dma_start3A_1281 : memref<1x16x50x32xf32, #tpu.memory_space<vmem>> -> memref<16x50x32xf32, #tpu.memory_space<vmem>>
      %dma_start3A_1283 = arith.constant 0 : i32
      %dma_start3A_1284 = arith.constant 0 : i32
      %dma_start3A_1285 = tpu.memref_slice %dma_start3A_1282[%dma_start3A_1277, %dma_start3A_1283, %dma_start3A_1284] : memref<16x50x32xf32, #tpu.memory_space<vmem>> -> memref<1x50x32xf32, #tpu.memory_space<vmem>>
      %dma_start3A_1286 = tpu.memref_squeeze %dma_start3A_1285 : memref<1x50x32xf32, #tpu.memory_space<vmem>> -> memref<50x32xf32, #tpu.memory_space<vmem>>
      %dma_start3A_1287 = arith.constant 0 : i32
      %dma_start3A_1288 = tpu.memref_slice %arg5[%add3A_1275, %dma_start3A_1287] : memref<512x50xi32, #tpu.memory_space<vmem>> -> memref<1x50xi32, #tpu.memory_space<vmem>>
      %dma_start3A_1289 = tpu.memref_squeeze %dma_start3A_1288 : memref<1x50xi32, #tpu.memory_space<vmem>> -> memref<50xi32, #tpu.memory_space<vmem>>
      %dma_start3A_1290 = arith.constant 0 : i32
      %dma_start3A_1291 = arith.constant 0 : i32
      %dma_start3A_1292 = tpu.memref_slice %arg3[%dma_start3A_1290, %dma_start3A_1291] : memref<1000000x32xf32, #tpu.memory_space<hbm>> -> memref<1000000x32xf32, #tpu.memory_space<hbm>>
      tpu.enqueue_indirect_dma source(%dma_start3A_1292 : memref<1000000x32xf32, #tpu.memory_space<hbm>>) target(%dma_start3A_1286 : memref<50x32xf32, #tpu.memory_space<vmem>>) offsets(%dma_start3A_1289 : memref<50xi32, #tpu.memory_space<vmem>>) semaphore(%arg8 : memref<!tpu.dma_semaphore, #tpu.memory_space<semaphore_mem>>)
      %mul3A_1293 = arith.constant 16 : i32
      %mul3A_1294 = arith.muli %add3A_1086, %mul3A_1293 : i32
      %add3A_1295 = arith.constant 9 : i32
      %add3A_1296 = arith.addi %mul3A_1294, %add3A_1295 : i32
      %dma_start3A_1297 = arith.constant 1 : i32
      %dma_start3A_1298 = arith.constant 9 : i32
      %dma_start3A_1299 = arith.constant 0 : i32
      %dma_start3A_1300 = arith.constant 0 : i32
      %dma_start3A_1301 = arith.constant 0 : i32
      %dma_start3A_1302 = tpu.memref_slice %arg6[%dma_start3A_1297, %dma_start3A_1299, %dma_start3A_1300, %dma_start3A_1301] : memref<2x16x50x32xf32, #tpu.memory_space<vmem>> -> memref<1x16x50x32xf32, #tpu.memory_space<vmem>>
      %dma_start3A_1303 = tpu.memref_squeeze %dma_start3A_1302 : memref<1x16x50x32xf32, #tpu.memory_space<vmem>> -> memref<16x50x32xf32, #tpu.memory_space<vmem>>
      %dma_start3A_1304 = arith.constant 0 : i32
      %dma_start3A_1305 = arith.constant 0 : i32
      %dma_start3A_1306 = tpu.memref_slice %dma_start3A_1303[%dma_start3A_1298, %dma_start3A_1304, %dma_start3A_1305] : memref<16x50x32xf32, #tpu.memory_space<vmem>> -> memref<1x50x32xf32, #tpu.memory_space<vmem>>
      %dma_start3A_1307 = tpu.memref_squeeze %dma_start3A_1306 : memref<1x50x32xf32, #tpu.memory_space<vmem>> -> memref<50x32xf32, #tpu.memory_space<vmem>>
      %dma_start3A_1308 = arith.constant 0 : i32
      %dma_start3A_1309 = tpu.memref_slice %arg5[%add3A_1296, %dma_start3A_1308] : memref<512x50xi32, #tpu.memory_space<vmem>> -> memref<1x50xi32, #tpu.memory_space<vmem>>
      %dma_start3A_1310 = tpu.memref_squeeze %dma_start3A_1309 : memref<1x50xi32, #tpu.memory_space<vmem>> -> memref<50xi32, #tpu.memory_space<vmem>>
      %dma_start3A_1311 = arith.constant 0 : i32
      %dma_start3A_1312 = arith.constant 0 : i32
      %dma_start3A_1313 = tpu.memref_slice %arg3[%dma_start3A_1311, %dma_start3A_1312] : memref<1000000x32xf32, #tpu.memory_space<hbm>> -> memref<1000000x32xf32, #tpu.memory_space<hbm>>
      tpu.enqueue_indirect_dma source(%dma_start3A_1313 : memref<1000000x32xf32, #tpu.memory_space<hbm>>) target(%dma_start3A_1307 : memref<50x32xf32, #tpu.memory_space<vmem>>) offsets(%dma_start3A_1310 : memref<50xi32, #tpu.memory_space<vmem>>) semaphore(%arg8 : memref<!tpu.dma_semaphore, #tpu.memory_space<semaphore_mem>>)
      %mul3A_1314 = arith.constant 16 : i32
      %mul3A_1315 = arith.muli %add3A_1086, %mul3A_1314 : i32
      %add3A_1316 = arith.constant 10 : i32
      %add3A_1317 = arith.addi %mul3A_1315, %add3A_1316 : i32
      %dma_start3A_1318 = arith.constant 1 : i32
      %dma_start3A_1319 = arith.constant 10 : i32
      %dma_start3A_1320 = arith.constant 0 : i32
      %dma_start3A_1321 = arith.constant 0 : i32
      %dma_start3A_1322 = arith.constant 0 : i32
      %dma_start3A_1323 = tpu.memref_slice %arg6[%dma_start3A_1318, %dma_start3A_1320, %dma_start3A_1321, %dma_start3A_1322] : memref<2x16x50x32xf32, #tpu.memory_space<vmem>> -> memref<1x16x50x32xf32, #tpu.memory_space<vmem>>
      %dma_start3A_1324 = tpu.memref_squeeze %dma_start3A_1323 : memref<1x16x50x32xf32, #tpu.memory_space<vmem>> -> memref<16x50x32xf32, #tpu.memory_space<vmem>>
      %dma_start3A_1325 = arith.constant 0 : i32
      %dma_start3A_1326 = arith.constant 0 : i32
      %dma_start3A_1327 = tpu.memref_slice %dma_start3A_1324[%dma_start3A_1319, %dma_start3A_1325, %dma_start3A_1326] : memref<16x50x32xf32, #tpu.memory_space<vmem>> -> memref<1x50x32xf32, #tpu.memory_space<vmem>>
      %dma_start3A_1328 = tpu.memref_squeeze %dma_start3A_1327 : memref<1x50x32xf32, #tpu.memory_space<vmem>> -> memref<50x32xf32, #tpu.memory_space<vmem>>
      %dma_start3A_1329 = arith.constant 0 : i32
      %dma_start3A_1330 = tpu.memref_slice %arg5[%add3A_1317, %dma_start3A_1329] : memref<512x50xi32, #tpu.memory_space<vmem>> -> memref<1x50xi32, #tpu.memory_space<vmem>>
      %dma_start3A_1331 = tpu.memref_squeeze %dma_start3A_1330 : memref<1x50xi32, #tpu.memory_space<vmem>> -> memref<50xi32, #tpu.memory_space<vmem>>
      %dma_start3A_1332 = arith.constant 0 : i32
      %dma_start3A_1333 = arith.constant 0 : i32
      %dma_start3A_1334 = tpu.memref_slice %arg3[%dma_start3A_1332, %dma_start3A_1333] : memref<1000000x32xf32, #tpu.memory_space<hbm>> -> memref<1000000x32xf32, #tpu.memory_space<hbm>>
      tpu.enqueue_indirect_dma source(%dma_start3A_1334 : memref<1000000x32xf32, #tpu.memory_space<hbm>>) target(%dma_start3A_1328 : memref<50x32xf32, #tpu.memory_space<vmem>>) offsets(%dma_start3A_1331 : memref<50xi32, #tpu.memory_space<vmem>>) semaphore(%arg8 : memref<!tpu.dma_semaphore, #tpu.memory_space<semaphore_mem>>)
      %mul3A_1335 = arith.constant 16 : i32
      %mul3A_1336 = arith.muli %add3A_1086, %mul3A_1335 : i32
      %add3A_1337 = arith.constant 11 : i32
      %add3A_1338 = arith.addi %mul3A_1336, %add3A_1337 : i32
      %dma_start3A_1339 = arith.constant 1 : i32
      %dma_start3A_1340 = arith.constant 11 : i32
      %dma_start3A_1341 = arith.constant 0 : i32
      %dma_start3A_1342 = arith.constant 0 : i32
      %dma_start3A_1343 = arith.constant 0 : i32
      %dma_start3A_1344 = tpu.memref_slice %arg6[%dma_start3A_1339, %dma_start3A_1341, %dma_start3A_1342, %dma_start3A_1343] : memref<2x16x50x32xf32, #tpu.memory_space<vmem>> -> memref<1x16x50x32xf32, #tpu.memory_space<vmem>>
      %dma_start3A_1345 = tpu.memref_squeeze %dma_start3A_1344 : memref<1x16x50x32xf32, #tpu.memory_space<vmem>> -> memref<16x50x32xf32, #tpu.memory_space<vmem>>
      %dma_start3A_1346 = arith.constant 0 : i32
      %dma_start3A_1347 = arith.constant 0 : i32
      %dma_start3A_1348 = tpu.memref_slice %dma_start3A_1345[%dma_start3A_1340, %dma_start3A_1346, %dma_start3A_1347] : memref<16x50x32xf32, #tpu.memory_space<vmem>> -> memref<1x50x32xf32, #tpu.memory_space<vmem>>
      %dma_start3A_1349 = tpu.memref_squeeze %dma_start3A_1348 : memref<1x50x32xf32, #tpu.memory_space<vmem>> -> memref<50x32xf32, #tpu.memory_space<vmem>>
      %dma_start3A_1350 = arith.constant 0 : i32
      %dma_start3A_1351 = tpu.memref_slice %arg5[%add3A_1338, %dma_start3A_1350] : memref<512x50xi32, #tpu.memory_space<vmem>> -> memref<1x50xi32, #tpu.memory_space<vmem>>
      %dma_start3A_1352 = tpu.memref_squeeze %dma_start3A_1351 : memref<1x50xi32, #tpu.memory_space<vmem>> -> memref<50xi32, #tpu.memory_space<vmem>>
      %dma_start3A_1353 = arith.constant 0 : i32
      %dma_start3A_1354 = arith.constant 0 : i32
      %dma_start3A_1355 = tpu.memref_slice %arg3[%dma_start3A_1353, %dma_start3A_1354] : memref<1000000x32xf32, #tpu.memory_space<hbm>> -> memref<1000000x32xf32, #tpu.memory_space<hbm>>
      tpu.enqueue_indirect_dma source(%dma_start3A_1355 : memref<1000000x32xf32, #tpu.memory_space<hbm>>) target(%dma_start3A_1349 : memref<50x32xf32, #tpu.memory_space<vmem>>) offsets(%dma_start3A_1352 : memref<50xi32, #tpu.memory_space<vmem>>) semaphore(%arg8 : memref<!tpu.dma_semaphore, #tpu.memory_space<semaphore_mem>>)
      %mul3A_1356 = arith.constant 16 : i32
      %mul3A_1357 = arith.muli %add3A_1086, %mul3A_1356 : i32
      %add3A_1358 = arith.constant 12 : i32
      %add3A_1359 = arith.addi %mul3A_1357, %add3A_1358 : i32
      %dma_start3A_1360 = arith.constant 1 : i32
      %dma_start3A_1361 = arith.constant 12 : i32
      %dma_start3A_1362 = arith.constant 0 : i32
      %dma_start3A_1363 = arith.constant 0 : i32
      %dma_start3A_1364 = arith.constant 0 : i32
      %dma_start3A_1365 = tpu.memref_slice %arg6[%dma_start3A_1360, %dma_start3A_1362, %dma_start3A_1363, %dma_start3A_1364] : memref<2x16x50x32xf32, #tpu.memory_space<vmem>> -> memref<1x16x50x32xf32, #tpu.memory_space<vmem>>
      %dma_start3A_1366 = tpu.memref_squeeze %dma_start3A_1365 : memref<1x16x50x32xf32, #tpu.memory_space<vmem>> -> memref<16x50x32xf32, #tpu.memory_space<vmem>>
      %dma_start3A_1367 = arith.constant 0 : i32
      %dma_start3A_1368 = arith.constant 0 : i32
      %dma_start3A_1369 = tpu.memref_slice %dma_start3A_1366[%dma_start3A_1361, %dma_start3A_1367, %dma_start3A_1368] : memref<16x50x32xf32, #tpu.memory_space<vmem>> -> memref<1x50x32xf32, #tpu.memory_space<vmem>>
      %dma_start3A_1370 = tpu.memref_squeeze %dma_start3A_1369 : memref<1x50x32xf32, #tpu.memory_space<vmem>> -> memref<50x32xf32, #tpu.memory_space<vmem>>
      %dma_start3A_1371 = arith.constant 0 : i32
      %dma_start3A_1372 = tpu.memref_slice %arg5[%add3A_1359, %dma_start3A_1371] : memref<512x50xi32, #tpu.memory_space<vmem>> -> memref<1x50xi32, #tpu.memory_space<vmem>>
      %dma_start3A_1373 = tpu.memref_squeeze %dma_start3A_1372 : memref<1x50xi32, #tpu.memory_space<vmem>> -> memref<50xi32, #tpu.memory_space<vmem>>
      %dma_start3A_1374 = arith.constant 0 : i32
      %dma_start3A_1375 = arith.constant 0 : i32
      %dma_start3A_1376 = tpu.memref_slice %arg3[%dma_start3A_1374, %dma_start3A_1375] : memref<1000000x32xf32, #tpu.memory_space<hbm>> -> memref<1000000x32xf32, #tpu.memory_space<hbm>>
      tpu.enqueue_indirect_dma source(%dma_start3A_1376 : memref<1000000x32xf32, #tpu.memory_space<hbm>>) target(%dma_start3A_1370 : memref<50x32xf32, #tpu.memory_space<vmem>>) offsets(%dma_start3A_1373 : memref<50xi32, #tpu.memory_space<vmem>>) semaphore(%arg8 : memref<!tpu.dma_semaphore, #tpu.memory_space<semaphore_mem>>)
      %mul3A_1377 = arith.constant 16 : i32
      %mul3A_1378 = arith.muli %add3A_1086, %mul3A_1377 : i32
      %add3A_1379 = arith.constant 13 : i32
      %add3A_1380 = arith.addi %mul3A_1378, %add3A_1379 : i32
      %dma_start3A_1381 = arith.constant 1 : i32
      %dma_start3A_1382 = arith.constant 13 : i32
      %dma_start3A_1383 = arith.constant 0 : i32
      %dma_start3A_1384 = arith.constant 0 : i32
      %dma_start3A_1385 = arith.constant 0 : i32
      %dma_start3A_1386 = tpu.memref_slice %arg6[%dma_start3A_1381, %dma_start3A_1383, %dma_start3A_1384, %dma_start3A_1385] : memref<2x16x50x32xf32, #tpu.memory_space<vmem>> -> memref<1x16x50x32xf32, #tpu.memory_space<vmem>>
      %dma_start3A_1387 = tpu.memref_squeeze %dma_start3A_1386 : memref<1x16x50x32xf32, #tpu.memory_space<vmem>> -> memref<16x50x32xf32, #tpu.memory_space<vmem>>
      %dma_start3A_1388 = arith.constant 0 : i32
      %dma_start3A_1389 = arith.constant 0 : i32
      %dma_start3A_1390 = tpu.memref_slice %dma_start3A_1387[%dma_start3A_1382, %dma_start3A_1388, %dma_start3A_1389] : memref<16x50x32xf32, #tpu.memory_space<vmem>> -> memref<1x50x32xf32, #tpu.memory_space<vmem>>
      %dma_start3A_1391 = tpu.memref_squeeze %dma_start3A_1390 : memref<1x50x32xf32, #tpu.memory_space<vmem>> -> memref<50x32xf32, #tpu.memory_space<vmem>>
      %dma_start3A_1392 = arith.constant 0 : i32
      %dma_start3A_1393 = tpu.memref_slice %arg5[%add3A_1380, %dma_start3A_1392] : memref<512x50xi32, #tpu.memory_space<vmem>> -> memref<1x50xi32, #tpu.memory_space<vmem>>
      %dma_start3A_1394 = tpu.memref_squeeze %dma_start3A_1393 : memref<1x50xi32, #tpu.memory_space<vmem>> -> memref<50xi32, #tpu.memory_space<vmem>>
      %dma_start3A_1395 = arith.constant 0 : i32
      %dma_start3A_1396 = arith.constant 0 : i32
      %dma_start3A_1397 = tpu.memref_slice %arg3[%dma_start3A_1395, %dma_start3A_1396] : memref<1000000x32xf32, #tpu.memory_space<hbm>> -> memref<1000000x32xf32, #tpu.memory_space<hbm>>
      tpu.enqueue_indirect_dma source(%dma_start3A_1397 : memref<1000000x32xf32, #tpu.memory_space<hbm>>) target(%dma_start3A_1391 : memref<50x32xf32, #tpu.memory_space<vmem>>) offsets(%dma_start3A_1394 : memref<50xi32, #tpu.memory_space<vmem>>) semaphore(%arg8 : memref<!tpu.dma_semaphore, #tpu.memory_space<semaphore_mem>>)
      %mul3A_1398 = arith.constant 16 : i32
      %mul3A_1399 = arith.muli %add3A_1086, %mul3A_1398 : i32
      %add3A_1400 = arith.constant 14 : i32
      %add3A_1401 = arith.addi %mul3A_1399, %add3A_1400 : i32
      %dma_start3A_1402 = arith.constant 1 : i32
      %dma_start3A_1403 = arith.constant 14 : i32
      %dma_start3A_1404 = arith.constant 0 : i32
      %dma_start3A_1405 = arith.constant 0 : i32
      %dma_start3A_1406 = arith.constant 0 : i32
      %dma_start3A_1407 = tpu.memref_slice %arg6[%dma_start3A_1402, %dma_start3A_1404, %dma_start3A_1405, %dma_start3A_1406] : memref<2x16x50x32xf32, #tpu.memory_space<vmem>> -> memref<1x16x50x32xf32, #tpu.memory_space<vmem>>
      %dma_start3A_1408 = tpu.memref_squeeze %dma_start3A_1407 : memref<1x16x50x32xf32, #tpu.memory_space<vmem>> -> memref<16x50x32xf32, #tpu.memory_space<vmem>>
      %dma_start3A_1409 = arith.constant 0 : i32
      %dma_start3A_1410 = arith.constant 0 : i32
      %dma_start3A_1411 = tpu.memref_slice %dma_start3A_1408[%dma_start3A_1403, %dma_start3A_1409, %dma_start3A_1410] : memref<16x50x32xf32, #tpu.memory_space<vmem>> -> memref<1x50x32xf32, #tpu.memory_space<vmem>>
      %dma_start3A_1412 = tpu.memref_squeeze %dma_start3A_1411 : memref<1x50x32xf32, #tpu.memory_space<vmem>> -> memref<50x32xf32, #tpu.memory_space<vmem>>
      %dma_start3A_1413 = arith.constant 0 : i32
      %dma_start3A_1414 = tpu.memref_slice %arg5[%add3A_1401, %dma_start3A_1413] : memref<512x50xi32, #tpu.memory_space<vmem>> -> memref<1x50xi32, #tpu.memory_space<vmem>>
      %dma_start3A_1415 = tpu.memref_squeeze %dma_start3A_1414 : memref<1x50xi32, #tpu.memory_space<vmem>> -> memref<50xi32, #tpu.memory_space<vmem>>
      %dma_start3A_1416 = arith.constant 0 : i32
      %dma_start3A_1417 = arith.constant 0 : i32
      %dma_start3A_1418 = tpu.memref_slice %arg3[%dma_start3A_1416, %dma_start3A_1417] : memref<1000000x32xf32, #tpu.memory_space<hbm>> -> memref<1000000x32xf32, #tpu.memory_space<hbm>>
      tpu.enqueue_indirect_dma source(%dma_start3A_1418 : memref<1000000x32xf32, #tpu.memory_space<hbm>>) target(%dma_start3A_1412 : memref<50x32xf32, #tpu.memory_space<vmem>>) offsets(%dma_start3A_1415 : memref<50xi32, #tpu.memory_space<vmem>>) semaphore(%arg8 : memref<!tpu.dma_semaphore, #tpu.memory_space<semaphore_mem>>)
      %mul3A_1419 = arith.constant 16 : i32
      %mul3A_1420 = arith.muli %add3A_1086, %mul3A_1419 : i32
      %add3A_1421 = arith.constant 15 : i32
      %add3A_1422 = arith.addi %mul3A_1420, %add3A_1421 : i32
      %dma_start3A_1423 = arith.constant 1 : i32
      %dma_start3A_1424 = arith.constant 15 : i32
      %dma_start3A_1425 = arith.constant 0 : i32
      %dma_start3A_1426 = arith.constant 0 : i32
      %dma_start3A_1427 = arith.constant 0 : i32
      %dma_start3A_1428 = tpu.memref_slice %arg6[%dma_start3A_1423, %dma_start3A_1425, %dma_start3A_1426, %dma_start3A_1427] : memref<2x16x50x32xf32, #tpu.memory_space<vmem>> -> memref<1x16x50x32xf32, #tpu.memory_space<vmem>>
      %dma_start3A_1429 = tpu.memref_squeeze %dma_start3A_1428 : memref<1x16x50x32xf32, #tpu.memory_space<vmem>> -> memref<16x50x32xf32, #tpu.memory_space<vmem>>
      %dma_start3A_1430 = arith.constant 0 : i32
      %dma_start3A_1431 = arith.constant 0 : i32
      %dma_start3A_1432 = tpu.memref_slice %dma_start3A_1429[%dma_start3A_1424, %dma_start3A_1430, %dma_start3A_1431] : memref<16x50x32xf32, #tpu.memory_space<vmem>> -> memref<1x50x32xf32, #tpu.memory_space<vmem>>
      %dma_start3A_1433 = tpu.memref_squeeze %dma_start3A_1432 : memref<1x50x32xf32, #tpu.memory_space<vmem>> -> memref<50x32xf32, #tpu.memory_space<vmem>>
      %dma_start3A_1434 = arith.constant 0 : i32
      %dma_start3A_1435 = tpu.memref_slice %arg5[%add3A_1422, %dma_start3A_1434] : memref<512x50xi32, #tpu.memory_space<vmem>> -> memref<1x50xi32, #tpu.memory_space<vmem>>
      %dma_start3A_1436 = tpu.memref_squeeze %dma_start3A_1435 : memref<1x50xi32, #tpu.memory_space<vmem>> -> memref<50xi32, #tpu.memory_space<vmem>>
      %dma_start3A_1437 = arith.constant 0 : i32
      %dma_start3A_1438 = arith.constant 0 : i32
      %dma_start3A_1439 = tpu.memref_slice %arg3[%dma_start3A_1437, %dma_start3A_1438] : memref<1000000x32xf32, #tpu.memory_space<hbm>> -> memref<1000000x32xf32, #tpu.memory_space<hbm>>
      tpu.enqueue_indirect_dma source(%dma_start3A_1439 : memref<1000000x32xf32, #tpu.memory_space<hbm>>) target(%dma_start3A_1433 : memref<50x32xf32, #tpu.memory_space<vmem>>) offsets(%dma_start3A_1436 : memref<50xi32, #tpu.memory_space<vmem>>) semaphore(%arg8 : memref<!tpu.dma_semaphore, #tpu.memory_space<semaphore_mem>>)
      %dma_wait3A_1440 = arith.constant 0 : i32
      %dma_wait3A_1441 = arith.constant 0 : i32
      %dma_wait3A_1442 = arith.constant 0 : i32
      %dma_wait3A_1443 = arith.constant 0 : i32
      %dma_wait3A_1444 = tpu.memref_slice %arg6[%dma_wait3A_1440, %dma_wait3A_1441, %dma_wait3A_1442, %dma_wait3A_1443] : memref<2x16x50x32xf32, #tpu.memory_space<vmem>> -> memref<1x16x50x32xf32, #tpu.memory_space<vmem>>
      %dma_wait3A_1445 = tpu.memref_squeeze %dma_wait3A_1444 : memref<1x16x50x32xf32, #tpu.memory_space<vmem>> -> memref<16x50x32xf32, #tpu.memory_space<vmem>>
      %dma_wait3A_1446 = arith.constant 0 : i32
      %dma_wait3A_1447 = arith.constant 0 : i32
      %dma_wait3A_1448 = tpu.memref_slice %arg4[%mul3A_2, %dma_wait3A_1446, %dma_wait3A_1447] : memref<16384x50x32xf32, #tpu.memory_space<hbm>> -> memref<16x50x32xf32, #tpu.memory_space<hbm>>
      %dma_wait3A_1449 = arith.constant 0 : i32
      %dma_wait3A_1450 = arith.constant 0 : i32
      %dma_wait3A_1451 = arith.constant 0 : i32
      %dma_wait3A_1452 = tpu.memref_slice %arg6[%dma_wait3A_1440, %dma_wait3A_1449, %dma_wait3A_1450, %dma_wait3A_1451] : memref<2x16x50x32xf32, #tpu.memory_space<vmem>> -> memref<1x16x50x32xf32, #tpu.memory_space<vmem>>
      %dma_wait3A_1453 = tpu.memref_squeeze %dma_wait3A_1452 : memref<1x16x50x32xf32, #tpu.memory_space<vmem>> -> memref<16x50x32xf32, #tpu.memory_space<vmem>>
      %dma_wait3A_1454 = arith.constant 0 : i32
      %dma_wait3A_1455 = arith.constant 0 : i32
      %dma_wait3A_1456 = tpu.memref_slice %arg4[%mul3A_2, %dma_wait3A_1454, %dma_wait3A_1455] : memref<16384x50x32xf32, #tpu.memory_space<hbm>> -> memref<16x50x32xf32, #tpu.memory_space<hbm>>
      tpu.wait_dma2 semaphore(%arg7 : memref<!tpu.dma_semaphore, #tpu.memory_space<semaphore_mem>>) src(%dma_wait3A_1456 : memref<16x50x32xf32, #tpu.memory_space<hbm>>) dst(%dma_wait3A_1453 : memref<16x50x32xf32, #tpu.memory_space<vmem>>)
      %sub3A_1457 = arith.constant 1 : i32
      %sub3A_1458 = arith.subi %add3A_1086, %sub3A_1457 : i32
      %mul3A_1459 = arith.constant 16 : i32
      %mul3A_1460 = arith.muli %sub3A_1458, %mul3A_1459 : i32
      %add3A_1461 = arith.addi %mul3A_2, %mul3A_1460 : i32
      %dma_start3A_1462 = arith.constant 0 : i32
      %dma_start3A_1463 = arith.constant 0 : i32
      %dma_start3A_1464 = arith.constant 0 : i32
      %dma_start3A_1465 = arith.constant 0 : i32
      %dma_start3A_1466 = tpu.memref_slice %arg6[%dma_start3A_1462, %dma_start3A_1463, %dma_start3A_1464, %dma_start3A_1465] : memref<2x16x50x32xf32, #tpu.memory_space<vmem>> -> memref<1x16x50x32xf32, #tpu.memory_space<vmem>>
      %dma_start3A_1467 = tpu.memref_squeeze %dma_start3A_1466 : memref<1x16x50x32xf32, #tpu.memory_space<vmem>> -> memref<16x50x32xf32, #tpu.memory_space<vmem>>
      %dma_start3A_1468 = arith.constant 0 : i32
      %dma_start3A_1469 = arith.constant 0 : i32
      %dma_start3A_1470 = tpu.memref_slice %arg4[%add3A_1461, %dma_start3A_1468, %dma_start3A_1469] : memref<16384x50x32xf32, #tpu.memory_space<hbm>> -> memref<16x50x32xf32, #tpu.memory_space<hbm>>
      %dma_start3A_1471 = arith.constant 0 : i32
      %dma_start3A_1472 = arith.constant 0 : i32
      %dma_start3A_1473 = tpu.memref_slice %arg4[%add3A_1461, %dma_start3A_1471, %dma_start3A_1472] : memref<16384x50x32xf32, #tpu.memory_space<hbm>> -> memref<16x50x32xf32, #tpu.memory_space<hbm>>
      %dma_start3A_1474 = arith.constant 0 : i32
      %dma_start3A_1475 = arith.constant 0 : i32
      %dma_start3A_1476 = arith.constant 0 : i32
      %dma_start3A_1477 = tpu.memref_slice %arg6[%dma_start3A_1462, %dma_start3A_1474, %dma_start3A_1475, %dma_start3A_1476] : memref<2x16x50x32xf32, #tpu.memory_space<vmem>> -> memref<1x16x50x32xf32, #tpu.memory_space<vmem>>
      %dma_start3A_1478 = tpu.memref_squeeze %dma_start3A_1477 : memref<1x16x50x32xf32, #tpu.memory_space<vmem>> -> memref<16x50x32xf32, #tpu.memory_space<vmem>>
      tpu.enqueue_dma source(%dma_start3A_1478 : memref<16x50x32xf32, #tpu.memory_space<vmem>>) target(%dma_start3A_1473 : memref<16x50x32xf32, #tpu.memory_space<hbm>>) target_semaphore(%arg9 : memref<!tpu.dma_semaphore, #tpu.memory_space<semaphore_mem>>)
    }
    %scan3A_616 = arith.constant 15 : i32
    %dma_wait3A_617 = arith.constant 1 : i32
    %dma_wait3A_618 = arith.constant 0 : i32
    %dma_wait3A_619 = arith.constant 0 : i32
    %dma_wait3A_620 = arith.constant 0 : i32
    %dma_wait3A_621 = tpu.memref_slice %arg6[%dma_wait3A_617, %dma_wait3A_618, %dma_wait3A_619, %dma_wait3A_620] : memref<2x16x50x32xf32, #tpu.memory_space<vmem>> -> memref<1x16x50x32xf32, #tpu.memory_space<vmem>>
    %dma_wait3A_622 = tpu.memref_squeeze %dma_wait3A_621 : memref<1x16x50x32xf32, #tpu.memory_space<vmem>> -> memref<16x50x32xf32, #tpu.memory_space<vmem>>
    %dma_wait3A_623 = arith.constant 0 : i32
    %dma_wait3A_624 = arith.constant 0 : i32
    %dma_wait3A_625 = tpu.memref_slice %arg4[%mul3A_2, %dma_wait3A_623, %dma_wait3A_624] : memref<16384x50x32xf32, #tpu.memory_space<hbm>> -> memref<16x50x32xf32, #tpu.memory_space<hbm>>
    %dma_wait3A_626 = arith.constant 0 : i32
    %dma_wait3A_627 = arith.constant 0 : i32
    %dma_wait3A_628 = arith.constant 0 : i32
    %dma_wait3A_629 = tpu.memref_slice %arg6[%dma_wait3A_617, %dma_wait3A_626, %dma_wait3A_627, %dma_wait3A_628] : memref<2x16x50x32xf32, #tpu.memory_space<vmem>> -> memref<1x16x50x32xf32, #tpu.memory_space<vmem>>
    %dma_wait3A_630 = tpu.memref_squeeze %dma_wait3A_629 : memref<1x16x50x32xf32, #tpu.memory_space<vmem>> -> memref<16x50x32xf32, #tpu.memory_space<vmem>>
    %dma_wait3A_631 = arith.constant 0 : i32
    %dma_wait3A_632 = arith.constant 0 : i32
    %dma_wait3A_633 = tpu.memref_slice %arg4[%mul3A_2, %dma_wait3A_631, %dma_wait3A_632] : memref<16384x50x32xf32, #tpu.memory_space<hbm>> -> memref<16x50x32xf32, #tpu.memory_space<hbm>>
    tpu.wait_dma2 semaphore(%arg8 : memref<!tpu.dma_semaphore, #tpu.memory_space<semaphore_mem>>) src(%dma_wait3A_633 : memref<16x50x32xf32, #tpu.memory_space<hbm>>) dst(%dma_wait3A_630 : memref<16x50x32xf32, #tpu.memory_space<vmem>>)
    %add3A_634 = arith.constant 496 : i32
    %add3A_635 = arith.addi %mul3A_2, %add3A_634 : i32
    %dma_start3A_636 = arith.constant 1 : i32
    %dma_start3A_637 = arith.constant 0 : i32
    %dma_start3A_638 = arith.constant 0 : i32
    %dma_start3A_639 = arith.constant 0 : i32
    %dma_start3A_640 = tpu.memref_slice %arg6[%dma_start3A_636, %dma_start3A_637, %dma_start3A_638, %dma_start3A_639] : memref<2x16x50x32xf32, #tpu.memory_space<vmem>> -> memref<1x16x50x32xf32, #tpu.memory_space<vmem>>
    %dma_start3A_641 = tpu.memref_squeeze %dma_start3A_640 : memref<1x16x50x32xf32, #tpu.memory_space<vmem>> -> memref<16x50x32xf32, #tpu.memory_space<vmem>>
    %dma_start3A_642 = arith.constant 0 : i32
    %dma_start3A_643 = arith.constant 0 : i32
    %dma_start3A_644 = tpu.memref_slice %arg4[%add3A_635, %dma_start3A_642, %dma_start3A_643] : memref<16384x50x32xf32, #tpu.memory_space<hbm>> -> memref<16x50x32xf32, #tpu.memory_space<hbm>>
    %dma_start3A_645 = arith.constant 0 : i32
    %dma_start3A_646 = arith.constant 0 : i32
    %dma_start3A_647 = tpu.memref_slice %arg4[%add3A_635, %dma_start3A_645, %dma_start3A_646] : memref<16384x50x32xf32, #tpu.memory_space<hbm>> -> memref<16x50x32xf32, #tpu.memory_space<hbm>>
    %dma_start3A_648 = arith.constant 0 : i32
    %dma_start3A_649 = arith.constant 0 : i32
    %dma_start3A_650 = arith.constant 0 : i32
    %dma_start3A_651 = tpu.memref_slice %arg6[%dma_start3A_636, %dma_start3A_648, %dma_start3A_649, %dma_start3A_650] : memref<2x16x50x32xf32, #tpu.memory_space<vmem>> -> memref<1x16x50x32xf32, #tpu.memory_space<vmem>>
    %dma_start3A_652 = tpu.memref_squeeze %dma_start3A_651 : memref<1x16x50x32xf32, #tpu.memory_space<vmem>> -> memref<16x50x32xf32, #tpu.memory_space<vmem>>
    tpu.enqueue_dma source(%dma_start3A_652 : memref<16x50x32xf32, #tpu.memory_space<vmem>>) target(%dma_start3A_647 : memref<16x50x32xf32, #tpu.memory_space<hbm>>) target_semaphore(%arg10 : memref<!tpu.dma_semaphore, #tpu.memory_space<semaphore_mem>>)
    %dma_wait3A_653 = arith.constant 0 : i32
    %dma_wait3A_654 = arith.constant 0 : i32
    %dma_wait3A_655 = arith.constant 0 : i32
    %dma_wait3A_656 = arith.constant 0 : i32
    %dma_wait3A_657 = tpu.memref_slice %arg6[%dma_wait3A_653, %dma_wait3A_654, %dma_wait3A_655, %dma_wait3A_656] : memref<2x16x50x32xf32, #tpu.memory_space<vmem>> -> memref<1x16x50x32xf32, #tpu.memory_space<vmem>>
    %dma_wait3A_658 = tpu.memref_squeeze %dma_wait3A_657 : memref<1x16x50x32xf32, #tpu.memory_space<vmem>> -> memref<16x50x32xf32, #tpu.memory_space<vmem>>
    %dma_wait3A_659 = arith.constant 0 : i32
    %dma_wait3A_660 = arith.constant 0 : i32
    %dma_wait3A_661 = tpu.memref_slice %arg4[%mul3A_2, %dma_wait3A_659, %dma_wait3A_660] : memref<16384x50x32xf32, #tpu.memory_space<hbm>> -> memref<16x50x32xf32, #tpu.memory_space<hbm>>
    %dma_wait3A_662 = arith.constant 0 : i32
    %dma_wait3A_663 = arith.constant 0 : i32
    %dma_wait3A_664 = tpu.memref_slice %arg4[%mul3A_2, %dma_wait3A_662, %dma_wait3A_663] : memref<16384x50x32xf32, #tpu.memory_space<hbm>> -> memref<16x50x32xf32, #tpu.memory_space<hbm>>
    %dma_wait3A_665 = arith.constant 0 : i32
    %dma_wait3A_666 = arith.constant 0 : i32
    %dma_wait3A_667 = arith.constant 0 : i32
    %dma_wait3A_668 = tpu.memref_slice %arg6[%dma_wait3A_653, %dma_wait3A_665, %dma_wait3A_666, %dma_wait3A_667] : memref<2x16x50x32xf32, #tpu.memory_space<vmem>> -> memref<1x16x50x32xf32, #tpu.memory_space<vmem>>
    %dma_wait3A_669 = tpu.memref_squeeze %dma_wait3A_668 : memref<1x16x50x32xf32, #tpu.memory_space<vmem>> -> memref<16x50x32xf32, #tpu.memory_space<vmem>>
    tpu.wait_dma2 semaphore(%arg9 : memref<!tpu.dma_semaphore, #tpu.memory_space<semaphore_mem>>) src(%dma_wait3A_669 : memref<16x50x32xf32, #tpu.memory_space<vmem>>) dst(%dma_wait3A_664 : memref<16x50x32xf32, #tpu.memory_space<hbm>>)
    %dma_wait3A_670 = arith.constant 1 : i32
    %dma_wait3A_671 = arith.constant 0 : i32
    %dma_wait3A_672 = arith.constant 0 : i32
    %dma_wait3A_673 = arith.constant 0 : i32
    %dma_wait3A_674 = tpu.memref_slice %arg6[%dma_wait3A_670, %dma_wait3A_671, %dma_wait3A_672, %dma_wait3A_673] : memref<2x16x50x32xf32, #tpu.memory_space<vmem>> -> memref<1x16x50x32xf32, #tpu.memory_space<vmem>>
    %dma_wait3A_675 = tpu.memref_squeeze %dma_wait3A_674 : memref<1x16x50x32xf32, #tpu.memory_space<vmem>> -> memref<16x50x32xf32, #tpu.memory_space<vmem>>
    %dma_wait3A_676 = arith.constant 0 : i32
    %dma_wait3A_677 = arith.constant 0 : i32
    %dma_wait3A_678 = tpu.memref_slice %arg4[%mul3A_2, %dma_wait3A_676, %dma_wait3A_677] : memref<16384x50x32xf32, #tpu.memory_space<hbm>> -> memref<16x50x32xf32, #tpu.memory_space<hbm>>
    %dma_wait3A_679 = arith.constant 0 : i32
    %dma_wait3A_680 = arith.constant 0 : i32
    %dma_wait3A_681 = tpu.memref_slice %arg4[%mul3A_2, %dma_wait3A_679, %dma_wait3A_680] : memref<16384x50x32xf32, #tpu.memory_space<hbm>> -> memref<16x50x32xf32, #tpu.memory_space<hbm>>
    %dma_wait3A_682 = arith.constant 0 : i32
    %dma_wait3A_683 = arith.constant 0 : i32
    %dma_wait3A_684 = arith.constant 0 : i32
    %dma_wait3A_685 = tpu.memref_slice %arg6[%dma_wait3A_670, %dma_wait3A_682, %dma_wait3A_683, %dma_wait3A_684] : memref<2x16x50x32xf32, #tpu.memory_space<vmem>> -> memref<1x16x50x32xf32, #tpu.memory_space<vmem>>
    %dma_wait3A_686 = tpu.memref_squeeze %dma_wait3A_685 : memref<1x16x50x32xf32, #tpu.memory_space<vmem>> -> memref<16x50x32xf32, #tpu.memory_space<vmem>>
    tpu.wait_dma2 semaphore(%arg10 : memref<!tpu.dma_semaphore, #tpu.memory_space<semaphore_mem>>) src(%dma_wait3A_686 : memref<16x50x32xf32, #tpu.memory_space<vmem>>) dst(%dma_wait3A_681 : memref<16x50x32xf32, #tpu.memory_space<hbm>>)
    return
  }
}

</mosaic_0001>

<sc_bundles>
// kernel: kernel.3.cloned.1.call-start
scs
__scs_entry_jumppad:
0x0: {  	(pc) =	sbr.rel $0x88, $3  }
0x1: {  	(tag) =	ssettag $0x0;
	lr =	simm.s32 $0x1  }
0x2: {  	[smem:$0x3F9F] =	sst lr;
	_ =	strace $0xD0000000  }
0x3: {  	_ = 	snop  }
0x4: {  	_ = 	snop  }
0x5: {  	_ = 	snop  }
0x6: {  	_ = 	snop  }
0x7: {  	_ = 	snop  }
__scs_overlays_trampoline_lowered:
0x8: {  	[smem:$0x3FAE] =	sst s0  }
0x9: {  	[smem:$0x3FAF] =	sst s1  }
0xa: {  	[smem:$0x3FB0] =	sst s2  }
0xb: {  	[smem:$0x3FB1] =	sst s3  }
0xc: {  	[smem:$0x3FB2] =	sst s4  }
0xd: {  	[smem:$0x3FB3] =	sst s5  }
0xe: {  	[smem:$0x3FB4] =	sst s6  }
0xf: {  	[smem:$0x3FB5] =	sst s7  }
0x10: {  	[smem:$0x3FB6] =	sst s8  }
0x11: {  	[smem:$0x3FB7] =	sst s9;
	s0 =	simm.s32 @!p0 $0x0  }
0x12: {  	s1 =	sld [smem:$0x3F9D];
	s0 =	simm.s32 @p0 $0x1  }
0x13: {  	[smem:$0x3FB8] =	sst s0;
	s0 =	simm.s32 @!p1 $0x0  }
0x14: {  	s2 =	sld [smem:$0x3F9C];
	s0 =	simm.s32 @p1 $0x1  }
0x15: {  	[smem:$0x3FB9] =	sst s0;
	s0 =	simm.s32 @!p2 $0x0  }
0x16: {  	s3 =	sld [smem:$0x3FDB];
	s0 =	simm.s32 @p2 $0x1  }
0x17: {  	s4 =	simm.s32 $0x1BF5;
	[smem:$0x3FBB] =	sst s0  }
0x18: {  	s0 =	sld [smem:$0x3F9E];
	_ =	swait.ge [sflag:s4], $0x0  }
0x19: {  	s7 =	sld [smem:$0x3F9F]  }
0x1a: {  	s8 =	sadd.s32 $0xFFFFE003, lr  }
0x1b: {  	s9 =	sadd.s32 $0xFFFFFEF7, lr;
	s5 =	simm.s32 $0xFFFFFFFF;
	p2 =	slt.u32 s8, $0xFFFFF086  }
0x1c: {  	p1 =	slt.u32 s9, $0xF7A;
	s5 =	simm.s32 @!p2 $0x0  }
0x1d: {  	s5 =	simm.s32 @p1 $0x1;
	p0 =	seq.s32 s7, s2  }
0x1e: {  	s7 =	smul.u32 @!p0 $0xF7A, s2;
	p2 =	seq.s32 @!p0 s5, $0x0  }
0x1f: {  	s9 =	smul.u32 $0xF7A, s1;
	s8 =	simm.s32 @!p0 $0x1BF5;
	p2 =	por !p2, p0  }
0x20: {  	[sflag:s8] =	ssyncset.s32 @!p0 $0xFFFFF086;
	s6 =	sadd.s32 @!p0 s3, s7;
	s7 =	simm.s32 @!p0 $0x108  }
0x21: {  	s3 =	sadd.s32 s3, s9;
	s6 =	sadd.s32 @!p0 $0x88, s6;
	s7 =	simm.s32 @p2 $0x1082  }
0x22: {  	[simem:s7], [sflag:s8] =	dma.local @!p0 [hbm:s6], $0xF7A  }
0x23: {  	s9 =	sor.u32 $0xD0000000, s2;
	s6 =	simm.s32 $0x108;
	_ =	swait.ge @!p0 [sflag:s8], $0x0  }
0x24: {  	s3 =	sadd.s32 $0x88, s3;
	s6 =	simm.s32 @!p1 $0x1082;
	[sflag:s4] =	ssyncset.s32 $0xFFFFF086  }
0x25: {  	[simem:s6], [sflag:s4] =	dma.local [hbm:s3], $0xF7A  }
0x26: {  	[smem:$0x3F9F] =	sst s1;
	(tag) =	ssettag s2;
	_ =	strace s9  }
0x27: {  	s1 =	sld [smem:$0x3FAF]  }
0x28: {  	s2 =	sld [smem:$0x3FB0]  }
0x29: {  	s4 =	sld [smem:$0x3FB2]  }
0x2a: {  	p0 =	seq.s32 s5, $0x0;
	s5 =	sld [smem:$0x3FB3]  }
0x2b: {  	s6 =	sld [smem:$0x3FB4]  }
0x2c: {  	s7 =	sld [smem:$0x3FB5]  }
0x2d: {  	s3 =	simm.s32 $0x108;
	s8 =	sld [smem:$0x3FB6]  }
0x2e: {  	s3 =	simm.s32 @!p0 $0x1082;
	s9 =	sld [smem:$0x3FB7]  }
0x2f: {  	lr =	sadd.s32 s0, s3;
	s0 =	sld [smem:$0x3FAE]  }
0x30: {  	s3 =	sld [smem:$0x3FB1]  }
0x31: {  	[smem:$0x3FBA] =	sst s10  }
0x32: {  	s10 =	sld [smem:$0x3FB8];
	_ =	sdelay $0x3  }
0x33: {  	p0 =	seq.s32 s10, $0x1;
	s10 =	sld [smem:$0x3FBA];
	_ =	sdelay $0x3  }
0x34: {  	[smem:$0x3FBA] =	sst s10  }
0x35: {  	s10 =	sld [smem:$0x3FB9];
	_ =	sdelay $0x3  }
0x36: {  	p1 =	seq.s32 s10, $0x1;
	s10 =	sld [smem:$0x3FBA];
	_ =	sdelay $0x3  }
0x37: {  	[smem:$0x3FBA] =	sst s10  }
0x38: {  	s10 =	sld [smem:$0x3FBB]  }
0x39: {  	_ = 	snop;
	(pc) =	sbr.ind lr, $3  }
0x3a: {  	_ = 	snop  }
0x3b: {  	_ = 	snop  }
0x3c: {  	p2 =	seq.s32 s10, $0x1;
	s10 =	sld [smem:$0x3FBA]  }
0x3d: {  	_ =	shalt  }
0x3e: {  	_ =	shalt  }
0x3f: {  	_ =	shalt  }
0x40: {  	_ =	shalt  }
0x41: {  	_ =	shalt  }
0x42: {  	_ =	shalt  }
0x43: {  	_ =	shalt  }
0x44: {  	_ =	shalt  }
0x45: {  	_ =	shalt  }
0x46: {  	_ =	shalt  }
0x47: {  	_ =	shalt  }
0x48: {  	_ =	shalt  }
0x49: {  	_ =	shalt  }
0x4a: {  	_ =	shalt  }
0x4b: {  	_ =	shalt  }
0x4c: {  	_ =	shalt  }
0x4d: {  	_ =	shalt  }
0x4e: {  	_ =	shalt  }
0x4f: {  	_ =	shalt  }
0x50: {  	_ =	shalt  }
0x51: {  	_ =	shalt  }
0x52: {  	_ =	shalt  }
0x53: {  	_ =	shalt  }
0x54: {  	_ =	shalt  }
0x55: {  	_ =	shalt  }
0x56: {  	_ =	shalt  }
0x57: {  	_ =	shalt  }
0x58: {  	_ =	shalt  }
0x59: {  	_ =	shalt  }
0x5a: {  	_ =	shalt  }
0x5b: {  	_ =	shalt  }
0x5c: {  	_ =	shalt  }
0x5d: {  	_ =	shalt  }
0x5e: {  	_ =	shalt  }
0x5f: {  	_ =	shalt  }
0x60: {  	_ =	shalt  }
0x61: {  	_ =	shalt  }
0x62: {  	_ =	shalt  }
0x63: {  	_ =	shalt  }
0x64: {  	_ =	shalt  }
0x65: {  	_ =	shalt  }
0x66: {  	_ =	shalt  }
0x67: {  	_ =	shalt  }
0x68: {  	_ =	shalt  }
0x69: {  	_ =	shalt  }
0x6a: {  	_ =	shalt  }
0x6b: {  	_ =	shalt  }
0x6c: {  	_ =	shalt  }
0x6d: {  	_ =	shalt  }
0x6e: {  	_ =	shalt  }
0x6f: {  	_ =	shalt  }
0x70: {  	_ =	shalt  }
0x71: {  	_ =	shalt  }
0x72: {  	_ =	shalt  }
0x73: {  	_ =	shalt  }
0x74: {  	_ =	shalt  }
0x75: {  	_ =	shalt  }
0x76: {  	_ =	shalt  }
0x77: {  	_ =	shalt  }
0x78: {  	_ =	shalt  }
0x79: {  	_ =	shalt  }
0x7a: {  	_ =	shalt  }
0x7b: {  	_ =	shalt  }
0x7c: {  	_ =	shalt  }
0x7d: {  	_ =	shalt  }
0x7e: {  	_ =	shalt  }
0x7f: {  	_ =	shalt  }
0x80: {  	_ =	shalt  }
0x81: {  	_ =	shalt  }
0x82: {  	_ =	shalt  }
0x83: {  	_ =	shalt  }
0x84: {  	_ =	shalt  }
0x85: {  	_ =	shalt  }
0x86: {  	_ =	shalt  }
0x87: {  	_ =	shalt  }
.Lfunc_end0:
.L_simem_size_0:
called_computation.1_lowered:
.L_overlay_start_0:
0x88: {  	s2 =	sld [smem:$0x3FD9]  }
0x89: {  	s3 =	sld [smem:$0x3FFE];
	_ =	sdelay $0x1  }
0x8a: {  	s1 =	srdreg.scid  }
0x8b: {  	s0 =	sand.u32 $0x1, s1  }
0x8c: {  	s17 =	sshll.u32 s0, $0xA;
	s2 =	sadd.s32 s3, s2  }
0x8d: {  	s2 =	sadd.s32 s2, s17  }
0x8e: {  	[smem:$0x3FC6] =	sst s2  }
0x8f: {  	_ = 	snop  }
0x90: {  	s2 =	sld [smem:$0x3FD0];
	(tm) =	ssettm $0x1  }
0x91: {  	s18 =	sld [smem:$0x3FFB];
	_ =	sdelay $0x3  }
0x92: {  	_ =	strace s18  }
0x93: {  	s3 =	sld [smem:$0x3FFC];
	_ =	sdelay $0x3  }
0x94: {  	_ =	strace s3  }
0x95: {  	s3 =	sld [smem:$0x3FFD];
	_ =	sdelay $0x3  }
0x96: {  	_ =	strace s3  }
0x97: {  	_ =	strace $0x8FFFFFFF  }
0x98: {  	s19 =	sld [smem:$0x3FDB];
	_ =	sdelay $0x1  }
0x99: {  	s4 =	simm.s32 $_scs_section_size  }
0x9a: {  	s5 =	simm.s32 $_size__tile_overlayer_lowered;
	s6 =	simm.s32 $_tile_overlayer_lowered  }
0x9b: {  	s22 =	simm.s32 $0x1BFF;
	s21 =	sshll.u32 s6, $0x1;
	s3 =	sadd.s32 s4, s19  }
0x9c: {  	s7 =	simm.s32 $0x0;
	s20 =	sshll.u32 s5, $0x1;
	s5 =	sadd.s32 s21, s3  }
0x9d: {  	[timem:s7], [sflag:s22] =	dma.local [hbm:s5], s20  }
0x9e: {  	_ =	swait.ge [sflag:s22], s20  }
0x9f: {  	s4 =	ssub.s32 $0x0, s20;
	[sflag:s22] =	ssyncset.done $0x0  }
0xa0: {  	[sflag:s22] =	ssyncadd.s32 s4;
	_ =	sdelay $0x1  }
0xa1: {  	s23 =	simm.s32 $0x1B8B  }
0xa2: {  	_ =	swait.ge [sflag:s23], $0x1  }
0xa3: {  	[sflag:s23] =	ssyncset.done $0x0  }
0xa4: {  	s25 =	simm.s32 $0x1B8E;
	s24 =	sld [smem:$0x3FFE];
	[sflag:s23] =	ssyncadd.s32 $0xFFFFFFFF  }
0xa5: {  	s26 =	simm.s32 $execute0_lowered;
	[smem:$0x3FD2] =	sst s25  }
0xa6: {  	s5 =	sshll.u32 s26, $0x1;
	_ =	strace $0x80000046;
	[dreg:$0x1] =	wrdreg $0xFFFFFFFF  }
0xa7: {  	s28 =	simm.s32 $_size_execute0_lowered;
	s3 =	sadd.s32 s3, s5;
	[dreg:$0x0] =	wrdreg $0x0  }
0xa8: {  	s5 =	sshll.u32 s28, $0x1;
	[dreg:$0x2] =	wrdreg s3  }
0xa9: {  	[dreg:$0x3] =	wrdreg s5  }
0xaa: {  	[dreg:$0x4] =	wrdreg $0xC0  }
0xab: {  	_ =	task [dreg:s7], $0x5FFFF  }
0xac: {  	[dreg:$0x1] =	wrdreg $0xFFFFFFFF  }
0xad: {  	[dreg:$0x0] =	wrdreg $0x60  }
0xae: {  	[dreg:$0x2] =	wrdreg s24  }
0xaf: {  	[dreg:$0x3] =	wrdreg s2  }
0xb0: {  	[dreg:$0x4] =	wrdreg $0x9  }
0xb1: {  	_ =	task.clear_ibuf [dreg:s7], $0x5FFFF;
	_ =	strace $0x90000046  }
0xb2: {  	s29 =	simm.s32 $0x9;
	_ =	strace $0x80000048  }
0xb3: {  	_ =	swait.ge [sflag:s29], $0x1  }
0xb4: {  	[sflag:s29] =	ssyncadd.s32 $0xFFFFFFFF  }
0xb5: {  	_ =	strace $0x90000048  }
0xb6: {  	_ =	sfence  }
0xb7: {  	s30 =	sld [smem:$0x0];
	_ =	sdelay $0x2  }
0xb8: {  	s31 =	sshll.u32 s1, $0xD;
	s1 =	sshrl.u32 s1, $0x2  }
0xb9: {  	s3 =	sand.u32 $0x4000, s31;
	s1 =	sadd.s32 s1, s30  }
0xba: {  	s0 =	sor.u32 s3, s0;
	s1 =	sshll.u32 s1, $0x11  }
0xbb: {  	s0 =	sor.u32 s1, s0  }
0xbc: {  	s0 =	sadd.s32 $0x8F2B, s0  }
0xbd: {  	[sflag:s0] =	ssyncadd.remote.s32 $0x1  }
0xbe: {  	_ =	sfence.sel $0xFFFF  }
0xbf: {  	[dreg:$0x0] =	wrdreg $0xFFFFFFFF;
	(pc) =	sbr.abs _section_cstart, $3  }
0xc0: {  	[dreg:$0x1] =	wrdreg $0xFFFFFFFF  }
0xc1: {  	_ =	task.clear_ibuf [dreg:s7], $0x2FFFF;
	_ =	strace $0x9FFFFFFF  }
0xc2: {  	(tm) =	ssettm $0x7FFFFFFF  }
0xc3: {  	_ =	shalt  }
tec
execute0_lowered:
.L_overlay_start_1:
0x0: {  	(tag) =	ssettag $0x1  }
0x1: {  	s0 =	srdreg.scid;
	s1 =	rddreg [dreg:$0x0]  }
0x2: {  	s9 =	stileid.u32;
	s4 =	rddreg [dreg:$0x1];
	s2 =	simm.s32 $0x0  }
0x3: {  	s10 =	simm.s32 $0x32;
	s11 =	simm.s32 $0x7000;
	s12 =	simm.s32 $0x7640  }
0x4: {  	s16 =	simm.s32 $0x7C80;
	s20 =	simm.s32 $0x82C0;
	s18 =	simm.s32 $0x8900  }
0x5: {  	s14 =	simm.s32 $0x9580;
	s13 =	simm.s32 $0xCDC0;
	s15 =	simm.s32 $0xDA40  }
0x6: {  	s17 =	simm.s32 $0xE080;
	s19 =	simm.s32 $0xE6C0;
	s29 =	simm.s32 $0xED00  }
0x7: {  	s30 =	simm.s32 $0xF340;
	s31 =	simm.s32 $0xF980;
	s21 =	simm.s32 $0x1  }
0x8: {  	s28 =	simm.s32 $0x4;
	s0 =	sand.u32 $0x1, s0;
	s3 =	sshll.u32 s9, $0xA  }
0x9: {  	[smem:$0x7FF] =	sst s2;
	s9 =	smul.u32 $0x32000, s9;
	s5 =	sshll.u32 s0, $0x9  }
0xa: {  	s7 =	ssub.s32 $0x2, s0;
	s0 =	smul.u32 $0x19000, s0;
	s3 =	sor.u32 s5, s3  }
0xb: {  	s2 =	simm.s32 $0x0;
	_ =	strace $0x80000047;
	s5 =	smul.u32 $0x7, s3  }
0xc: {  	[dreg:$0x8] =	wrdreg s2;
	s22 =	sshrl.u32 s7, $0x1;
	s6 =	smul.u32 $0xC8, s3  }
0xd: {  	s25 =	sadd.s32 s9, s4;
	s9 =	simm.s32 $0xC140;
	s8 =	smul.u32 $0x640, s3  }
0xe: {  	s3 =	sadd.s32 $0xF42E00, s1;
	s0 =	sadd.s32 s0, s25;
	s25 =	simm.s32 $0x2  }
0xf: {  	s0 =	sadd.s32 $0xC80, s0;
	s5 =	sadd.s32 s5, s1;
	s1 =	ssub.s32 s7, s22  }
0x10: {  	s23 =	sshrl.u32 s8, $0x3;
	[dreg:$0x7] =	wrdreg s0;
	s22 =	simm.s32 $0xA200  }
0x11: {  	s7 =	simm.s32 $0xBB00;
	s8 =	simm.s32 $0xC780;
	s0 =	simm.s32 $0xD400  }
0x12: {  	s5 =	sadd.s32 $0xA00, s5;
	s24 =	sadd.s32 s4, s23;
	s4 =	sadd.s32 s4, s6  }
0x13: {  	s1 =	smax.u32 s1, $0x1;
	s6 =	simm.s32 $0xB4C0;
	[dreg:$0x3] =	wrdreg s5  }
0x14: {  	s23 =	simm.s32 $0x3;
	[dreg:$0x4] =	wrdreg s4;
	s26 =	sadd.s32 $0x18380, s24  }
0x15: {  	[dreg:$0x6] =	wrdreg s1;
	s24 =	simm.s32 $0x8F40;
	s4 =	simm.s32 $0xA840  }
0x16: {  	s5 =	simm.s32 $0xAE80;
	[dreg:$0x5] =	wrdreg s26;
	s26 =	simm.s32 $0x9BC0  }
.LBB2_1:
0x17: {  	s1 =	rddreg [dreg:$0x3];
	s2 =	simm.s32 $0x0  }
0x18: {  	[tilespmem:s2], [sflag:$0x5] =	stream.linear.gather [hbm4b:s1+s2], $0x7000, $0x38;
	[tilespmem:$0x13800] =	vst v63  }
0x19: {  	s1 =	simm.s32 $0x5  }
0x1a: {  	_ =	swait.ge [sflag:s1], $0x7000  }
0x1b: {  	[sflag:s1] =	ssyncset.done $0x0  }
0x1c: {  	[sflag:s1] =	ssyncadd.s32 $0xFFFF9000  }
0x1d: {  	[tilespmem:s11], [sflag:$0x1] =	stream.indirect.gather [hbm4b:s3+s10], $0x20, s2, s10, $0xb8;
	[tilespmem:$0x13800] =	vst v63  }
0x1e: {  	s2 =	simm.s32 $0x38  }
0x1f: {  	[tilespmem:s12], [sflag:$0x1] =	stream.indirect.gather [hbm4b:s3+s10], $0x20, s2, s10, $0xb8;
	[tilespmem:$0x13800] =	vst v63  }
0x20: {  	s2 =	simm.s32 $0x70  }
0x21: {  	[tilespmem:s16], [sflag:$0x1] =	stream.indirect.gather [hbm4b:s3+s10], $0x20, s2, s10, $0xb8;
	[tilespmem:$0x13800] =	vst v63  }
0x22: {  	s2 =	simm.s32 $0xA8  }
0x23: {  	[tilespmem:s20], [sflag:$0x1] =	stream.indirect.gather [hbm4b:s3+s10], $0x20, s2, s10, $0xb8;
	[tilespmem:$0x13800] =	vst v63  }
0x24: {  	s2 =	simm.s32 $0xE0  }
0x25: {  	[tilespmem:s18], [sflag:$0x1] =	stream.indirect.gather [hbm4b:s3+s10], $0x20, s2, s10, $0xb8;
	[tilespmem:$0x13800] =	vst v63  }
0x26: {  	s2 =	simm.s32 $0x118  }
0x27: {  	[tilespmem:s24], [sflag:$0x1] =	stream.indirect.gather [hbm4b:s3+s10], $0x20, s2, s10, $0xb8;
	[tilespmem:$0x13800] =	vst v63  }
0x28: {  	s2 =	simm.s32 $0x150  }
0x29: {  	[tilespmem:s14], [sflag:$0x1] =	stream.indirect.gather [hbm4b:s3+s10], $0x20, s2, s10, $0xb8;
	[tilespmem:$0x13800] =	vst v63  }
0x2a: {  	s2 =	simm.s32 $0x188  }
0x2b: {  	[tilespmem:s26], [sflag:$0x1] =	stream.indirect.gather [hbm4b:s3+s10], $0x20, s2, s10, $0xb8;
	[tilespmem:$0x13800] =	vst v63  }
0x2c: {  	s2 =	simm.s32 $0x1C0  }
0x2d: {  	[tilespmem:s22], [sflag:$0x1] =	stream.indirect.gather [hbm4b:s3+s10], $0x20, s2, s10, $0xb8;
	[tilespmem:$0x13800] =	vst v63  }
0x2e: {  	s2 =	simm.s32 $0x1F8  }
0x2f: {  	[tilespmem:s4], [sflag:$0x1] =	stream.indirect.gather [hbm4b:s3+s10], $0x20, s2, s10, $0xb8;
	[tilespmem:$0x13800] =	vst v63  }
0x30: {  	s2 =	simm.s32 $0x230  }
0x31: {  	[tilespmem:s5], [sflag:$0x1] =	stream.indirect.gather [hbm4b:s3+s10], $0x20, s2, s10, $0xb8;
	[tilespmem:$0x13800] =	vst v63  }
0x32: {  	s2 =	simm.s32 $0x268  }
0x33: {  	[tilespmem:s6], [sflag:$0x1] =	stream.indirect.gather [hbm4b:s3+s10], $0x20, s2, s10, $0xb8;
	[tilespmem:$0x13800] =	vst v63  }
0x34: {  	s2 =	simm.s32 $0x2A0  }
0x35: {  	[tilespmem:s7], [sflag:$0x1] =	stream.indirect.gather [hbm4b:s3+s10], $0x20, s2, s10, $0xb8;
	[tilespmem:$0x13800] =	vst v63  }
0x36: {  	s2 =	simm.s32 $0x2D8  }
0x37: {  	[tilespmem:s9], [sflag:$0x1] =	stream.indirect.gather [hbm4b:s3+s10], $0x20, s2, s10, $0xb8;
	[tilespmem:$0x13800] =	vst v63  }
0x38: {  	s2 =	simm.s32 $0x310  }
0x39: {  	[tilespmem:s8], [sflag:$0x1] =	stream.indirect.gather [hbm4b:s3+s10], $0x20, s2, s10, $0xb8;
	[tilespmem:$0x13800] =	vst v63  }
0x3a: {  	s2 =	simm.s32 $0x348  }
0x3b: {  	[tilespmem:s13], [sflag:$0x1] =	stream.indirect.gather [hbm4b:s3+s10], $0x20, s2, s10, $0xb8;
	[tilespmem:$0x13800] =	vst v63  }
0x3c: {  	s2 =	simm.s32 $0x380  }
0x3d: {  	[tilespmem:s0], [sflag:$0x2] =	stream.indirect.gather [hbm4b:s3+s10], $0x20, s2, s10, $0xb8;
	[tilespmem:$0x13800] =	vst v63  }
0x3e: {  	s2 =	simm.s32 $0x3B8  }
0x3f: {  	[tilespmem:s15], [sflag:$0x2] =	stream.indirect.gather [hbm4b:s3+s10], $0x20, s2, s10, $0xb8;
	[tilespmem:$0x13800] =	vst v63  }
0x40: {  	s2 =	simm.s32 $0x3F0  }
0x41: {  	[tilespmem:s17], [sflag:$0x2] =	stream.indirect.gather [hbm4b:s3+s10], $0x20, s2, s10, $0xb8;
	[tilespmem:$0x13800] =	vst v63  }
0x42: {  	s2 =	simm.s32 $0x428  }
0x43: {  	[tilespmem:s19], [sflag:$0x2] =	stream.indirect.gather [hbm4b:s3+s10], $0x20, s2, s10, $0xb8;
	[tilespmem:$0x13800] =	vst v63  }
0x44: {  	s2 =	simm.s32 $0x460  }
0x45: {  	[tilespmem:s29], [sflag:$0x2] =	stream.indirect.gather [hbm4b:s3+s10], $0x20, s2, s10, $0xb8;
	[tilespmem:$0x13800] =	vst v63  }
0x46: {  	s2 =	simm.s32 $0x498  }
0x47: {  	[tilespmem:s30], [sflag:$0x2] =	stream.indirect.gather [hbm4b:s3+s10], $0x20, s2, s10, $0xb8;
	[tilespmem:$0x13800] =	vst v63  }
0x48: {  	s2 =	simm.s32 $0x4D0  }
0x49: {  	[tilespmem:s31], [sflag:$0x2] =	stream.indirect.gather [hbm4b:s3+s10], $0x20, s2, s10, $0xb8;
	[tilespmem:$0x13800] =	vst v63  }
0x4a: {  	s1 =	simm.s32 $0xFFC0;
	s31 =	simm.s32 $0x508  }
0x4b: {  	[tilespmem:s1], [sflag:$0x2] =	stream.indirect.gather [hbm4b:s3+s10], $0x20, s31, s10, $0xb8;
	[tilespmem:$0x13800] =	vst v63  }
0x4c: {  	s1 =	simm.s32 $0x10600;
	s31 =	simm.s32 $0x540  }
0x4d: {  	[tilespmem:s1], [sflag:$0x2] =	stream.indirect.gather [hbm4b:s3+s10], $0x20, s31, s10, $0xb8;
	[tilespmem:$0x13800] =	vst v63  }
0x4e: {  	s1 =	simm.s32 $0x10C40;
	s31 =	simm.s32 $0x578  }
0x4f: {  	[tilespmem:s1], [sflag:$0x2] =	stream.indirect.gather [hbm4b:s3+s10], $0x20, s31, s10, $0xb8;
	[tilespmem:$0x13800] =	vst v63  }
0x50: {  	s1 =	simm.s32 $0x11280;
	s31 =	simm.s32 $0x5B0  }
0x51: {  	[tilespmem:s1], [sflag:$0x2] =	stream.indirect.gather [hbm4b:s3+s10], $0x20, s31, s10, $0xb8;
	[tilespmem:$0x13800] =	vst v63  }
0x52: {  	s2 =	simm.s32 $0x5E8;
	s31 =	simm.s32 $0x118C0  }
0x53: {  	[tilespmem:s31], [sflag:$0x2] =	stream.indirect.gather [hbm4b:s3+s10], $0x20, s2, s10, $0xb8;
	[tilespmem:$0x13800] =	vst v63  }
0x54: {  	s1 =	simm.s32 $0x620;
	s2 =	simm.s32 $0x11F00  }
0x55: {  	[tilespmem:s2], [sflag:$0x2] =	stream.indirect.gather [hbm4b:s3+s10], $0x20, s1, s10, $0xb8;
	[tilespmem:$0x13800] =	vst v63  }
0x56: {  	s2 =	simm.s32 $0x12540;
	s1 =	simm.s32 $0x658  }
0x57: {  	[tilespmem:s2], [sflag:$0x2] =	stream.indirect.gather [hbm4b:s3+s10], $0x20, s1, s10, $0xb8;
	[tilespmem:$0x13800] =	vst v63  }
0x58: {  	s2 =	simm.s32 $0x12B80;
	s1 =	simm.s32 $0x690  }
0x59: {  	[tilespmem:s2], [sflag:$0x2] =	stream.indirect.gather [hbm4b:s3+s10], $0x20, s1, s10, $0xb8;
	[tilespmem:$0x13800] =	vst v63  }
0x5a: {  	s2 =	simm.s32 $0x131C0;
	s1 =	simm.s32 $0x6C8  }
0x5b: {  	[tilespmem:s2], [sflag:$0x2] =	stream.indirect.gather [hbm4b:s3+s10], $0x20, s1, s10, $0xb8;
	[tilespmem:$0x13800] =	vst v63  }
0x5c: {  	_ =	swait.ge [sflag:s21], $0x6400  }
0x5d: {  	[sflag:s21] =	ssyncset.done $0x0  }
0x5e: {  	s2 =	simm.s32 $0x0;
	s1 =	rddreg [dreg:$0x4];
	[sflag:s21] =	ssyncadd.s32 $0xFFFF9C00  }
0x5f: {  	[hbm4b:s1+s2] =	stream.linear.scatter [tilespmem:s11], [sflag:$0x3], $0x6400, $0x38;
	[tilespmem:$0x13800] =	vst v63  }
0x60: {  	_ =	swait.ge [sflag:s23], $0x6400  }
0x61: {  	[sflag:s23] =	ssyncset.done $0x0  }
0x62: {  	s1 =	simm.s32 $0x700;
	[sflag:s23] =	ssyncadd.s32 $0xFFFF9C00  }
0x63: {  	[tilespmem:s11], [sflag:$0x1] =	stream.indirect.gather [hbm4b:s3+s10], $0x20, s1, s10, $0xb8;
	[tilespmem:$0x13800] =	vst v63  }
0x64: {  	s1 =	simm.s32 $0x738  }
0x65: {  	[tilespmem:s12], [sflag:$0x1] =	stream.indirect.gather [hbm4b:s3+s10], $0x20, s1, s10, $0xb8;
	[tilespmem:$0x13800] =	vst v63  }
0x66: {  	s12 =	simm.s32 $0x770  }
0x67: {  	[tilespmem:s16], [sflag:$0x1] =	stream.indirect.gather [hbm4b:s3+s10], $0x20, s12, s10, $0xb8;
	[tilespmem:$0x13800] =	vst v63  }
0x68: {  	s16 =	simm.s32 $0x7A8  }
0x69: {  	[tilespmem:s20], [sflag:$0x1] =	stream.indirect.gather [hbm4b:s3+s10], $0x20, s16, s10, $0xb8;
	[tilespmem:$0x13800] =	vst v63  }
0x6a: {  	s12 =	simm.s32 $0x7E0  }
0x6b: {  	[tilespmem:s18], [sflag:$0x1] =	stream.indirect.gather [hbm4b:s3+s10], $0x20, s12, s10, $0xb8;
	[tilespmem:$0x13800] =	vst v63  }
0x6c: {  	s16 =	simm.s32 $0x818  }
0x6d: {  	[tilespmem:s24], [sflag:$0x1] =	stream.indirect.gather [hbm4b:s3+s10], $0x20, s16, s10, $0xb8;
	[tilespmem:$0x13800] =	vst v63  }
0x6e: {  	s18 =	simm.s32 $0x850  }
0x6f: {  	[tilespmem:s14], [sflag:$0x1] =	stream.indirect.gather [hbm4b:s3+s10], $0x20, s18, s10, $0xb8;
	[tilespmem:$0x13800] =	vst v63  }
0x70: {  	s20 =	simm.s32 $0x888  }
0x71: {  	[tilespmem:s26], [sflag:$0x1] =	stream.indirect.gather [hbm4b:s3+s10], $0x20, s20, s10, $0xb8;
	[tilespmem:$0x13800] =	vst v63  }
0x72: {  	s24 =	simm.s32 $0x8C0  }
0x73: {  	[tilespmem:s22], [sflag:$0x1] =	stream.indirect.gather [hbm4b:s3+s10], $0x20, s24, s10, $0xb8;
	[tilespmem:$0x13800] =	vst v63  }
0x74: {  	s26 =	simm.s32 $0x8F8  }
0x75: {  	[tilespmem:s4], [sflag:$0x1] =	stream.indirect.gather [hbm4b:s3+s10], $0x20, s26, s10, $0xb8;
	[tilespmem:$0x13800] =	vst v63  }
0x76: {  	s4 =	simm.s32 $0x930  }
0x77: {  	[tilespmem:s5], [sflag:$0x1] =	stream.indirect.gather [hbm4b:s3+s10], $0x20, s4, s10, $0xb8;
	[tilespmem:$0x13800] =	vst v63  }
0x78: {  	s5 =	simm.s32 $0x968  }
0x79: {  	[tilespmem:s6], [sflag:$0x1] =	stream.indirect.gather [hbm4b:s3+s10], $0x20, s5, s10, $0xb8;
	[tilespmem:$0x13800] =	vst v63  }
0x7a: {  	s6 =	simm.s32 $0x9A0  }
0x7b: {  	[tilespmem:s7], [sflag:$0x1] =	stream.indirect.gather [hbm4b:s3+s10], $0x20, s6, s10, $0xb8;
	[tilespmem:$0x13800] =	vst v63  }
0x7c: {  	s7 =	simm.s32 $0x9D8  }
0x7d: {  	[tilespmem:s9], [sflag:$0x1] =	stream.indirect.gather [hbm4b:s3+s10], $0x20, s7, s10, $0xb8;
	[tilespmem:$0x13800] =	vst v63  }
0x7e: {  	s9 =	simm.s32 $0xA10  }
0x7f: {  	[tilespmem:s8], [sflag:$0x1] =	stream.indirect.gather [hbm4b:s3+s10], $0x20, s9, s10, $0xb8;
	[tilespmem:$0x13800] =	vst v63  }
0x80: {  	s12 =	simm.s32 $0xA48  }
0x81: {  	[tilespmem:s13], [sflag:$0x1] =	stream.indirect.gather [hbm4b:s3+s10], $0x20, s12, s10, $0xb8;
	[tilespmem:$0x13800] =	vst v63  }
0x82: {  	_ =	swait.ge [sflag:s25], $0x6400  }
0x83: {  	[sflag:s25] =	ssyncset.done $0x0  }
0x84: {  	s16 =	rddreg [dreg:$0x7];
	[sflag:s25] =	ssyncadd.s32 $0xFFFF9C00  }
0x85: {  	[hbm4b:s16+s2] =	stream.linear.scatter [tilespmem:s0], [sflag:$0x4], $0x6400, $0x38;
	[tilespmem:$0x13800] =	vst v63  }
0x86: {  	_ =	swait.ge [sflag:s28], $0x6400  }
0x87: {  	[sflag:s28] =	ssyncset.done $0x0  }
0x88: {  	s14 =	simm.s32 $0xA80;
	[sflag:s28] =	ssyncadd.s32 $0xFFFF9C00  }
0x89: {  	[tilespmem:s0], [sflag:$0x2] =	stream.indirect.gather [hbm4b:s3+s10], $0x20, s14, s10, $0xb8;
	[tilespmem:$0x13800] =	vst v63  }
0x8a: {  	s18 =	simm.s32 $0xAB8  }
0x8b: {  	[tilespmem:s15], [sflag:$0x2] =	stream.indirect.gather [hbm4b:s3+s10], $0x20, s18, s10, $0xb8;
	[tilespmem:$0x13800] =	vst v63  }
0x8c: {  	s20 =	simm.s32 $0xAF0  }
0x8d: {  	[tilespmem:s17], [sflag:$0x2] =	stream.indirect.gather [hbm4b:s3+s10], $0x20, s20, s10, $0xb8;
	[tilespmem:$0x13800] =	vst v63  }
0x8e: {  	s22 =	simm.s32 $0xB28  }
0x8f: {  	[tilespmem:s19], [sflag:$0x2] =	stream.indirect.gather [hbm4b:s3+s10], $0x20, s22, s10, $0xb8;
	[tilespmem:$0x13800] =	vst v63  }
0x90: {  	s24 =	simm.s32 $0xB60;
	s26 =	simm.s32 $0xB98  }
0x91: {  	[tilespmem:s29], [sflag:$0x2] =	stream.indirect.gather [hbm4b:s3+s10], $0x20, s24, s10, $0xb8;
	[tilespmem:$0x13800] =	vst v63  }
0x92: {  	s4 =	simm.s32 $0xC08;
	s5 =	simm.s32 $0xFFC0;
	s6 =	simm.s32 $0xC40  }
0x93: {  	[tilespmem:s30], [sflag:$0x2] =	stream.indirect.gather [hbm4b:s3+s10], $0x20, s26, s10, $0xb8;
	[tilespmem:$0x13800] =	vst v63  }
0x94: {  	s7 =	simm.s32 $0x10600;
	s13 =	simm.s32 $0xF980;
	s2 =	simm.s32 $0xBD0  }
0x95: {  	[tilespmem:s13], [sflag:$0x2] =	stream.indirect.gather [hbm4b:s3+s10], $0x20, s2, s10, $0xb8;
	[tilespmem:$0x13800] =	vst v63  }
0x96: {  	s8 =	simm.s32 $0xC78;
	s9 =	simm.s32 $0x10C40;
	s12 =	simm.s32 $0xCB0  }
0x97: {  	[tilespmem:s5], [sflag:$0x2] =	stream.indirect.gather [hbm4b:s3+s10], $0x20, s4, s10, $0xb8;
	[tilespmem:$0x13800] =	vst v63  }
0x98: {  	s1 =	sadd.s32 $0x1900, s16;
	s14 =	simm.s32 $0xCE8;
	s15 =	simm.s32 $0xD20  }
0x99: {  	[tilespmem:s7], [sflag:$0x2] =	stream.indirect.gather [hbm4b:s3+s10], $0x20, s6, s10, $0xb8;
	[tilespmem:$0x13800] =	vst v63  }
0x9a: {  	s18 =	simm.s32 $0xD58;
	s17 =	simm.s32 $0x11F00;
	s20 =	simm.s32 $0xD90  }
0x9b: {  	[tilespmem:s9], [sflag:$0x2] =	stream.indirect.gather [hbm4b:s3+s10], $0x20, s8, s10, $0xb8;
	[tilespmem:$0x13800] =	vst v63  }
0x9c: {  	s19 =	simm.s32 $0x12540;
	s22 =	simm.s32 $0x12B80;
	s13 =	simm.s32 $0x11280  }
0x9d: {  	[tilespmem:s13], [sflag:$0x2] =	stream.indirect.gather [hbm4b:s3+s10], $0x20, s12, s10, $0xb8;
	[tilespmem:$0x13800] =	vst v63  }
0x9e: {  	s24 =	simm.s32 $0xDC8;
	s29 =	simm.s32 $0x82C0;
	s26 =	simm.s32 $0x131C0  }
0x9f: {  	[tilespmem:s31], [sflag:$0x2] =	stream.indirect.gather [hbm4b:s3+s10], $0x20, s14, s10, $0xb8;
	[tilespmem:$0x13800] =	vst v63  }
0xa0: {  	s30 =	simm.s32 $0x1C00;
	s2 =	simm.s32 $0x12B80;
	s4 =	simm.s32 $0xA840  }
0xa1: {  	[tilespmem:s17], [sflag:$0x2] =	stream.indirect.gather [hbm4b:s3+s10], $0x20, s15, s10, $0xb8;
	[tilespmem:$0x13800] =	vst v63  }
0xa2: {  	s5 =	simm.s32 $0xAE80;
	s6 =	simm.s32 $0xB4C0;
	s7 =	simm.s32 $0xBB00  }
0xa3: {  	[tilespmem:s19], [sflag:$0x2] =	stream.indirect.gather [hbm4b:s3+s10], $0x20, s18, s10, $0xb8;
	[tilespmem:$0x13800] =	vst v63  }
0xa4: {  	s9 =	simm.s32 $0xC140;
	s8 =	simm.s32 $0xC780;
	s13 =	simm.s32 $0xCDC0  }
0xa5: {  	[tilespmem:s22], [sflag:$0x2] =	stream.indirect.gather [hbm4b:s3+s10], $0x20, s20, s10, $0xb8;
	[tilespmem:$0x13800] =	vst v63  }
0xa6: {  	s12 =	sadd.s32 $0xC80, s16;
	s31 =	simm.s32 $0x131C0;
	s15 =	simm.s32 $0xDA40  }
0xa7: {  	[tilespmem:s31], [sflag:$0x2] =	stream.indirect.gather [hbm4b:s3+s10], $0x20, s24, s10, $0xb8;
	[tilespmem:$0x13800] =	vst v63  }
0xa8: {  	s17 =	simm.s32 $0xE080;
	s18 =	simm.s32 $0xF340;
	_ =	swait.ge [sflag:s21], $0x6400  }
0xa9: {  	s19 =	simm.s32 $0xE6C0;
	s22 =	simm.s32 $0xA200;
	[sflag:s21] =	ssyncset.done $0x0  }
0xaa: {  	s20 =	simm.s32 $0x7640;
	s24 =	simm.s32 $0xED00;
	[sflag:s21] =	ssyncadd.s32 $0xFFFF9C00  }
.LBB2_2:
0xab: {  	s31 =	simm.s32 $0x0  }
0xac: {  	[hbm4b:s12+s31] =	stream.linear.scatter [tilespmem:s11], [sflag:$0x3], $0x6400, $0x38;
	[tilespmem:$0x13800] =	vst v63  }
0xad: {  	s12 =	smov.u32 s30  }
0xae: {  	p0 =	sne.s32 s30, $0x18800;
	s30 =	sadd.s32 $0x1C00, s30;
	_ =	swait.ge [sflag:s23], $0x6400  }
0xaf: {  	s12 =	sshra.s32 s12, $0x2;
	[sflag:s23] =	ssyncset.done $0x0  }
0xb0: {  	s16 =	sadd.s32 $0x700, s12;
	[sflag:s23] =	ssyncadd.s32 $0xFFFF9C00  }
0xb1: {  	[tilespmem:s11], [sflag:$0x1] =	stream.indirect.gather [hbm4b:s3+s10], $0x20, s16, s10, $0xb8;
	[tilespmem:$0x13800] =	vst v63  }
0xb2: {  	s16 =	sadd.s32 $0x738, s12  }
0xb3: {  	[tilespmem:s20], [sflag:$0x1] =	stream.indirect.gather [hbm4b:s3+s10], $0x20, s16, s10, $0xb8;
	[tilespmem:$0x13800] =	vst v63  }
0xb4: {  	s14 =	simm.s32 $0x7C80;
	s16 =	sadd.s32 $0x770, s12  }
0xb5: {  	[tilespmem:s14], [sflag:$0x1] =	stream.indirect.gather [hbm4b:s3+s10], $0x20, s16, s10, $0xb8;
	[tilespmem:$0x13800] =	vst v63  }
0xb6: {  	s16 =	sadd.s32 $0x7A8, s12  }
0xb7: {  	[tilespmem:s29], [sflag:$0x1] =	stream.indirect.gather [hbm4b:s3+s10], $0x20, s16, s10, $0xb8;
	[tilespmem:$0x13800] =	vst v63  }
0xb8: {  	s14 =	simm.s32 $0x8900;
	s16 =	sadd.s32 $0x7E0, s12  }
0xb9: {  	[tilespmem:s14], [sflag:$0x1] =	stream.indirect.gather [hbm4b:s3+s10], $0x20, s16, s10, $0xb8;
	[tilespmem:$0x13800] =	vst v63  }
0xba: {  	s16 =	sadd.s32 $0x818, s12;
	s14 =	simm.s32 $0x8F40  }
0xbb: {  	[tilespmem:s14], [sflag:$0x1] =	stream.indirect.gather [hbm4b:s3+s10], $0x20, s16, s10, $0xb8;
	[tilespmem:$0x13800] =	vst v63  }
0xbc: {  	s16 =	sadd.s32 $0x850, s12;
	s14 =	simm.s32 $0x9580  }
0xbd: {  	[tilespmem:s14], [sflag:$0x1] =	stream.indirect.gather [hbm4b:s3+s10], $0x20, s16, s10, $0xb8;
	[tilespmem:$0x13800] =	vst v63  }
0xbe: {  	s16 =	sadd.s32 $0x888, s12;
	s14 =	simm.s32 $0x9BC0  }
0xbf: {  	[tilespmem:s14], [sflag:$0x1] =	stream.indirect.gather [hbm4b:s3+s10], $0x20, s16, s10, $0xb8;
	[tilespmem:$0x13800] =	vst v63  }
0xc0: {  	s16 =	sadd.s32 $0x8C0, s12  }
0xc1: {  	[tilespmem:s22], [sflag:$0x1] =	stream.indirect.gather [hbm4b:s3+s10], $0x20, s16, s10, $0xb8;
	[tilespmem:$0x13800] =	vst v63  }
0xc2: {  	s16 =	sadd.s32 $0x8F8, s12  }
0xc3: {  	[tilespmem:s4], [sflag:$0x1] =	stream.indirect.gather [hbm4b:s3+s10], $0x20, s16, s10, $0xb8;
	[tilespmem:$0x13800] =	vst v63  }
0xc4: {  	s16 =	sadd.s32 $0x930, s12  }
0xc5: {  	[tilespmem:s5], [sflag:$0x1] =	stream.indirect.gather [hbm4b:s3+s10], $0x20, s16, s10, $0xb8;
	[tilespmem:$0x13800] =	vst v63  }
0xc6: {  	s16 =	sadd.s32 $0x968, s12  }
0xc7: {  	[tilespmem:s6], [sflag:$0x1] =	stream.indirect.gather [hbm4b:s3+s10], $0x20, s16, s10, $0xb8;
	[tilespmem:$0x13800] =	vst v63  }
0xc8: {  	s16 =	sadd.s32 $0x9A0, s12  }
0xc9: {  	[tilespmem:s7], [sflag:$0x1] =	stream.indirect.gather [hbm4b:s3+s10], $0x20, s16, s10, $0xb8;
	[tilespmem:$0x13800] =	vst v63  }
0xca: {  	s16 =	sadd.s32 $0x9D8, s12  }
0xcb: {  	[tilespmem:s9], [sflag:$0x1] =	stream.indirect.gather [hbm4b:s3+s10], $0x20, s16, s10, $0xb8;
	[tilespmem:$0x13800] =	vst v63  }
0xcc: {  	s16 =	sadd.s32 $0xA10, s12  }
0xcd: {  	[tilespmem:s8], [sflag:$0x1] =	stream.indirect.gather [hbm4b:s3+s10], $0x20, s16, s10, $0xb8;
	[tilespmem:$0x13800] =	vst v63  }
0xce: {  	s16 =	sadd.s32 $0xA48, s12  }
0xcf: {  	[tilespmem:s13], [sflag:$0x1] =	stream.indirect.gather [hbm4b:s3+s10], $0x20, s16, s10, $0xb8;
	[tilespmem:$0x13800] =	vst v63  }
0xd0: {  	_ =	swait.ge [sflag:s25], $0x6400  }
0xd1: {  	[sflag:s25] =	ssyncset.done $0x0  }
0xd2: {  	[sflag:s25] =	ssyncadd.s32 $0xFFFF9C00  }
0xd3: {  	[hbm4b:s1+s31] =	stream.linear.scatter [tilespmem:s0], [sflag:$0x4], $0x6400, $0x38;
	[tilespmem:$0x13800] =	vst v63  }
0xd4: {  	_ =	swait.ge [sflag:s28], $0x6400  }
0xd5: {  	[sflag:s28] =	ssyncset.done $0x0  }
0xd6: {  	s16 =	sadd.s32 $0xA80, s12;
	[sflag:s28] =	ssyncadd.s32 $0xFFFF9C00  }
0xd7: {  	[tilespmem:s0], [sflag:$0x2] =	stream.indirect.gather [hbm4b:s3+s10], $0x20, s16, s10, $0xb8;
	[tilespmem:$0x13800] =	vst v63  }
0xd8: {  	s16 =	sadd.s32 $0xAB8, s12  }
0xd9: {  	[tilespmem:s15], [sflag:$0x2] =	stream.indirect.gather [hbm4b:s3+s10], $0x20, s16, s10, $0xb8;
	[tilespmem:$0x13800] =	vst v63  }
0xda: {  	s16 =	sadd.s32 $0xAF0, s12  }
0xdb: {  	[tilespmem:s17], [sflag:$0x2] =	stream.indirect.gather [hbm4b:s3+s10], $0x20, s16, s10, $0xb8;
	[tilespmem:$0x13800] =	vst v63  }
0xdc: {  	s16 =	sadd.s32 $0xB28, s12  }
0xdd: {  	[tilespmem:s19], [sflag:$0x2] =	stream.indirect.gather [hbm4b:s3+s10], $0x20, s16, s10, $0xb8;
	[tilespmem:$0x13800] =	vst v63  }
0xde: {  	s16 =	sadd.s32 $0xB60, s12  }
0xdf: {  	[tilespmem:s24], [sflag:$0x2] =	stream.indirect.gather [hbm4b:s3+s10], $0x20, s16, s10, $0xb8;
	[tilespmem:$0x13800] =	vst v63  }
0xe0: {  	s16 =	sadd.s32 $0xB98, s12  }
0xe1: {  	[tilespmem:s18], [sflag:$0x2] =	stream.indirect.gather [hbm4b:s3+s10], $0x20, s16, s10, $0xb8;
	[tilespmem:$0x13800] =	vst v63  }
0xe2: {  	s14 =	simm.s32 $0xF980;
	s16 =	sadd.s32 $0xBD0, s12  }
0xe3: {  	[tilespmem:s14], [sflag:$0x2] =	stream.indirect.gather [hbm4b:s3+s10], $0x20, s16, s10, $0xb8;
	[tilespmem:$0x13800] =	vst v63  }
0xe4: {  	s31 =	simm.s32 $0xFFC0;
	s16 =	sadd.s32 $0xC08, s12  }
0xe5: {  	[tilespmem:s31], [sflag:$0x2] =	stream.indirect.gather [hbm4b:s3+s10], $0x20, s16, s10, $0xb8;
	[tilespmem:$0x13800] =	vst v63  }
0xe6: {  	s16 =	sadd.s32 $0xC40, s12;
	s31 =	simm.s32 $0x10600  }
0xe7: {  	[tilespmem:s31], [sflag:$0x2] =	stream.indirect.gather [hbm4b:s3+s10], $0x20, s16, s10, $0xb8;
	[tilespmem:$0x13800] =	vst v63  }
0xe8: {  	s16 =	sadd.s32 $0xC78, s12;
	s31 =	simm.s32 $0x10C40  }
0xe9: {  	[tilespmem:s31], [sflag:$0x2] =	stream.indirect.gather [hbm4b:s3+s10], $0x20, s16, s10, $0xb8;
	[tilespmem:$0x13800] =	vst v63  }
0xea: {  	s16 =	sadd.s32 $0xCB0, s12;
	s31 =	simm.s32 $0x11280  }
0xeb: {  	[tilespmem:s31], [sflag:$0x2] =	stream.indirect.gather [hbm4b:s3+s10], $0x20, s16, s10, $0xb8;
	[tilespmem:$0x13800] =	vst v63  }
0xec: {  	s16 =	sadd.s32 $0xCE8, s12;
	s31 =	simm.s32 $0x118C0  }
0xed: {  	[tilespmem:s31], [sflag:$0x2] =	stream.indirect.gather [hbm4b:s3+s10], $0x20, s16, s10, $0xb8;
	[tilespmem:$0x13800] =	vst v63  }
0xee: {  	s16 =	sadd.s32 $0xD20, s12;
	s31 =	simm.s32 $0x11F00  }
0xef: {  	[tilespmem:s31], [sflag:$0x2] =	stream.indirect.gather [hbm4b:s3+s10], $0x20, s16, s10, $0xb8;
	[tilespmem:$0x13800] =	vst v63  }
0xf0: {  	s14 =	simm.s32 $0x12540;
	s16 =	sadd.s32 $0xD58, s12  }
0xf1: {  	[tilespmem:s14], [sflag:$0x2] =	stream.indirect.gather [hbm4b:s3+s10], $0x20, s16, s10, $0xb8;
	[tilespmem:$0x13800] =	vst v63  }
0xf2: {  	s16 =	sadd.s32 $0xD90, s12  }
0xf3: {  	[tilespmem:s2], [sflag:$0x2] =	stream.indirect.gather [hbm4b:s3+s10], $0x20, s16, s10, $0xb8;
	[tilespmem:$0x13800] =	vst v63  }
.Ltmp0:
0xf4: {  	s12 =	sadd.s32 $0xDC8, s12;
	(pc) =	sbr.rel @p0 .LBB2_2-.Ltmp0, $4  }
0xf5: {  	[tilespmem:s26], [sflag:$0x2] =	stream.indirect.gather [hbm4b:s3+s10], $0x20, s12, s10, $0xb8;
	[tilespmem:$0x13800] =	vst v63  }
0xf6: {  	_ =	swait.ge [sflag:s21], $0x6400  }
0xf7: {  	[sflag:s21] =	ssyncset.done $0x0  }
0xf8: {  	s12 =	sadd.s32 $0xC80, s1;
	s1 =	sadd.s32 $0x1900, s1;
	[sflag:s21] =	ssyncadd.s32 $0xFFFF9C00  }
0xf9: {  	s2 =	simm.s32 $0x0  }
0xfa: {  	[hbm4b:s12+s2] =	stream.linear.scatter [tilespmem:s11], [sflag:$0x3], $0x6400, $0x38;
	[tilespmem:$0x13800] =	vst v63  }
0xfb: {  	_ =	swait.ge [sflag:s25], $0x6400  }
0xfc: {  	[sflag:s25] =	ssyncset.done $0x0  }
0xfd: {  	s1 =	rddreg [dreg:$0x5];
	[sflag:s25] =	ssyncadd.s32 $0xFFFF9C00  }
0xfe: {  	[hbm4b:s1+s2] =	stream.linear.scatter [tilespmem:s0], [sflag:$0x4], $0x6400, $0x38;
	[tilespmem:$0x13800] =	vst v63  }
0xff: {  	_ =	swait.ge [sflag:s23], $0x6400  }
0x100: {  	s16 =	simm.s32 $0x7C80;
	[sflag:s23] =	ssyncset.done $0x0  }
0x101: {  	s20 =	simm.s32 $0x82C0;
	s18 =	simm.s32 $0x8900;
	[sflag:s23] =	ssyncadd.s32 $0xFFFF9C00  }
0x102: {  	s24 =	simm.s32 $0x8F40;
	s14 =	simm.s32 $0x9580;
	_ =	swait.ge [sflag:s28], $0x6400  }
0x103: {  	s22 =	simm.s32 $0xA200;
	s5 =	simm.s32 $0xAE80;
	s4 =	rddreg [dreg:$0x8]  }
0x104: {  	s6 =	simm.s32 $0xB4C0;
	s26 =	rddreg [dreg:$0x6];
	s4 =	sadd.s32 $0x1, s4  }
0x105: {  	s7 =	simm.s32 $0xBB00;
	s9 =	simm.s32 $0xC140;
	p0 =	sne.s32 s4, s26  }
.Ltmp1:
0x106: {  	s8 =	simm.s32 $0xC780;
	s13 =	simm.s32 $0xCDC0;
	(pc) =	sbr.rel @p0 .LBB2_1-.Ltmp1, $4  }
0x107: {  	s15 =	simm.s32 $0xDA40;
	s17 =	simm.s32 $0xE080;
	s19 =	simm.s32 $0xE6C0  }
0x108: {  	s29 =	simm.s32 $0xED00;
	s30 =	simm.s32 $0xF340;
	[sflag:s28] =	ssyncset.done $0x0  }
0x109: {  	s31 =	simm.s32 $0xF980;
	s12 =	simm.s32 $0x7640;
	[sflag:s28] =	ssyncadd.s32 $0xFFFF9C00  }
0x10a: {  	[dreg:$0x8] =	wrdreg s4;
	s26 =	simm.s32 $0x9BC0;
	s4 =	simm.s32 $0xA840  }
0x10b: {  	_ =	sfence.sel $0x180000  }
0x10c: {  	[bflag:$0x0] =	sbarrier.arrive $0xFFFF  }
0x10d: {  	_ =	strace $0x90000047  }
0x10e: {  	s0 =	stileid.u32;
	[bflag:$0x2] =	sbarrier.arrive $0xFFFF  }
0x10f: {  	p0 =	sne.s32 s0, $0x0;
	s0 =	rddreg [dreg:$0x2]  }
0x110: {  	s0 =	sadd.s32 @!p0 $0x100000, s0  }
0x111: {  	[sflag:s0] =	ssyncadd.tile.s32 @!p0 $0x1;
	_ =	shalt  }
.Lfunc_end2:
_tile_overlayer_lowered:
.L_overlay_start_2:
0x112: {  	(tag) =	ssettag $0x2  }
0x113: {  	s0 =	rddreg [dreg:$0x0];
	s2 =	stileid.u32  }
0x114: {  	s1 =	rddreg [dreg:$0x1];
	p0 =	sne.s32 s2, $0x0  }
0x115: {  	s3 =	rddreg [dreg:$0x2];
	[bflag:$0x3] =	sbarrier.arrive $0xFFFF;
	s2 =	simm.s32 @!p0 $0x1C05  }
0x116: {  	[timem:s3], [sflag:s2] =	dma.local @!p0 [hbm:s0], s1  }
0x117: {  	s0 =	simm.s32 @!p0 $0x5  }
0x118: {  	_ =	swait.ge @!p0 [sflag:s0], s1  }
0x119: {  	s1 =	ssub.s32 @!p0 $0x0, s1;
	[sflag:s0] =	ssyncset.done @!p0 $0x0  }
0x11a: {  	[sflag:s0] =	ssyncadd.s32 @!p0 s1  }
0x11b: {  	[bflag:$0x3] =	sbarrier.arrive $0xFFFF  }
0x11c: {  	_ =	shalt  }

// kernel: sparse-core-data-format-call.cloned.1.call-start
scs
called_computation_lowered:
.L_overlay_start_0:
0x0: {  	s2 =	sld [smem:$0x3FD9]  }
0x1: {  	s3 =	sld [smem:$0x3FFE];
	_ =	sdelay $0x1  }
0x2: {  	s1 =	srdreg.scid  }
0x3: {  	s0 =	sand.u32 $0x1, s1  }
0x4: {  	s18 =	sshll.u32 s0, $0xA;
	s2 =	sadd.s32 s3, s2  }
0x5: {  	s2 =	sadd.s32 s2, s18  }
0x6: {  	[smem:$0x3FC6] =	sst s2  }
0x7: {  	_ = 	snop  }
0x8: {  	s2 =	sld [smem:$0x3FD0];
	(tm) =	ssettm $0x1  }
0x9: {  	s19 =	sld [smem:$0x3FFB];
	_ =	sdelay $0x3  }
0xa: {  	_ =	strace s19  }
0xb: {  	s3 =	sld [smem:$0x3FFC];
	_ =	sdelay $0x3  }
0xc: {  	_ =	strace s3  }
0xd: {  	s3 =	sld [smem:$0x3FFD];
	_ =	sdelay $0x3  }
0xe: {  	_ =	strace s3  }
0xf: {  	_ =	strace $0x8FFFFFFF  }
0x10: {  	s20 =	sld [smem:$0x3FDB];
	_ =	sdelay $0x1  }
0x11: {  	s4 =	simm.s32 $_scs_section_size  }
0x12: {  	s5 =	simm.s32 $_size__tile_overlayer_lowered;
	s6 =	simm.s32 $_tile_overlayer_lowered  }
0x13: {  	s23 =	simm.s32 $0x1BFF;
	s22 =	sshll.u32 s6, $0x1;
	s3 =	sadd.s32 s4, s20  }
0x14: {  	s7 =	simm.s32 $0x0;
	s21 =	sshll.u32 s5, $0x1;
	s5 =	sadd.s32 s22, s3  }
0x15: {  	[timem:s7], [sflag:s23] =	dma.local [hbm:s5], s21  }
0x16: {  	_ =	swait.ge [sflag:s23], s21  }
0x17: {  	s4 =	ssub.s32 $0x0, s21;
	[sflag:s23] =	ssyncset.done $0x0  }
0x18: {  	[sflag:s23] =	ssyncadd.s32 s4;
	_ =	sdelay $0x1  }
0x19: {  	s24 =	simm.s32 $0x1B8B  }
0x1a: {  	_ =	swait.ge [sflag:s24], $0x1  }
0x1b: {  	[sflag:s24] =	ssyncset.done $0x0  }
0x1c: {  	s26 =	simm.s32 $0x1B8E;
	s25 =	sld [smem:$0x3FFE];
	[sflag:s24] =	ssyncadd.s32 $0xFFFFFFFF  }
0x1d: {  	s27 =	simm.s32 $execute0_lowered;
	[smem:$0x3FD2] =	sst s26  }
0x1e: {  	s5 =	sshll.u32 s27, $0x1;
	_ =	strace $0x80000049;
	[dreg:$0x1] =	wrdreg $0xFFFFFFFF  }
0x1f: {  	s28 =	simm.s32 $_size_execute0_lowered;
	s3 =	sadd.s32 s3, s5;
	[dreg:$0x0] =	wrdreg $0x0  }
0x20: {  	s5 =	sshll.u32 s28, $0x1;
	[dreg:$0x2] =	wrdreg s3  }
0x21: {  	[dreg:$0x3] =	wrdreg s5  }
0x22: {  	[dreg:$0x4] =	wrdreg $0xC0  }
0x23: {  	_ =	task [dreg:s7], $0x5FFFF  }
0x24: {  	[dreg:$0x1] =	wrdreg $0xFFFFFFFF  }
0x25: {  	[dreg:$0x0] =	wrdreg $0x60  }
0x26: {  	[dreg:$0x2] =	wrdreg s25  }
0x27: {  	[dreg:$0x3] =	wrdreg s2  }
0x28: {  	[dreg:$0x4] =	wrdreg $0x9  }
0x29: {  	_ =	task.clear_ibuf [dreg:s7], $0x5FFFF;
	_ =	strace $0x90000049  }
0x2a: {  	s29 =	simm.s32 $0x9;
	_ =	strace $0x8000004B  }
0x2b: {  	_ =	swait.ge [sflag:s29], $0x1  }
0x2c: {  	[sflag:s29] =	ssyncadd.s32 $0xFFFFFFFF  }
0x2d: {  	_ =	strace $0x9000004B  }
0x2e: {  	_ =	sfence  }
0x2f: {  	s30 =	sld [smem:$0x0];
	_ =	sdelay $0x2  }
0x30: {  	s31 =	sshll.u32 s1, $0xD;
	s1 =	sshrl.u32 s1, $0x2  }
0x31: {  	s3 =	sand.u32 $0x4000, s31;
	s1 =	sadd.s32 s1, s30  }
0x32: {  	s0 =	sor.u32 s3, s0;
	s1 =	sshll.u32 s1, $0x11  }
0x33: {  	s0 =	sor.u32 s1, s0  }
0x34: {  	s0 =	sadd.s32 $0x8F2B, s0  }
0x35: {  	[sflag:s0] =	ssyncadd.remote.s32 $0x1  }
0x36: {  	_ =	sfence.sel $0xFFFF  }
0x37: {  	[dreg:$0x0] =	wrdreg $0xFFFFFFFF;
	(pc) =	sbr.abs _section_cstart, $3  }
0x38: {  	[dreg:$0x1] =	wrdreg $0xFFFFFFFF  }
0x39: {  	_ =	task.clear_ibuf [dreg:s7], $0x2FFFF;
	_ =	strace $0x9FFFFFFF  }
0x3a: {  	(tm) =	ssettm $0x7FFFFFFF  }
0x3b: {  	_ =	shalt  }
tec
execute0_lowered:
.L_overlay_start_1:
0x0: {  	(tag) =	ssettag $0x1  }
0x1: {  	s0 =	srdreg.scid  }
0x2: {  	s1 =	sshll.u32 s0, $0x4  }
0x3: {  	s0 =	stileid.u32;
	s1 =	sand.u32 $0x10, s1  }
0x4: {  	s1 =	sor.u32 s0, s1  }
0x5: {  	s6 =	rddreg [dreg:$0x0];
	s4 =	simm.s32 $0x1;
	s2 =	sshll.u32 s1, $0x7  }
0x6: {  	s7 =	simm.s32 $0x2;
	s12 =	simm.s32 $0x0;
	s1 =	ssub.s32 $0x4000, s2  }
0x7: {  	s8 =	simm.s32 $0x20000;
	s13 =	simm.s32 $0x0;
	s3 =	sand.u32 $0xF80, s1  }
0x8: {  	s9 =	simm.s32 $0x0;
	s5 =	sshrl.u32 s1, $0xC;
	p0 =	sne.s32 s3, $0x0  }
.Ltmp0:
0x9: {  	s1 =	rddreg [dreg:$0x2];
	s4 =	simm.s32 @!p0 $0x0;
	(pc) =	sbr.rel .LBB1_1-.Ltmp0, $4  }
0xa: {  	s11 =	simm.s32 $0x0;
	s3 =	rddreg [dreg:$0x1];
	s5 =	sadd.s32 s4, s5  }
0xb: {  	_ =	strace $0x8000004A;
	s4 =	simm.s32 $0x1;
	s5 =	smul.u32 $0x32, s5  }
0xc: {  	s6 =	sadd.s32 $0xA00, s6;
	s10 =	smov.u32 s2;
	[sflag:s4] =	ssyncpa.u1 $0x0  }
0xd: {  	p0 =	por $0x0, $0x0;
	[sflag:s7] =	ssyncpa.u1 $0x0;
	s7 =	sor.u32 $0x1, s5  }
.LBB1_4:
0xe: {  	s16 =	sshll.u32 s13, $0x3;
	s17 =	sand.u32 $0x78, s13  }
0xf: {  	s30 =	sand.u32 $0xF800, s13;
	s12 =	sshll.u32 s12, $0x10;
	s16 =	sand.u32 $0x3C00, s16  }
0x10: {  	s31 =	sand.u32 $0x7, s13;
	s16 =	sor.u32 s17, s16;
	s17 =	sadd.s32 s3, s30  }
0x11: {  	s13 =	sshll.u32 s31, $0x12;
	s16 =	sshrl.u32 s16, $0x3;
	s12 =	sadd.s32 s12, s17  }
0x12: {  	[tilespmem:s15+$0x0 ss:$0x81] =	vst.msk $0xffff, v0;
	s13 =	sor.u32 $0x400, s13;
	s12 =	sadd.s32 s16, s12  }
0x13: {  	[hbm4b:s12+s13] =	stream.strided.scatter [tilespmem:s14], [sflag:$0x2], $0x1000, s8, s13, $0x20;
	[tilespmem:$0x4040] =	vst v63  }
.LBB1_5:
0x14: {  	s14 =	sadd.s32 $0x1, s9  }
0x15: {  	s12 =	sadd.s32 $0x1000, s10;
	s16 =	smov.u32 s10;
	p2 =	sgt.s32 s14, $0x31  }
0x16: {  	s16 =	smov.u32 @p2 s12  }
0x17: {  	s14 =	simm.s32 @p2 $0x0;
	p2 =	sgt.s32 s16, $0x3FFF  }
0x18: {  	s16 =	smov.u32 @p2 s2;
	p2 =	sne.s32 s11, s7  }
.Ltmp1:
0x19: {  	p1 =	slt.u32 s11, $0x2;
	(pc) =	sbr.rel @!p2 .LBB1_6-.Ltmp1, $4  }
0x1a: {  	s15 =	simm.s32 @!p1 $0x2  }
0x1b: {  	s13 =	smov.u32 s10;
	p0 =	por !p0, !p0;
	_ =	swait.ge @!p1 [sflag:s15], $0x1000  }
0x1c: {  	s12 =	smov.u32 s9;
	[sflag:s15] =	ssyncset.done @!p1 $0x0;
	s9 =	smov.u32 s14  }
0x1d: {  	s11 =	sadd.s32 $0x1, s11;
	[sflag:s15] =	ssyncadd.s32 @!p1 $0xFFFFF000;
	s10 =	smov.u32 s16  }
.LBB1_1:
0x1e: {  	p1 =	sge.u32 s11, s5  }
0x1f: {  	s14 =	sand.u32 @!p1 $0x1FFFFFF, s9  }
0x20: {  	s15 =	smulhi.u32 @!p1 $0x4924925, s14;
	_ =	sdelay $0x1  }
0x21: {  	s15 =	smul.u32 @!p1 $0x38, s15  }
0x22: {  	s16 =	sxor.u32 @!p1 $0xFFFFFFFF, s11;
	s17 =	smul.u32 @!p1 $0x380, s10  }
0x23: {  	s31 =	sadd.s32 $0xFFFFFFFF, s11;
	s16 =	sshll.u32 @!p1 s16, $0xC;
	s14 =	ssub.s32 @!p1 s14, s15  }
0x24: {  	s15 =	sand.u32 @!p1 $0x1000, s16;
	s16 =	sadd.s32 @!p1 s6, s17;
	s14 =	sshll.u32 @!p1 s14, $0x4  }
0x25: {  	s17 =	simm.s32 @!p1 $0x1C00;
	s14 =	sadd.s32 @!p1 s14, s16;
	s16 =	simm.s32 @!p1 $0x20  }
0x26: {  	[tilespmem:s15], [sflag:$0x1] =	stream.strided.gather @!p1 [hbm4b:s14+s16], $0x1000, s17, s16, $0x38;
	[tilespmem:$0x4040] =	vst v63  }
0x27: {  	p1 =	sge.u32 s31, s5  }
.Ltmp2:
0x28: {  	_ = 	snop;
	(pc) =	sbr.rel @p1 .LBB1_5-.Ltmp2, $1  }
0x29: {  	_ =	sdelay $0x3  }
0x2a: {  	s14 =	simm.s32 $0x1  }
0x2b: {  	_ =	swait.ge [sflag:s4], $0x1000;
	s14 =	simm.s32 @!p0 $0x0  }
0x2c: {  	[sflag:s4] =	ssyncset.done $0x0;
	s15 =	sshll.u32 s14, $0xC  }
0x2d: {  	[sflag:s4] =	ssyncadd.s32 $0xFFFFF000;
	s18 =	sor.u32 $0x10, s15  }
0x2e: {  	s14 =	smul.u32 $0x4080, s14;
	v1 =	vld [tilespmem:s18+$0x0]  }
0x2f: {  	s30 =	sand.u32 $0x1, s11;
	v0 =	vld [tilespmem:s18+$0xFFFFFFF0]  }
0x30: {  	s15 =	smul.u32 $0x4080, s30;
	s14 =	sshrl.u32 s14, $0x2  }
0x31: {  	s16 =	sor.u32 $0x2000, s14  }
0x32: {  	s31 =	sshrl.u32 s15, $0x2;
	s15 =	sadd.s32 $0x0, s16  }
0x33: {  	s17 =	simm.s32 $0x4;
	s18 =	sadd.s32 $0x20, s18;
	s14 =	sor.u32 $0x2000, s31;
	[tilespmem:s15+$0x810 ss:$0x81] =	vst.msk $0xffff, v1  }
.LBB1_3:
0x34: {  	v1 =	vld [tilespmem:s18+$0x0];
	p1 =	sne.s32 s17, $0x1FC;
	[tilespmem:s15+$0x0 ss:$0x81] =	vst.msk $0xffff, v0;
	s15 =	smov.u32 s17;
	s17 =	sadd.s32 $0x4, s17  }
.Ltmp3:
0x35: {  	v0 =	vld [tilespmem:s18+$0xFFFFFFF0];
	(pc) =	sbr.rel @p1 .LBB1_3-.Ltmp3, $4  }
0x36: {  	_ = 	snop  }
0x37: {  	s15 =	sshra.s32 s15, $0x2  }
0x38: {  	s15 =	sadd.s32 s15, s16  }
0x39: {  	s18 =	sadd.s32 $0x20, s18;
	[tilespmem:s15+$0x810 ss:$0x81] =	vst.msk $0xffff, v1  }
.Ltmp4:
0x3a: {  	_ = 	snop;
	(pc) =	sbr.rel .LBB1_4-.Ltmp4, $1  }
0x3b: {  	_ =	sdelay $0x3  }
.LBB1_6:
0x3c: {  	_ =	sfence.sel $0x180000  }
0x3d: {  	s2 =	simm.s32 $0x1;
	[bflag:$0x0] =	sbarrier.arrive $0xFFFF  }
0x3e: {  	s31 =	simm.s32 $0x2;
	[sflag:s2] =	ssyncpa.u1 $0x1  }
0x3f: {  	[sflag:s31] =	ssyncpa.u1 $0x1  }
0x40: {  	p0 =	sne.s32 s0, $0x0;
	_ =	strace $0x9000004A  }
0x41: {  	s0 =	sadd.s32 @!p0 $0x100000, s1;
	[bflag:$0x2] =	sbarrier.arrive $0xFFFF  }
0x42: {  	[sflag:s0] =	ssyncadd.tile.s32 @!p0 $0x1;
	_ =	shalt  }
.Lfunc_end1:
_tile_overlayer_lowered:
.L_overlay_start_2:
0x43: {  	(tag) =	ssettag $0x2  }
0x44: {  	s0 =	rddreg [dreg:$0x0];
	s2 =	stileid.u32  }
0x45: {  	s1 =	rddreg [dreg:$0x1];
	p0 =	sne.s32 s2, $0x0  }
0x46: {  	s3 =	rddreg [dreg:$0x2];
	[bflag:$0x3] =	sbarrier.arrive $0xFFFF;
	s2 =	simm.s32 @!p0 $0x1C01  }
0x47: {  	[timem:s3], [sflag:s2] =	dma.local @!p0 [hbm:s0], s1  }
0x48: {  	s0 =	simm.s32 @!p0 $0x1  }
0x49: {  	_ =	swait.ge @!p0 [sflag:s0], s1  }
0x4a: {  	s1 =	ssub.s32 @!p0 $0x0, s1;
	[sflag:s0] =	ssyncset.done @!p0 $0x0  }
0x4b: {  	[sflag:s0] =	ssyncadd.s32 @!p0 s1  }
0x4c: {  	[bflag:$0x3] =	sbarrier.arrive $0xFFFF  }
0x4d: {  	_ =	shalt  }

</sc_bundles>
